<compile_context>
chip_gen: v7x
topology: tpu7x:2x2x1
jax: 0.10.2.dev20260603
libtpu: 0.0.44.dev20260713+nightly
codegen_flags: <defaults>
</compile_context>

<pallas_src>
import functools

import numpy as np

import jax
import jax.numpy as jnp
from jax import lax
from jax.experimental import pallas as pl
from jax.experimental.pallas import tpu as pltpu
from jax.experimental.pallas import tpu_sc as plsc

N = 10000
E = 80000
R = 4
NB = 8
DIN = 128
DOUT = 128
DAUG = 144

NC = 2
NS = 16
CH = 64
CPS = 80
EPAD = NS * CPS * CH
NBUF = 2
RPC = R // NC
NPAD = 10112
ZROWS = NPAD // NS
WLAST = N - (NS - 1) * ZROWS

TN = 2000


def _sc_agg_body(xaug, rows, cols, zeros, out_feat, out_deg, *scr):
    gbufs = list(scr[0:NBUF])
    s_acc = scr[NBUF]
    sems_g = list(scr[NBUF + 1:2 * NBUF + 1])
    sems_s = list(scr[2 * NBUF + 1:3 * NBUF + 1])
    sems_i = list(scr[3 * NBUF + 1:4 * NBUF + 1])
    sems_r = list(scr[4 * NBUF + 1:5 * NBUF + 1])
    cidxs = list(scr[5 * NBUF + 1:6 * NBUF + 1])
    ridxs = list(scr[6 * NBUF + 1:7 * NBUF + 1])
    sbufs = list(scr[7 * NBUF + 1:8 * NBUF + 1])
    cid = lax.axis_index("c")
    sid = lax.axis_index("s")

    dvec = jnp.where(lax.iota(jnp.int32, 16) == 0, 1.0, 0.0)
    for b in range(NBUF):
        def init_row(i, carry, _b=b):
            sbufs[_b][i, pl.ds(DIN, DAUG - DIN)] = dvec
            return carry
        lax.fori_loop(0, CH, init_row, 0)

    def issue_cidx(r, k, b):
        pltpu.async_copy(cols.at[r, sid * CPS + k], cidxs[b], sems_i[b])

    def wait_cidx(r, b):
        pltpu.make_async_copy(cols.at[r, 0], cidxs[b], sems_i[b]).wait()

    def issue_ridx(r, k, b):
        pltpu.async_copy(rows.at[r, sid * CPS + k], ridxs[b], sems_r[b])

    def wait_ridx(r, b):
        pltpu.make_async_copy(rows.at[r, 0], ridxs[b], sems_r[b]).wait()

    def issue_g(b):
        pltpu.async_copy(xaug.at[cidxs[b]], gbufs[b], sems_g[b])

    def wait_g(b):
        pltpu.make_async_copy(xaug.at[cidxs[b]], gbufs[b], sems_g[b]).wait()

    def issue_s(s_acc, b):
        pltpu.async_copy(sbufs[b], s_acc.at[ridxs[b]], sems_s[b], add=True)

    def wait_s(s_acc, b):
        pltpu.make_async_copy(sbufs[b], s_acc.at[ridxs[b]], sems_s[b]).wait()

    def convert(b):
        def conv_row(i, carry):
            for j in range(DIN // 32):
                w = gbufs[b][i, pl.ds(32 * j, 32)]
                lo, hi = plsc.unpack(w, format=plsc.PackFormat.INTERLEAVED)
                sbufs[b][i, pl.ds(32 * j, 16)] = lo
                sbufs[b][i, pl.ds(32 * j + 16, 16)] = hi
            return carry
        lax.fori_loop(0, CH, conv_row, 0)

    for rr in range(RPC):
        r = cid * RPC + rr
        for j in range(NBUF - 1):
            issue_cidx(r, j, j)
            issue_ridx(r, j, j)
            wait_cidx(r, j)
            issue_g(j)
        issue_cidx(r, NBUF - 1, NBUF - 1)
        pltpu.sync_copy(zeros, s_acc.at[pl.ds(sid * ZROWS, ZROWS)])
        plsc.subcore_barrier()

        def group(kb, carry):
            for b in range(NBUF):
                k = kb * NBUF + b
                bp = (b + NBUF - 1) % NBUF

                @pl.when(k + NBUF - 1 < CPS)
                def _():
                    @pl.when(k >= 1)
                    def _():
                        wait_s(s_acc, bp)

                    issue_ridx(r, k + NBUF - 1, bp)
                    wait_cidx(r, bp)
                    issue_g(bp)

                wait_g(b)
                convert(b)
                wait_ridx(r, b)
                issue_s(s_acc, b)

                @pl.when(k + NBUF < CPS)
                def _():
                    issue_cidx(r, k + NBUF, b)
            return carry

        lax.fori_loop(0, CPS // NBUF, group, 0)
        for b in range(NBUF):
            wait_s(s_acc, b)
        plsc.subcore_barrier()

        @pl.when(sid < NS - 1)
        def _():
            pltpu.sync_copy(s_acc.at[pl.ds(sid * ZROWS, ZROWS), pl.ds(0, DIN)],
                            out_feat.at[r, pl.ds(sid * ZROWS, ZROWS)])
            pltpu.sync_copy(
                s_acc.at[pl.ds(sid * ZROWS, ZROWS), pl.ds(DIN, DAUG - DIN)],
                out_deg.at[r, pl.ds(sid * ZROWS, ZROWS)])

        @pl.when(sid == NS - 1)
        def _():
            pltpu.sync_copy(
                s_acc.at[pl.ds((NS - 1) * ZROWS, WLAST), pl.ds(0, DIN)],
                out_feat.at[r, pl.ds((NS - 1) * ZROWS, WLAST)])
            pltpu.sync_copy(
                s_acc.at[pl.ds((NS - 1) * ZROWS, WLAST), pl.ds(DIN, DAUG - DIN)],
                out_deg.at[r, pl.ds((NS - 1) * ZROWS, WLAST)])

        plsc.subcore_barrier()


@functools.cache
def _sc_agg():
    return pl.kernel(
        _sc_agg_body,
        out_type=(jax.ShapeDtypeStruct((R, N, DIN), jnp.float32),
                  jax.ShapeDtypeStruct((R, N, DAUG - DIN), jnp.float32)),
        mesh=plsc.VectorSubcoreMesh(core_axis_name="c", subcore_axis_name="s"),
        compiler_params=pltpu.CompilerParams(use_tc_tiling_on_sc=False,
                                             needs_layout_passes=False),
        scratch_types=(
            [pltpu.VMEM((CH, DIN), jnp.bfloat16)] * NBUF
            + [pltpu.VMEM_SHARED((NPAD, DAUG), jnp.float32)]
            + [pltpu.SemaphoreType.DMA] * (4 * NBUF)
            + [pltpu.VMEM((CH,), jnp.int32)] * (2 * NBUF)
            + [pltpu.VMEM((CH, DAUG), jnp.float32)] * NBUF
        ),
    )


def _softplus(x):
    m = jnp.maximum(x, 0.0)
    return m + jnp.log(jnp.exp(x - m) + jnp.exp(-m))


def _tc_body(s_ref, d_ref, wra_ref, wrb_ref, wba_ref, wbb_ref, ba_ref, bb_ref,
             alpha_ref, beta_ref, wa_scr, wb_scr):
    @pl.when(pl.program_id(0) == 0)
    def _():
        for r in range(R):
            wa = jnp.zeros((DIN, DOUT), jnp.float32)
            wb = jnp.zeros((DIN, DOUT), jnp.float32)
            for b in range(NB):
                wa = wa + wra_ref[r, b] * wba_ref[b]
                wb = wb + wrb_ref[r, b] * wbb_ref[b]
            wa_scr[r] = wa
            wb_scr[r] = wb

    ya = jnp.zeros((TN, DOUT), jnp.float32)
    yb = jnp.zeros((TN, DOUT), jnp.float32)
    for r in range(R):
        deg = jnp.sum(d_ref[r], axis=1, keepdims=True)
        t = s_ref[r] * (1.0 / (deg + 1e-8))
        ya = ya + jnp.dot(t, wa_scr[r], preferred_element_type=jnp.float32)
        yb = yb + jnp.dot(t, wb_scr[r], preferred_element_type=jnp.float32)
    xa = jnp.maximum(ya, 0.0) + ba_ref[...]
    xb = jnp.maximum(yb, 0.0) + bb_ref[...]
    alpha_ref[...] = 1.01 + _softplus(xa)
    beta_ref[...] = 1.01 + _softplus(xb)


_tc_combine = pl.pallas_call(
    _tc_body,
    grid=(N // TN,),
    in_specs=[
        pl.BlockSpec((R, TN, DIN), lambda i: (0, i, 0)),
        pl.BlockSpec((R, TN, DAUG - DIN), lambda i: (0, i, 0)),
        pl.BlockSpec(memory_space=pltpu.SMEM),
        pl.BlockSpec(memory_space=pltpu.SMEM),
        pl.BlockSpec((NB, DIN, DOUT), lambda i: (0, 0, 0)),
        pl.BlockSpec((NB, DIN, DOUT), lambda i: (0, 0, 0)),
        pl.BlockSpec((1, DOUT), lambda i: (0, 0)),
        pl.BlockSpec((1, DOUT), lambda i: (0, 0)),
    ],
    out_specs=[
        pl.BlockSpec((TN, DOUT), lambda i: (i, 0)),
        pl.BlockSpec((TN, DOUT), lambda i: (i, 0)),
    ],
    out_shape=[
        jax.ShapeDtypeStruct((N, DOUT), jnp.float32),
        jax.ShapeDtypeStruct((N, DOUT), jnp.float32),
    ],
    scratch_shapes=[
        pltpu.VMEM((R, DIN, DOUT), jnp.float32),
        pltpu.VMEM((R, DIN, DOUT), jnp.float32),
    ],
)


def kernel(X, w_bases_alpha, w_rel_alpha, w_bases_beta, w_rel_beta,
           bias_alpha, bias_beta, edge_index):
    Xs = jnp.nan_to_num(X, nan=0.0)
    perm = np.empty((DIN,), np.int32)
    for j in range(DIN // 32):
        for l in range(16):
            perm[32 * j + 2 * l] = 32 * j + l
            perm[32 * j + 2 * l + 1] = 32 * j + 16 + l
    xaug = Xs[:, perm].astype(jnp.bfloat16)
    pad = EPAD - E
    rows = jnp.concatenate(
        [edge_index[:, 0, :], jnp.full((R, pad), N, jnp.int32)],
        axis=1).reshape(R, EPAD // CH, CH)
    cols = jnp.concatenate(
        [edge_index[:, 1, :], jnp.zeros((R, pad), jnp.int32)],
        axis=1).reshape(R, EPAD // CH, CH)
    zeros = jnp.zeros((ZROWS, DAUG), jnp.float32)

    s, d = _sc_agg()(xaug, rows, cols, zeros)
    alpha, beta = _tc_combine(
        s, d, w_rel_alpha, w_rel_beta, w_bases_alpha, w_bases_beta,
        bias_alpha.reshape(1, DOUT), bias_beta.reshape(1, DOUT))
    return (alpha, beta)

# --- scband reference (transcript-rebuilt; emitter-appended) ---
"""Pipeline reference for scband-beta-mperlgraph-conv-layer-73143293050932 (READ-ONLY COPY).

The authoritative reference and input builder live on the scoring server;
editing this copy changes nothing except your own understanding.
"""

import jax, jax.numpy as jnp
import numpy as np

N = 10000
E = 80000
R = 4
NB = 8
DIN = 128
DOUT = 128


def _xavier(key, shape, gain):
    # torch xavier_uniform fan calc for 3D (b, i, o): fan_in = i*o, fan_out = b*o; for 2D (r,b): fan_in=b, fan_out=r
    if len(shape) == 3:
        fan_in = shape[1] * shape[2]
        fan_out = shape[0] * shape[2]
    else:
        fan_in = shape[1]
        fan_out = shape[0]
    a = gain * float(np.sqrt(6.0 / (fan_in + fan_out)))
    return jax.random.uniform(key, shape, dtype=jnp.float32, minval=-a, maxval=a)


def setup_inputs(seed: int = 0) -> dict:
    key = jax.random.key(seed)
    ks = jax.random.split(key, 8)
    X = jax.random.normal(ks[0], (N, DIN), dtype=jnp.float32)
    edge_index = jax.random.randint(ks[1], (R, 2, E), 0, N, dtype=jnp.int32)
    w_bases_alpha = _xavier(ks[2], (NB, DIN, DOUT), 0.8)
    w_rel_alpha = _xavier(ks[3], (R, NB), 0.8)
    w_bases_beta = _xavier(ks[4], (NB, DIN, DOUT), 1.2)
    w_rel_beta = _xavier(ks[5], (R, NB), 1.2)
    bias_alpha = jnp.full((DOUT,), 0.2, dtype=jnp.float32)
    bias_beta = jnp.full((DOUT,), 0.3, dtype=jnp.float32)
    return {
        "X": X,
        "w_bases_alpha": w_bases_alpha,
        "w_rel_alpha": w_rel_alpha,
        "w_bases_beta": w_bases_beta,
        "w_rel_beta": w_rel_beta,
        "bias_alpha": bias_alpha,
        "bias_beta": bias_beta,
        "edge_index": edge_index,
    }


def reference(X, w_bases_alpha, w_rel_alpha, w_bases_beta, w_rel_beta, bias_alpha, bias_beta, edge_index):
    Nn = X.shape[0]
    Xs = jnp.nan_to_num(X, nan=0.0)
    # basis decomposition: relation-specific weights
    w_alpha = jnp.einsum('rb,bio->rio', w_rel_alpha, w_bases_alpha)
    w_beta = jnp.einsum('rb,bio->rio', w_rel_beta, w_bases_beta)
    supports = []
    num_rel = edge_index.shape[0]
    for i in range(num_rel):
        row = edge_index[i, 0]
        col = edge_index[i, 1]
        ones = jnp.ones((row.shape[0],), dtype=jnp.float32)
        row_sum = jax.ops.segment_sum(ones, row, num_segments=Nn)
        norm = 1.0 / (row_sum + 1e-8)
        # row-normalized sparse matmul A_norm @ X: gather source feats, scale by dst norm, scatter-add
        msg = Xs[col] * norm[row][:, None]
        supports.append(jax.ops.segment_sum(msg, row, num_segments=Nn))
    tmp = jnp.concatenate(supports, axis=1)
    wa = w_alpha.reshape(-1, w_alpha.shape[-1])
    wb = w_beta.reshape(-1, w_beta.shape[-1])
    out_alpha = jax.nn.relu(tmp @ wa)
    out_beta = jax.nn.relu(tmp @ wb)
    out_alpha = out_alpha + bias_alpha[None, :]
    out_beta = out_beta + bias_beta[None, :]
    alpha = 1.01 + jax.nn.softplus(out_alpha)
    beta = 1.01 + jax.nn.softplus(out_beta)
    return (alpha, beta)

if __name__ == "__main__":
    import jax
    _d = setup_inputs()
    print(jax.jit(kernel)(*tuple(_d.values())))

</pallas_src>

<mosaic_0001>
#map = affine_map<(d0, d1) -> (0, 0)>
#map1 = affine_map<(d0, d1) -> (0, 0, 0)>
module attributes {stable_mosaic.version = 14 : i64} {
  func.func @_sc_agg_body(%arg0: i32, %arg1: i32, %arg2: memref<10000x128xbf16, #tpu.memory_space<hbm>>, %arg3: memref<4x1280x64xi32, #tpu.memory_space<hbm>>, %arg4: memref<4x1280x64xi32, #tpu.memory_space<hbm>>, %arg5: memref<632x144xf32, #tpu.memory_space<hbm>>, %arg6: memref<4x10000x128xf32, #tpu.memory_space<hbm>>, %arg7: memref<4x10000x16xf32, #tpu.memory_space<hbm>>, %arg8: memref<64x128xbf16, #tpu.memory_space<vmem>>, %arg9: memref<64x128xbf16, #tpu.memory_space<vmem>>, %arg10: memref<10112x144xf32, #tpu.memory_space<vmem_shared>>, %arg11: memref<!tpu.dma_semaphore, #tpu.memory_space<semaphore_mem>>, %arg12: memref<!tpu.dma_semaphore, #tpu.memory_space<semaphore_mem>>, %arg13: memref<!tpu.dma_semaphore, #tpu.memory_space<semaphore_mem>>, %arg14: memref<!tpu.dma_semaphore, #tpu.memory_space<semaphore_mem>>, %arg15: memref<!tpu.dma_semaphore, #tpu.memory_space<semaphore_mem>>, %arg16: memref<!tpu.dma_semaphore, #tpu.memory_space<semaphore_mem>>, %arg17: memref<!tpu.dma_semaphore, #tpu.memory_space<semaphore_mem>>, %arg18: memref<!tpu.dma_semaphore, #tpu.memory_space<semaphore_mem>>, %arg19: memref<64xi32, #tpu.memory_space<vmem>>, %arg20: memref<64xi32, #tpu.memory_space<vmem>>, %arg21: memref<64xi32, #tpu.memory_space<vmem>>, %arg22: memref<64xi32, #tpu.memory_space<vmem>>, %arg23: memref<64x144xf32, #tpu.memory_space<vmem>>, %arg24: memref<64x144xf32, #tpu.memory_space<vmem>>) attributes {dimension_semantics = [#tpu.dimension_semantics<core_parallel>, #tpu.dimension_semantics<subcore_parallel>], iteration_bounds = array<i64: 2, 16>, scalar_prefetch = 0 : i64, scratch_operands = 17 : i64, tpu.core_type = #tpu.core_type<sc_vector_subcore>, window_params = [{transform_indices = #map}, {transform_indices = #map1}, {transform_indices = #map1}, {transform_indices = #map}, {transform_indices = #map1}, {transform_indices = #map1}]} {
    %iota3A = tpu.iota {dimensions = array<i32: 0>} : vector<16xi32>
    %eq3A = arith.constant 0 : i32
    %eq3A_0 = vector.broadcast %eq3A : i32 to vector<16xi32>
    %eq3A_1 = arith.cmpi eq, %iota3A, %eq3A_0 : vector<16xi32>
    %jit3A = arith.constant 1.000000e+00 : f32
    %jit3A_2 = arith.constant 0.000000e+00 : f32
    %broadcast_in_dim3A = vector.broadcast %jit3A : f32 to vector<16xf32>
    %broadcast_in_dim3A_3 = vector.broadcast %jit3A_2 : f32 to vector<16xf32>
    %select_n3A = arith.select %eq3A_1, %broadcast_in_dim3A, %broadcast_in_dim3A_3 : vector<16xi1>, vector<16xf32>
    %scan3A = arith.constant 0 : i32
    %scan3A_4 = arith.constant 0 : i32
    %scan3A_5 = arith.constant 64 : i32
    %scan3A_6 = arith.addi %scan3A_4, %scan3A_5 : i32
    %scan3A_7 = arith.constant 1 : i32
    scf.for %scan3A_149 = %scan3A_4 to %scan3A_6 step %scan3A_7  : i32 {
      %swap3A = arith.index_cast %scan3A_149 : i32 to index
      %swap3A_150 = arith.constant 128 : index
      %swap3A_151 = tpu.vector_load %arg23[%swap3A, %swap3A_150] {strides = array<i32>} : memref<64x144xf32, #tpu.memory_space<vmem>>, vector<16xf32>,
      tpu.vector_store %arg23[%swap3A, %swap3A_150], %select_n3A {strides = array<i32>} : memref<64x144xf32, #tpu.memory_space<vmem>>, vector<16xf32>,
    }
    %scan3A_8 = arith.constant 64 : i32
    %scan3A_9 = arith.constant 0 : i32
    %scan3A_10 = arith.constant 0 : i32
    %scan3A_11 = arith.constant 64 : i32
    %scan3A_12 = arith.addi %scan3A_10, %scan3A_11 : i32
    %scan3A_13 = arith.constant 1 : i32
    scf.for %scan3A_149 = %scan3A_10 to %scan3A_12 step %scan3A_13  : i32 {
      %swap3A = arith.index_cast %scan3A_149 : i32 to index
      %swap3A_150 = arith.constant 128 : index
      %swap3A_151 = tpu.vector_load %arg24[%swap3A, %swap3A_150] {strides = array<i32>} : memref<64x144xf32, #tpu.memory_space<vmem>>, vector<16xf32>,
      tpu.vector_store %arg24[%swap3A, %swap3A_150], %select_n3A {strides = array<i32>} : memref<64x144xf32, #tpu.memory_space<vmem>>, vector<16xf32>,
    }
    %scan3A_14 = arith.constant 64 : i32
    %mul3A = arith.constant 2 : i32
    %mul3A_15 = arith.muli %arg0, %mul3A : i32
    %add3A = arith.constant 0 : i32
    %add3A_16 = arith.addi %mul3A_15, %add3A : i32
    %mul3A_17 = arith.constant 80 : i32
    %mul3A_18 = arith.muli %arg1, %mul3A_17 : i32
    %add3A_19 = arith.constant 0 : i32
    %add3A_20 = arith.addi %mul3A_18, %add3A_19 : i32
    %dma_start3A = arith.constant 0 : i32
    %dma_start3A_21 = tpu.memref_slice %arg4[%add3A_16, %add3A_20, %dma_start3A] : memref<4x1280x64xi32, #tpu.memory_space<hbm>> -> memref<1x1x64xi32, #tpu.memory_space<hbm>>
    %dma_start3A_22 = tpu.memref_squeeze %dma_start3A_21 : memref<1x1x64xi32, #tpu.memory_space<hbm>> -> memref<64xi32, #tpu.memory_space<hbm>>
    %dma_start3A_23 = arith.constant 0 : i32
    %dma_start3A_24 = tpu.memref_slice %arg4[%add3A_16, %add3A_20, %dma_start3A_23] : memref<4x1280x64xi32, #tpu.memory_space<hbm>> -> memref<1x1x64xi32, #tpu.memory_space<hbm>>
    %dma_start3A_25 = tpu.memref_squeeze %dma_start3A_24 : memref<1x1x64xi32, #tpu.memory_space<hbm>> -> memref<64xi32, #tpu.memory_space<hbm>>
    tpu.enqueue_dma source(%dma_start3A_25 : memref<64xi32, #tpu.memory_space<hbm>>) target(%arg19 : memref<64xi32, #tpu.memory_space<vmem>>) target_semaphore(%arg15 : memref<!tpu.dma_semaphore, #tpu.memory_space<semaphore_mem>>)
    %mul3A_26 = arith.constant 80 : i32
    %mul3A_27 = arith.muli %arg1, %mul3A_26 : i32
    %add3A_28 = arith.constant 0 : i32
    %add3A_29 = arith.addi %mul3A_27, %add3A_28 : i32
    %dma_start3A_30 = arith.constant 0 : i32
    %dma_start3A_31 = tpu.memref_slice %arg3[%add3A_16, %add3A_29, %dma_start3A_30] : memref<4x1280x64xi32, #tpu.memory_space<hbm>> -> memref<1x1x64xi32, #tpu.memory_space<hbm>>
    %dma_start3A_32 = tpu.memref_squeeze %dma_start3A_31 : memref<1x1x64xi32, #tpu.memory_space<hbm>> -> memref<64xi32, #tpu.memory_space<hbm>>
    %dma_start3A_33 = arith.constant 0 : i32
    %dma_start3A_34 = tpu.memref_slice %arg3[%add3A_16, %add3A_29, %dma_start3A_33] : memref<4x1280x64xi32, #tpu.memory_space<hbm>> -> memref<1x1x64xi32, #tpu.memory_space<hbm>>
    %dma_start3A_35 = tpu.memref_squeeze %dma_start3A_34 : memref<1x1x64xi32, #tpu.memory_space<hbm>> -> memref<64xi32, #tpu.memory_space<hbm>>
    tpu.enqueue_dma source(%dma_start3A_35 : memref<64xi32, #tpu.memory_space<hbm>>) target(%arg21 : memref<64xi32, #tpu.memory_space<vmem>>) target_semaphore(%arg17 : memref<!tpu.dma_semaphore, #tpu.memory_space<semaphore_mem>>)
    %dma_wait3A = arith.constant 0 : i32
    %dma_wait3A_36 = arith.constant 0 : i32
    %dma_wait3A_37 = tpu.memref_slice %arg4[%add3A_16, %dma_wait3A, %dma_wait3A_36] : memref<4x1280x64xi32, #tpu.memory_space<hbm>> -> memref<1x1x64xi32, #tpu.memory_space<hbm>>
    %dma_wait3A_38 = tpu.memref_squeeze %dma_wait3A_37 : memref<1x1x64xi32, #tpu.memory_space<hbm>> -> memref<64xi32, #tpu.memory_space<hbm>>
    %dma_wait3A_39 = arith.constant 0 : i32
    %dma_wait3A_40 = tpu.memref_slice %arg4[%add3A_16, %dma_wait3A, %dma_wait3A_39] : memref<4x1280x64xi32, #tpu.memory_space<hbm>> -> memref<1x1x64xi32, #tpu.memory_space<hbm>>
    %dma_wait3A_41 = tpu.memref_squeeze %dma_wait3A_40 : memref<1x1x64xi32, #tpu.memory_space<hbm>> -> memref<64xi32, #tpu.memory_space<hbm>>
    tpu.wait_dma2 semaphore(%arg15 : memref<!tpu.dma_semaphore, #tpu.memory_space<semaphore_mem>>) src(%dma_wait3A_41 : memref<64xi32, #tpu.memory_space<hbm>>) dst(%arg19 : memref<64xi32, #tpu.memory_space<vmem>>)
    %dma_start3A_42 = arith.constant 0 : i32
    %dma_start3A_43 = arith.constant 0 : i32
    %dma_start3A_44 = tpu.memref_slice %arg2[%dma_start3A_42, %dma_start3A_43] : memref<10000x128xbf16, #tpu.memory_space<hbm>> -> memref<10000x128xbf16, #tpu.memory_space<hbm>>
    tpu.enqueue_indirect_dma source(%dma_start3A_44 : memref<10000x128xbf16, #tpu.memory_space<hbm>>) target(%arg8 : memref<64x128xbf16, #tpu.memory_space<vmem>>) offsets(%arg19 : memref<64xi32, #tpu.memory_space<vmem>>) semaphore(%arg11 : memref<!tpu.dma_semaphore, #tpu.memory_space<semaphore_mem>>)
    %mul3A_45 = arith.constant 80 : i32
    %mul3A_46 = arith.muli %arg1, %mul3A_45 : i32
    %add3A_47 = arith.constant 1 : i32
    %add3A_48 = arith.addi %mul3A_46, %add3A_47 : i32
    %dma_start3A_49 = arith.constant 0 : i32
    %dma_start3A_50 = tpu.memref_slice %arg4[%add3A_16, %add3A_48, %dma_start3A_49] : memref<4x1280x64xi32, #tpu.memory_space<hbm>> -> memref<1x1x64xi32, #tpu.memory_space<hbm>>
    %dma_start3A_51 = tpu.memref_squeeze %dma_start3A_50 : memref<1x1x64xi32, #tpu.memory_space<hbm>> -> memref<64xi32, #tpu.memory_space<hbm>>
    %dma_start3A_52 = arith.constant 0 : i32
    %dma_start3A_53 = tpu.memref_slice %arg4[%add3A_16, %add3A_48, %dma_start3A_52] : memref<4x1280x64xi32, #tpu.memory_space<hbm>> -> memref<1x1x64xi32, #tpu.memory_space<hbm>>
    %dma_start3A_54 = tpu.memref_squeeze %dma_start3A_53 : memref<1x1x64xi32, #tpu.memory_space<hbm>> -> memref<64xi32, #tpu.memory_space<hbm>>
    tpu.enqueue_dma source(%dma_start3A_54 : memref<64xi32, #tpu.memory_space<hbm>>) target(%arg20 : memref<64xi32, #tpu.memory_space<vmem>>) target_semaphore(%arg16 : memref<!tpu.dma_semaphore, #tpu.memory_space<semaphore_mem>>)
    %mul3A_55 = arith.constant 632 : i32
    %mul3A_56 = arith.muli %arg1, %mul3A_55 : i32
    "tpu.region"() ({
      %run_scoped3A = tpu.sem_alloc : memref<!tpu.dma_semaphore, #tpu.memory_space<semaphore_mem>>
      %dma_start3A_149 = arith.constant 0 : i32
      %dma_start3A_150 = tpu.memref_slice %arg10[%mul3A_56, %dma_start3A_149] : memref<10112x144xf32, #tpu.memory_space<vmem_shared>> -> memref<632x144xf32, #tpu.memory_space<vmem_shared>>
      tpu.enqueue_dma source(%arg5 : memref<632x144xf32, #tpu.memory_space<hbm>>) target(%dma_start3A_150 : memref<632x144xf32, #tpu.memory_space<vmem_shared>>) target_semaphore(%run_scoped3A : memref<!tpu.dma_semaphore, #tpu.memory_space<semaphore_mem>>)
      %dma_wait3A_151 = arith.constant 0 : i32
      %dma_wait3A_152 = tpu.memref_slice %arg10[%mul3A_56, %dma_wait3A_151] : memref<10112x144xf32, #tpu.memory_space<vmem_shared>> -> memref<632x144xf32, #tpu.memory_space<vmem_shared>>
      tpu.wait_dma2 semaphore(%run_scoped3A : memref<!tpu.dma_semaphore, #tpu.memory_space<semaphore_mem>>) src(%arg5 : memref<632x144xf32, #tpu.memory_space<hbm>>) dst(%dma_wait3A_152 : memref<632x144xf32, #tpu.memory_space<vmem_shared>>)
      tpu.yield
    }) : () -> ()
    %barrier3A = arith.constant 0 : index
    tpu.barrier barrier_id(%barrier3A)
    %scan3A_57 = arith.constant 0 : i32
    %scan3A_58 = arith.constant 0 : i32
    %scan3A_59 = arith.constant 40 : i32
    %scan3A_60 = arith.addi %scan3A_58, %scan3A_59 : i32
    %scan3A_61 = arith.constant 1 : i32
    scf.for %scan3A_149 = %scan3A_58 to %scan3A_60 step %scan3A_61  : i32 {
      %mul3A_150 = arith.constant 2 : i32
      %mul3A_151 = arith.muli %scan3A_149, %mul3A_150 : i32
      %add3A_152 = arith.constant 0 : i32
      %add3A_153 = arith.addi %mul3A_151, %add3A_152 : i32
      %add3A_154 = arith.constant 2 : i32
      %add3A_155 = arith.addi %add3A_153, %add3A_154 : i32
      %sub3A = arith.constant 1 : i32
      %sub3A_156 = arith.subi %add3A_155, %sub3A : i32
      %lt3A_157 = arith.constant 80 : i32
      %lt3A_158 = arith.cmpi slt, %sub3A_156, %lt3A_157 : i32
      %convert_element_type3A_159 = arith.extui %lt3A_158 : i1 to i32
      %cond3A_160 = arith.constant 0 : i32
      %cond3A_161 = arith.cmpi ne, %convert_element_type3A_159, %cond3A_160 : i32
      scf.if %cond3A_161 {
        %ge3A = arith.constant 1 : i32
        %ge3A_227 = arith.cmpi sge, %add3A_153, %ge3A : i32
        %convert_element_type3A_228 = arith.extui %ge3A_227 : i1 to i32
        %cond3A_229 = arith.constant 0 : i32
        %cond3A_230 = arith.cmpi ne, %convert_element_type3A_228, %cond3A_229 : i32
        scf.if %cond3A_230 {
          %dma_wait3A_254 = arith.constant 0 : i32
          %dma_wait3A_255 = arith.constant 0 : i32
          %dma_wait3A_256 = tpu.memref_slice %arg10[%dma_wait3A_254, %dma_wait3A_255] : memref<10112x144xf32, #tpu.memory_space<vmem_shared>> -> memref<10112x144xf32, #tpu.memory_space<vmem_shared>>
          tpu.wait_indirect_dma semaphore(%arg14 : memref<!tpu.dma_semaphore, #tpu.memory_space<semaphore_mem>>) src(%arg24 : memref<64x144xf32, #tpu.memory_space<vmem>>) dst(%dma_wait3A_256 : memref<10112x144xf32, #tpu.memory_space<vmem_shared>>)
        } else {
        }
        %add3A_231 = arith.constant 2 : i32
        %add3A_232 = arith.addi %add3A_153, %add3A_231 : i32
        %sub3A_233 = arith.constant 1 : i32
        %sub3A_234 = arith.subi %add3A_232, %sub3A_233 : i32
        %mul3A_235 = arith.constant 80 : i32
        %mul3A_236 = arith.muli %arg1, %mul3A_235 : i32
        %add3A_237 = arith.addi %mul3A_236, %sub3A_234 : i32
        %dma_start3A_238 = arith.constant 0 : i32
        %dma_start3A_239 = tpu.memref_slice %arg3[%add3A_16, %add3A_237, %dma_start3A_238] : memref<4x1280x64xi32, #tpu.memory_space<hbm>> -> memref<1x1x64xi32, #tpu.memory_space<hbm>>
        %dma_start3A_240 = tpu.memref_squeeze %dma_start3A_239 : memref<1x1x64xi32, #tpu.memory_space<hbm>> -> memref<64xi32, #tpu.memory_space<hbm>>
        %dma_start3A_241 = arith.constant 0 : i32
        %dma_start3A_242 = tpu.memref_slice %arg3[%add3A_16, %add3A_237, %dma_start3A_241] : memref<4x1280x64xi32, #tpu.memory_space<hbm>> -> memref<1x1x64xi32, #tpu.memory_space<hbm>>
        %dma_start3A_243 = tpu.memref_squeeze %dma_start3A_242 : memref<1x1x64xi32, #tpu.memory_space<hbm>> -> memref<64xi32, #tpu.memory_space<hbm>>
        tpu.enqueue_dma source(%dma_start3A_243 : memref<64xi32, #tpu.memory_space<hbm>>) target(%arg22 : memref<64xi32, #tpu.memory_space<vmem>>) target_semaphore(%arg18 : memref<!tpu.dma_semaphore, #tpu.memory_space<semaphore_mem>>)
        %dma_wait3A_244 = arith.constant 0 : i32
        %dma_wait3A_245 = arith.constant 0 : i32
        %dma_wait3A_246 = tpu.memref_slice %arg4[%add3A_16, %dma_wait3A_244, %dma_wait3A_245] : memref<4x1280x64xi32, #tpu.memory_space<hbm>> -> memref<1x1x64xi32, #tpu.memory_space<hbm>>
        %dma_wait3A_247 = tpu.memref_squeeze %dma_wait3A_246 : memref<1x1x64xi32, #tpu.memory_space<hbm>> -> memref<64xi32, #tpu.memory_space<hbm>>
        %dma_wait3A_248 = arith.constant 0 : i32
        %dma_wait3A_249 = tpu.memref_slice %arg4[%add3A_16, %dma_wait3A_244, %dma_wait3A_248] : memref<4x1280x64xi32, #tpu.memory_space<hbm>> -> memref<1x1x64xi32, #tpu.memory_space<hbm>>
        %dma_wait3A_250 = tpu.memref_squeeze %dma_wait3A_249 : memref<1x1x64xi32, #tpu.memory_space<hbm>> -> memref<64xi32, #tpu.memory_space<hbm>>
        tpu.wait_dma2 semaphore(%arg16 : memref<!tpu.dma_semaphore, #tpu.memory_space<semaphore_mem>>) src(%dma_wait3A_250 : memref<64xi32, #tpu.memory_space<hbm>>) dst(%arg20 : memref<64xi32, #tpu.memory_space<vmem>>)
        %dma_start3A_251 = arith.constant 0 : i32
        %dma_start3A_252 = arith.constant 0 : i32
        %dma_start3A_253 = tpu.memref_slice %arg2[%dma_start3A_251, %dma_start3A_252] : memref<10000x128xbf16, #tpu.memory_space<hbm>> -> memref<10000x128xbf16, #tpu.memory_space<hbm>>
        tpu.enqueue_indirect_dma source(%dma_start3A_253 : memref<10000x128xbf16, #tpu.memory_space<hbm>>) target(%arg9 : memref<64x128xbf16, #tpu.memory_space<vmem>>) offsets(%arg20 : memref<64xi32, #tpu.memory_space<vmem>>) semaphore(%arg12 : memref<!tpu.dma_semaphore, #tpu.memory_space<semaphore_mem>>)
      } else {
      }
      %dma_wait3A_162 = arith.constant 0 : i32
      %dma_wait3A_163 = arith.constant 0 : i32
      %dma_wait3A_164 = tpu.memref_slice %arg2[%dma_wait3A_162, %dma_wait3A_163] : memref<10000x128xbf16, #tpu.memory_space<hbm>> -> memref<10000x128xbf16, #tpu.memory_space<hbm>>
      tpu.wait_indirect_dma semaphore(%arg11 : memref<!tpu.dma_semaphore, #tpu.memory_space<semaphore_mem>>) src(%dma_wait3A_164 : memref<10000x128xbf16, #tpu.memory_space<hbm>>) dst(%arg8 : memref<64x128xbf16, #tpu.memory_space<vmem>>)
      %scan3A_165 = arith.constant 0 : i32
      %scan3A_166 = arith.constant 0 : i32
      %scan3A_167 = arith.constant 64 : i32
      %scan3A_168 = arith.addi %scan3A_166, %scan3A_167 : i32
      %scan3A_169 = arith.constant 1 : i32
      scf.for %scan3A_227 = %scan3A_166 to %scan3A_168 step %scan3A_169  : i32 {
        %get3A = arith.index_cast %scan3A_227 : i32 to index
        %get3A_228 = arith.constant 0 : index
        %get3A_229 = tpu.vector_load %arg8[%get3A, %get3A_228] {strides = array<i32>} : memref<64x128xbf16, #tpu.memory_space<vmem>>, vector<32xbf16>,
        %unpack3A = tpu.unpack_subelements %get3A_229, 0 {pack_format = #tpu.pack_format<interleaved>} : vector<32xbf16> -> vector<16xf32>
        %unpack3A_230 = tpu.unpack_subelements %get3A_229, 1 {pack_format = #tpu.pack_format<interleaved>} : vector<32xbf16> -> vector<16xf32>
        %swap3A = arith.index_cast %scan3A_227 : i32 to index
        %swap3A_231 = arith.constant 0 : index
        %swap3A_232 = tpu.vector_load %arg23[%swap3A, %swap3A_231] {strides = array<i32>} : memref<64x144xf32, #tpu.memory_space<vmem>>, vector<16xf32>,
        tpu.vector_store %arg23[%swap3A, %swap3A_231], %unpack3A {strides = array<i32>} : memref<64x144xf32, #tpu.memory_space<vmem>>, vector<16xf32>,
        %swap3A_233 = arith.index_cast %scan3A_227 : i32 to index
        %swap3A_234 = arith.constant 16 : index
        %swap3A_235 = tpu.vector_load %arg23[%swap3A_233, %swap3A_234] {strides = array<i32>} : memref<64x144xf32, #tpu.memory_space<vmem>>, vector<16xf32>,
        tpu.vector_store %arg23[%swap3A_233, %swap3A_234], %unpack3A_230 {strides = array<i32>} : memref<64x144xf32, #tpu.memory_space<vmem>>, vector<16xf32>,
        %get3A_236 = arith.index_cast %scan3A_227 : i32 to index
        %get3A_237 = arith.constant 32 : index
        %get3A_238 = tpu.vector_load %arg8[%get3A_236, %get3A_237] {strides = array<i32>} : memref<64x128xbf16, #tpu.memory_space<vmem>>, vector<32xbf16>,
        %unpack3A_239 = tpu.unpack_subelements %get3A_238, 0 {pack_format = #tpu.pack_format<interleaved>} : vector<32xbf16> -> vector<16xf32>
        %unpack3A_240 = tpu.unpack_subelements %get3A_238, 1 {pack_format = #tpu.pack_format<interleaved>} : vector<32xbf16> -> vector<16xf32>
        %swap3A_241 = arith.index_cast %scan3A_227 : i32 to index
        %swap3A_242 = arith.constant 32 : index
        %swap3A_243 = tpu.vector_load %arg23[%swap3A_241, %swap3A_242] {strides = array<i32>} : memref<64x144xf32, #tpu.memory_space<vmem>>, vector<16xf32>,
        tpu.vector_store %arg23[%swap3A_241, %swap3A_242], %unpack3A_239 {strides = array<i32>} : memref<64x144xf32, #tpu.memory_space<vmem>>, vector<16xf32>,
        %swap3A_244 = arith.index_cast %scan3A_227 : i32 to index
        %swap3A_245 = arith.constant 48 : index
        %swap3A_246 = tpu.vector_load %arg23[%swap3A_244, %swap3A_245] {strides = array<i32>} : memref<64x144xf32, #tpu.memory_space<vmem>>, vector<16xf32>,
        tpu.vector_store %arg23[%swap3A_244, %swap3A_245], %unpack3A_240 {strides = array<i32>} : memref<64x144xf32, #tpu.memory_space<vmem>>, vector<16xf32>,
        %get3A_247 = arith.index_cast %scan3A_227 : i32 to index
        %get3A_248 = arith.constant 64 : index
        %get3A_249 = tpu.vector_load %arg8[%get3A_247, %get3A_248] {strides = array<i32>} : memref<64x128xbf16, #tpu.memory_space<vmem>>, vector<32xbf16>,
        %unpack3A_250 = tpu.unpack_subelements %get3A_249, 0 {pack_format = #tpu.pack_format<interleaved>} : vector<32xbf16> -> vector<16xf32>
        %unpack3A_251 = tpu.unpack_subelements %get3A_249, 1 {pack_format = #tpu.pack_format<interleaved>} : vector<32xbf16> -> vector<16xf32>
        %swap3A_252 = arith.index_cast %scan3A_227 : i32 to index
        %swap3A_253 = arith.constant 64 : index
        %swap3A_254 = tpu.vector_load %arg23[%swap3A_252, %swap3A_253] {strides = array<i32>} : memref<64x144xf32, #tpu.memory_space<vmem>>, vector<16xf32>,
        tpu.vector_store %arg23[%swap3A_252, %swap3A_253], %unpack3A_250 {strides = array<i32>} : memref<64x144xf32, #tpu.memory_space<vmem>>, vector<16xf32>,
        %swap3A_255 = arith.index_cast %scan3A_227 : i32 to index
        %swap3A_256 = arith.constant 80 : index
        %swap3A_257 = tpu.vector_load %arg23[%swap3A_255, %swap3A_256] {strides = array<i32>} : memref<64x144xf32, #tpu.memory_space<vmem>>, vector<16xf32>,
        tpu.vector_store %arg23[%swap3A_255, %swap3A_256], %unpack3A_251 {strides = array<i32>} : memref<64x144xf32, #tpu.memory_space<vmem>>, vector<16xf32>,
        %get3A_258 = arith.index_cast %scan3A_227 : i32 to index
        %get3A_259 = arith.constant 96 : index
        %get3A_260 = tpu.vector_load %arg8[%get3A_258, %get3A_259] {strides = array<i32>} : memref<64x128xbf16, #tpu.memory_space<vmem>>, vector<32xbf16>,
        %unpack3A_261 = tpu.unpack_subelements %get3A_260, 0 {pack_format = #tpu.pack_format<interleaved>} : vector<32xbf16> -> vector<16xf32>
        %unpack3A_262 = tpu.unpack_subelements %get3A_260, 1 {pack_format = #tpu.pack_format<interleaved>} : vector<32xbf16> -> vector<16xf32>
        %swap3A_263 = arith.index_cast %scan3A_227 : i32 to index
        %swap3A_264 = arith.constant 96 : index
        %swap3A_265 = tpu.vector_load %arg23[%swap3A_263, %swap3A_264] {strides = array<i32>} : memref<64x144xf32, #tpu.memory_space<vmem>>, vector<16xf32>,
        tpu.vector_store %arg23[%swap3A_263, %swap3A_264], %unpack3A_261 {strides = array<i32>} : memref<64x144xf32, #tpu.memory_space<vmem>>, vector<16xf32>,
        %swap3A_266 = arith.index_cast %scan3A_227 : i32 to index
        %swap3A_267 = arith.constant 112 : index
        %swap3A_268 = tpu.vector_load %arg23[%swap3A_266, %swap3A_267] {strides = array<i32>} : memref<64x144xf32, #tpu.memory_space<vmem>>, vector<16xf32>,
        tpu.vector_store %arg23[%swap3A_266, %swap3A_267], %unpack3A_262 {strides = array<i32>} : memref<64x144xf32, #tpu.memory_space<vmem>>, vector<16xf32>,
      }
      %scan3A_170 = arith.constant 64 : i32
      %dma_wait3A_171 = arith.constant 0 : i32
      %dma_wait3A_172 = arith.constant 0 : i32
      %dma_wait3A_173 = tpu.memref_slice %arg3[%add3A_16, %dma_wait3A_171, %dma_wait3A_172] : memref<4x1280x64xi32, #tpu.memory_space<hbm>> -> memref<1x1x64xi32, #tpu.memory_space<hbm>>
      %dma_wait3A_174 = tpu.memref_squeeze %dma_wait3A_173 : memref<1x1x64xi32, #tpu.memory_space<hbm>> -> memref<64xi32, #tpu.memory_space<hbm>>
      %dma_wait3A_175 = arith.constant 0 : i32
      %dma_wait3A_176 = tpu.memref_slice %arg3[%add3A_16, %dma_wait3A_171, %dma_wait3A_175] : memref<4x1280x64xi32, #tpu.memory_space<hbm>> -> memref<1x1x64xi32, #tpu.memory_space<hbm>>
      %dma_wait3A_177 = tpu.memref_squeeze %dma_wait3A_176 : memref<1x1x64xi32, #tpu.memory_space<hbm>> -> memref<64xi32, #tpu.memory_space<hbm>>
      tpu.wait_dma2 semaphore(%arg17 : memref<!tpu.dma_semaphore, #tpu.memory_space<semaphore_mem>>) src(%dma_wait3A_177 : memref<64xi32, #tpu.memory_space<hbm>>) dst(%arg21 : memref<64xi32, #tpu.memory_space<vmem>>)
      %dma_start3A_178 = arith.constant 0 : i32
      %dma_start3A_179 = arith.constant 0 : i32
      %dma_start3A_180 = tpu.memref_slice %arg10[%dma_start3A_178, %dma_start3A_179] : memref<10112x144xf32, #tpu.memory_space<vmem_shared>> -> memref<10112x144xf32, #tpu.memory_space<vmem_shared>>
      tpu.enqueue_indirect_dma source(%arg23 : memref<64x144xf32, #tpu.memory_space<vmem>>) target(%dma_start3A_180 : memref<10112x144xf32, #tpu.memory_space<vmem_shared>>) offsets(%arg21 : memref<64xi32, #tpu.memory_space<vmem>>) semaphore(%arg13 : memref<!tpu.dma_semaphore, #tpu.memory_space<semaphore_mem>>) {add = true}
      %add3A_181 = arith.constant 2 : i32
      %add3A_182 = arith.addi %add3A_153, %add3A_181 : i32
      %lt3A_183 = arith.constant 80 : i32
      %lt3A_184 = arith.cmpi slt, %add3A_182, %lt3A_183 : i32
      %convert_element_type3A_185 = arith.extui %lt3A_184 : i1 to i32
      %cond3A_186 = arith.constant 0 : i32
      %cond3A_187 = arith.cmpi ne, %convert_element_type3A_185, %cond3A_186 : i32
      scf.if %cond3A_187 {
        %add3A_227 = arith.constant 2 : i32
        %add3A_228 = arith.addi %add3A_153, %add3A_227 : i32
        %mul3A_229 = arith.constant 80 : i32
        %mul3A_230 = arith.muli %arg1, %mul3A_229 : i32
        %add3A_231 = arith.addi %mul3A_230, %add3A_228 : i32
        %dma_start3A_232 = arith.constant 0 : i32
        %dma_start3A_233 = tpu.memref_slice %arg4[%add3A_16, %add3A_231, %dma_start3A_232] : memref<4x1280x64xi32, #tpu.memory_space<hbm>> -> memref<1x1x64xi32, #tpu.memory_space<hbm>>
        %dma_start3A_234 = tpu.memref_squeeze %dma_start3A_233 : memref<1x1x64xi32, #tpu.memory_space<hbm>> -> memref<64xi32, #tpu.memory_space<hbm>>
        %dma_start3A_235 = arith.constant 0 : i32
        %dma_start3A_236 = tpu.memref_slice %arg4[%add3A_16, %add3A_231, %dma_start3A_235] : memref<4x1280x64xi32, #tpu.memory_space<hbm>> -> memref<1x1x64xi32, #tpu.memory_space<hbm>>
        %dma_start3A_237 = tpu.memref_squeeze %dma_start3A_236 : memref<1x1x64xi32, #tpu.memory_space<hbm>> -> memref<64xi32, #tpu.memory_space<hbm>>
        tpu.enqueue_dma source(%dma_start3A_237 : memref<64xi32, #tpu.memory_space<hbm>>) target(%arg19 : memref<64xi32, #tpu.memory_space<vmem>>) target_semaphore(%arg15 : memref<!tpu.dma_semaphore, #tpu.memory_space<semaphore_mem>>)
      } else {
      }
      %mul3A_188 = arith.constant 2 : i32
      %mul3A_189 = arith.muli %scan3A_149, %mul3A_188 : i32
      %add3A_190 = arith.constant 1 : i32
      %add3A_191 = arith.addi %mul3A_189, %add3A_190 : i32
      %add3A_192 = arith.constant 2 : i32
      %add3A_193 = arith.addi %add3A_191, %add3A_192 : i32
      %sub3A_194 = arith.constant 1 : i32
      %sub3A_195 = arith.subi %add3A_193, %sub3A_194 : i32
      %lt3A_196 = arith.constant 80 : i32
      %lt3A_197 = arith.cmpi slt, %sub3A_195, %lt3A_196 : i32
      %convert_element_type3A_198 = arith.extui %lt3A_197 : i1 to i32
      %cond3A_199 = arith.constant 0 : i32
      %cond3A_200 = arith.cmpi ne, %convert_element_type3A_198, %cond3A_199 : i32
      scf.if %cond3A_200 {
        %ge3A = arith.constant 1 : i32
        %ge3A_227 = arith.cmpi sge, %add3A_191, %ge3A : i32
        %convert_element_type3A_228 = arith.extui %ge3A_227 : i1 to i32
        %cond3A_229 = arith.constant 0 : i32
        %cond3A_230 = arith.cmpi ne, %convert_element_type3A_228, %cond3A_229 : i32
        scf.if %cond3A_230 {
          %dma_wait3A_254 = arith.constant 0 : i32
          %dma_wait3A_255 = arith.constant 0 : i32
          %dma_wait3A_256 = tpu.memref_slice %arg10[%dma_wait3A_254, %dma_wait3A_255] : memref<10112x144xf32, #tpu.memory_space<vmem_shared>> -> memref<10112x144xf32, #tpu.memory_space<vmem_shared>>
          tpu.wait_indirect_dma semaphore(%arg13 : memref<!tpu.dma_semaphore, #tpu.memory_space<semaphore_mem>>) src(%arg23 : memref<64x144xf32, #tpu.memory_space<vmem>>) dst(%dma_wait3A_256 : memref<10112x144xf32, #tpu.memory_space<vmem_shared>>)
        } else {
        }
        %add3A_231 = arith.constant 2 : i32
        %add3A_232 = arith.addi %add3A_191, %add3A_231 : i32
        %sub3A_233 = arith.constant 1 : i32
        %sub3A_234 = arith.subi %add3A_232, %sub3A_233 : i32
        %mul3A_235 = arith.constant 80 : i32
        %mul3A_236 = arith.muli %arg1, %mul3A_235 : i32
        %add3A_237 = arith.addi %mul3A_236, %sub3A_234 : i32
        %dma_start3A_238 = arith.constant 0 : i32
        %dma_start3A_239 = tpu.memref_slice %arg3[%add3A_16, %add3A_237, %dma_start3A_238] : memref<4x1280x64xi32, #tpu.memory_space<hbm>> -> memref<1x1x64xi32, #tpu.memory_space<hbm>>
        %dma_start3A_240 = tpu.memref_squeeze %dma_start3A_239 : memref<1x1x64xi32, #tpu.memory_space<hbm>> -> memref<64xi32, #tpu.memory_space<hbm>>
        %dma_start3A_241 = arith.constant 0 : i32
        %dma_start3A_242 = tpu.memref_slice %arg3[%add3A_16, %add3A_237, %dma_start3A_241] : memref<4x1280x64xi32, #tpu.memory_space<hbm>> -> memref<1x1x64xi32, #tpu.memory_space<hbm>>
        %dma_start3A_243 = tpu.memref_squeeze %dma_start3A_242 : memref<1x1x64xi32, #tpu.memory_space<hbm>> -> memref<64xi32, #tpu.memory_space<hbm>>
        tpu.enqueue_dma source(%dma_start3A_243 : memref<64xi32, #tpu.memory_space<hbm>>) target(%arg21 : memref<64xi32, #tpu.memory_space<vmem>>) target_semaphore(%arg17 : memref<!tpu.dma_semaphore, #tpu.memory_space<semaphore_mem>>)
        %dma_wait3A_244 = arith.constant 0 : i32
        %dma_wait3A_245 = arith.constant 0 : i32
        %dma_wait3A_246 = tpu.memref_slice %arg4[%add3A_16, %dma_wait3A_244, %dma_wait3A_245] : memref<4x1280x64xi32, #tpu.memory_space<hbm>> -> memref<1x1x64xi32, #tpu.memory_space<hbm>>
        %dma_wait3A_247 = tpu.memref_squeeze %dma_wait3A_246 : memref<1x1x64xi32, #tpu.memory_space<hbm>> -> memref<64xi32, #tpu.memory_space<hbm>>
        %dma_wait3A_248 = arith.constant 0 : i32
        %dma_wait3A_249 = tpu.memref_slice %arg4[%add3A_16, %dma_wait3A_244, %dma_wait3A_248] : memref<4x1280x64xi32, #tpu.memory_space<hbm>> -> memref<1x1x64xi32, #tpu.memory_space<hbm>>
        %dma_wait3A_250 = tpu.memref_squeeze %dma_wait3A_249 : memref<1x1x64xi32, #tpu.memory_space<hbm>> -> memref<64xi32, #tpu.memory_space<hbm>>
        tpu.wait_dma2 semaphore(%arg15 : memref<!tpu.dma_semaphore, #tpu.memory_space<semaphore_mem>>) src(%dma_wait3A_250 : memref<64xi32, #tpu.memory_space<hbm>>) dst(%arg19 : memref<64xi32, #tpu.memory_space<vmem>>)
        %dma_start3A_251 = arith.constant 0 : i32
        %dma_start3A_252 = arith.constant 0 : i32
        %dma_start3A_253 = tpu.memref_slice %arg2[%dma_start3A_251, %dma_start3A_252] : memref<10000x128xbf16, #tpu.memory_space<hbm>> -> memref<10000x128xbf16, #tpu.memory_space<hbm>>
        tpu.enqueue_indirect_dma source(%dma_start3A_253 : memref<10000x128xbf16, #tpu.memory_space<hbm>>) target(%arg8 : memref<64x128xbf16, #tpu.memory_space<vmem>>) offsets(%arg19 : memref<64xi32, #tpu.memory_space<vmem>>) semaphore(%arg11 : memref<!tpu.dma_semaphore, #tpu.memory_space<semaphore_mem>>)
      } else {
      }
      %dma_wait3A_201 = arith.constant 0 : i32
      %dma_wait3A_202 = arith.constant 0 : i32
      %dma_wait3A_203 = tpu.memref_slice %arg2[%dma_wait3A_201, %dma_wait3A_202] : memref<10000x128xbf16, #tpu.memory_space<hbm>> -> memref<10000x128xbf16, #tpu.memory_space<hbm>>
      tpu.wait_indirect_dma semaphore(%arg12 : memref<!tpu.dma_semaphore, #tpu.memory_space<semaphore_mem>>) src(%dma_wait3A_203 : memref<10000x128xbf16, #tpu.memory_space<hbm>>) dst(%arg9 : memref<64x128xbf16, #tpu.memory_space<vmem>>)
      %scan3A_204 = arith.constant 0 : i32
      %scan3A_205 = arith.constant 0 : i32
      %scan3A_206 = arith.constant 64 : i32
      %scan3A_207 = arith.addi %scan3A_205, %scan3A_206 : i32
      %scan3A_208 = arith.constant 1 : i32
      scf.for %scan3A_227 = %scan3A_205 to %scan3A_207 step %scan3A_208  : i32 {
        %get3A = arith.index_cast %scan3A_227 : i32 to index
        %get3A_228 = arith.constant 0 : index
        %get3A_229 = tpu.vector_load %arg9[%get3A, %get3A_228] {strides = array<i32>} : memref<64x128xbf16, #tpu.memory_space<vmem>>, vector<32xbf16>,
        %unpack3A = tpu.unpack_subelements %get3A_229, 0 {pack_format = #tpu.pack_format<interleaved>} : vector<32xbf16> -> vector<16xf32>
        %unpack3A_230 = tpu.unpack_subelements %get3A_229, 1 {pack_format = #tpu.pack_format<interleaved>} : vector<32xbf16> -> vector<16xf32>
        %swap3A = arith.index_cast %scan3A_227 : i32 to index
        %swap3A_231 = arith.constant 0 : index
        %swap3A_232 = tpu.vector_load %arg24[%swap3A, %swap3A_231] {strides = array<i32>} : memref<64x144xf32, #tpu.memory_space<vmem>>, vector<16xf32>,
        tpu.vector_store %arg24[%swap3A, %swap3A_231], %unpack3A {strides = array<i32>} : memref<64x144xf32, #tpu.memory_space<vmem>>, vector<16xf32>,
        %swap3A_233 = arith.index_cast %scan3A_227 : i32 to index
        %swap3A_234 = arith.constant 16 : index
        %swap3A_235 = tpu.vector_load %arg24[%swap3A_233, %swap3A_234] {strides = array<i32>} : memref<64x144xf32, #tpu.memory_space<vmem>>, vector<16xf32>,
        tpu.vector_store %arg24[%swap3A_233, %swap3A_234], %unpack3A_230 {strides = array<i32>} : memref<64x144xf32, #tpu.memory_space<vmem>>, vector<16xf32>,
        %get3A_236 = arith.index_cast %scan3A_227 : i32 to index
        %get3A_237 = arith.constant 32 : index
        %get3A_238 = tpu.vector_load %arg9[%get3A_236, %get3A_237] {strides = array<i32>} : memref<64x128xbf16, #tpu.memory_space<vmem>>, vector<32xbf16>,
        %unpack3A_239 = tpu.unpack_subelements %get3A_238, 0 {pack_format = #tpu.pack_format<interleaved>} : vector<32xbf16> -> vector<16xf32>
        %unpack3A_240 = tpu.unpack_subelements %get3A_238, 1 {pack_format = #tpu.pack_format<interleaved>} : vector<32xbf16> -> vector<16xf32>
        %swap3A_241 = arith.index_cast %scan3A_227 : i32 to index
        %swap3A_242 = arith.constant 32 : index
        %swap3A_243 = tpu.vector_load %arg24[%swap3A_241, %swap3A_242] {strides = array<i32>} : memref<64x144xf32, #tpu.memory_space<vmem>>, vector<16xf32>,
        tpu.vector_store %arg24[%swap3A_241, %swap3A_242], %unpack3A_239 {strides = array<i32>} : memref<64x144xf32, #tpu.memory_space<vmem>>, vector<16xf32>,
        %swap3A_244 = arith.index_cast %scan3A_227 : i32 to index
        %swap3A_245 = arith.constant 48 : index
        %swap3A_246 = tpu.vector_load %arg24[%swap3A_244, %swap3A_245] {strides = array<i32>} : memref<64x144xf32, #tpu.memory_space<vmem>>, vector<16xf32>,
        tpu.vector_store %arg24[%swap3A_244, %swap3A_245], %unpack3A_240 {strides = array<i32>} : memref<64x144xf32, #tpu.memory_space<vmem>>, vector<16xf32>,
        %get3A_247 = arith.index_cast %scan3A_227 : i32 to index
        %get3A_248 = arith.constant 64 : index
        %get3A_249 = tpu.vector_load %arg9[%get3A_247, %get3A_248] {strides = array<i32>} : memref<64x128xbf16, #tpu.memory_space<vmem>>, vector<32xbf16>,
        %unpack3A_250 = tpu.unpack_subelements %get3A_249, 0 {pack_format = #tpu.pack_format<interleaved>} : vector<32xbf16> -> vector<16xf32>
        %unpack3A_251 = tpu.unpack_subelements %get3A_249, 1 {pack_format = #tpu.pack_format<interleaved>} : vector<32xbf16> -> vector<16xf32>
        %swap3A_252 = arith.index_cast %scan3A_227 : i32 to index
        %swap3A_253 = arith.constant 64 : index
        %swap3A_254 = tpu.vector_load %arg24[%swap3A_252, %swap3A_253] {strides = array<i32>} : memref<64x144xf32, #tpu.memory_space<vmem>>, vector<16xf32>,
        tpu.vector_store %arg24[%swap3A_252, %swap3A_253], %unpack3A_250 {strides = array<i32>} : memref<64x144xf32, #tpu.memory_space<vmem>>, vector<16xf32>,
        %swap3A_255 = arith.index_cast %scan3A_227 : i32 to index
        %swap3A_256 = arith.constant 80 : index
        %swap3A_257 = tpu.vector_load %arg24[%swap3A_255, %swap3A_256] {strides = array<i32>} : memref<64x144xf32, #tpu.memory_space<vmem>>, vector<16xf32>,
        tpu.vector_store %arg24[%swap3A_255, %swap3A_256], %unpack3A_251 {strides = array<i32>} : memref<64x144xf32, #tpu.memory_space<vmem>>, vector<16xf32>,
        %get3A_258 = arith.index_cast %scan3A_227 : i32 to index
        %get3A_259 = arith.constant 96 : index
        %get3A_260 = tpu.vector_load %arg9[%get3A_258, %get3A_259] {strides = array<i32>} : memref<64x128xbf16, #tpu.memory_space<vmem>>, vector<32xbf16>,
        %unpack3A_261 = tpu.unpack_subelements %get3A_260, 0 {pack_format = #tpu.pack_format<interleaved>} : vector<32xbf16> -> vector<16xf32>
        %unpack3A_262 = tpu.unpack_subelements %get3A_260, 1 {pack_format = #tpu.pack_format<interleaved>} : vector<32xbf16> -> vector<16xf32>
        %swap3A_263 = arith.index_cast %scan3A_227 : i32 to index
        %swap3A_264 = arith.constant 96 : index
        %swap3A_265 = tpu.vector_load %arg24[%swap3A_263, %swap3A_264] {strides = array<i32>} : memref<64x144xf32, #tpu.memory_space<vmem>>, vector<16xf32>,
        tpu.vector_store %arg24[%swap3A_263, %swap3A_264], %unpack3A_261 {strides = array<i32>} : memref<64x144xf32, #tpu.memory_space<vmem>>, vector<16xf32>,
        %swap3A_266 = arith.index_cast %scan3A_227 : i32 to index
        %swap3A_267 = arith.constant 112 : index
        %swap3A_268 = tpu.vector_load %arg24[%swap3A_266, %swap3A_267] {strides = array<i32>} : memref<64x144xf32, #tpu.memory_space<vmem>>, vector<16xf32>,
        tpu.vector_store %arg24[%swap3A_266, %swap3A_267], %unpack3A_262 {strides = array<i32>} : memref<64x144xf32, #tpu.memory_space<vmem>>, vector<16xf32>,
      }
      %scan3A_209 = arith.constant 64 : i32
      %dma_wait3A_210 = arith.constant 0 : i32
      %dma_wait3A_211 = arith.constant 0 : i32
      %dma_wait3A_212 = tpu.memref_slice %arg3[%add3A_16, %dma_wait3A_210, %dma_wait3A_211] : memref<4x1280x64xi32, #tpu.memory_space<hbm>> -> memref<1x1x64xi32, #tpu.memory_space<hbm>>
      %dma_wait3A_213 = tpu.memref_squeeze %dma_wait3A_212 : memref<1x1x64xi32, #tpu.memory_space<hbm>> -> memref<64xi32, #tpu.memory_space<hbm>>
      %dma_wait3A_214 = arith.constant 0 : i32
      %dma_wait3A_215 = tpu.memref_slice %arg3[%add3A_16, %dma_wait3A_210, %dma_wait3A_214] : memref<4x1280x64xi32, #tpu.memory_space<hbm>> -> memref<1x1x64xi32, #tpu.memory_space<hbm>>
      %dma_wait3A_216 = tpu.memref_squeeze %dma_wait3A_215 : memref<1x1x64xi32, #tpu.memory_space<hbm>> -> memref<64xi32, #tpu.memory_space<hbm>>
      tpu.wait_dma2 semaphore(%arg18 : memref<!tpu.dma_semaphore, #tpu.memory_space<semaphore_mem>>) src(%dma_wait3A_216 : memref<64xi32, #tpu.memory_space<hbm>>) dst(%arg22 : memref<64xi32, #tpu.memory_space<vmem>>)
      %dma_start3A_217 = arith.constant 0 : i32
      %dma_start3A_218 = arith.constant 0 : i32
      %dma_start3A_219 = tpu.memref_slice %arg10[%dma_start3A_217, %dma_start3A_218] : memref<10112x144xf32, #tpu.memory_space<vmem_shared>> -> memref<10112x144xf32, #tpu.memory_space<vmem_shared>>
      tpu.enqueue_indirect_dma source(%arg24 : memref<64x144xf32, #tpu.memory_space<vmem>>) target(%dma_start3A_219 : memref<10112x144xf32, #tpu.memory_space<vmem_shared>>) offsets(%arg22 : memref<64xi32, #tpu.memory_space<vmem>>) semaphore(%arg14 : memref<!tpu.dma_semaphore, #tpu.memory_space<semaphore_mem>>) {add = true}
      %add3A_220 = arith.constant 2 : i32
      %add3A_221 = arith.addi %add3A_191, %add3A_220 : i32
      %lt3A_222 = arith.constant 80 : i32
      %lt3A_223 = arith.cmpi slt, %add3A_221, %lt3A_222 : i32
      %convert_element_type3A_224 = arith.extui %lt3A_223 : i1 to i32
      %cond3A_225 = arith.constant 0 : i32
      %cond3A_226 = arith.cmpi ne, %convert_element_type3A_224, %cond3A_225 : i32
      scf.if %cond3A_226 {
        %add3A_227 = arith.constant 2 : i32
        %add3A_228 = arith.addi %add3A_191, %add3A_227 : i32
        %mul3A_229 = arith.constant 80 : i32
        %mul3A_230 = arith.muli %arg1, %mul3A_229 : i32
        %add3A_231 = arith.addi %mul3A_230, %add3A_228 : i32
        %dma_start3A_232 = arith.constant 0 : i32
        %dma_start3A_233 = tpu.memref_slice %arg4[%add3A_16, %add3A_231, %dma_start3A_232] : memref<4x1280x64xi32, #tpu.memory_space<hbm>> -> memref<1x1x64xi32, #tpu.memory_space<hbm>>
        %dma_start3A_234 = tpu.memref_squeeze %dma_start3A_233 : memref<1x1x64xi32, #tpu.memory_space<hbm>> -> memref<64xi32, #tpu.memory_space<hbm>>
        %dma_start3A_235 = arith.constant 0 : i32
        %dma_start3A_236 = tpu.memref_slice %arg4[%add3A_16, %add3A_231, %dma_start3A_235] : memref<4x1280x64xi32, #tpu.memory_space<hbm>> -> memref<1x1x64xi32, #tpu.memory_space<hbm>>
        %dma_start3A_237 = tpu.memref_squeeze %dma_start3A_236 : memref<1x1x64xi32, #tpu.memory_space<hbm>> -> memref<64xi32, #tpu.memory_space<hbm>>
        tpu.enqueue_dma source(%dma_start3A_237 : memref<64xi32, #tpu.memory_space<hbm>>) target(%arg20 : memref<64xi32, #tpu.memory_space<vmem>>) target_semaphore(%arg16 : memref<!tpu.dma_semaphore, #tpu.memory_space<semaphore_mem>>)
      } else {
      }
    }
    %scan3A_62 = arith.constant 40 : i32
    %dma_wait3A_63 = arith.constant 0 : i32
    %dma_wait3A_64 = arith.constant 0 : i32
    %dma_wait3A_65 = tpu.memref_slice %arg10[%dma_wait3A_63, %dma_wait3A_64] : memref<10112x144xf32, #tpu.memory_space<vmem_shared>> -> memref<10112x144xf32, #tpu.memory_space<vmem_shared>>
    tpu.wait_indirect_dma semaphore(%arg13 : memref<!tpu.dma_semaphore, #tpu.memory_space<semaphore_mem>>) src(%arg23 : memref<64x144xf32, #tpu.memory_space<vmem>>) dst(%dma_wait3A_65 : memref<10112x144xf32, #tpu.memory_space<vmem_shared>>)
    %dma_wait3A_66 = arith.constant 0 : i32
    %dma_wait3A_67 = arith.constant 0 : i32
    %dma_wait3A_68 = tpu.memref_slice %arg10[%dma_wait3A_66, %dma_wait3A_67] : memref<10112x144xf32, #tpu.memory_space<vmem_shared>> -> memref<10112x144xf32, #tpu.memory_space<vmem_shared>>
    tpu.wait_indirect_dma semaphore(%arg14 : memref<!tpu.dma_semaphore, #tpu.memory_space<semaphore_mem>>) src(%arg24 : memref<64x144xf32, #tpu.memory_space<vmem>>) dst(%dma_wait3A_68 : memref<10112x144xf32, #tpu.memory_space<vmem_shared>>)
    %barrier3A_69 = arith.constant 0 : index
    tpu.barrier barrier_id(%barrier3A_69)
    %lt3A = arith.constant 15 : i32
    %lt3A_70 = arith.cmpi slt, %arg1, %lt3A : i32
    %convert_element_type3A = arith.extui %lt3A_70 : i1 to i32
    %cond3A = arith.constant 0 : i32
    %cond3A_71 = arith.cmpi ne, %convert_element_type3A, %cond3A : i32
    scf.if %cond3A_71 {
      %mul3A_149 = arith.constant 632 : i32
      %mul3A_150 = arith.muli %arg1, %mul3A_149 : i32
      %mul3A_151 = arith.constant 632 : i32
      %mul3A_152 = arith.muli %arg1, %mul3A_151 : i32
      "tpu.region"() ({
        %run_scoped3A = tpu.sem_alloc : memref<!tpu.dma_semaphore, #tpu.memory_space<semaphore_mem>>
        %dma_start3A_157 = arith.constant 0 : i32
        %dma_start3A_158 = tpu.memref_slice %arg6[%add3A_16, %mul3A_152, %dma_start3A_157] : memref<4x10000x128xf32, #tpu.memory_space<hbm>> -> memref<1x632x128xf32, #tpu.memory_space<hbm>>
        %dma_start3A_159 = tpu.memref_squeeze %dma_start3A_158 : memref<1x632x128xf32, #tpu.memory_space<hbm>> -> memref<632x128xf32, #tpu.memory_space<hbm>>
        %dma_start3A_160 = arith.constant 0 : i32
        %dma_start3A_161 = tpu.memref_slice %arg10[%mul3A_150, %dma_start3A_160] : memref<10112x144xf32, #tpu.memory_space<vmem_shared>> -> memref<632x128xf32, #tpu.memory_space<vmem_shared>>
        tpu.enqueue_dma source(%dma_start3A_161 : memref<632x128xf32, #tpu.memory_space<vmem_shared>>) target(%dma_start3A_159 : memref<632x128xf32, #tpu.memory_space<hbm>>) target_semaphore(%run_scoped3A : memref<!tpu.dma_semaphore, #tpu.memory_space<semaphore_mem>>)
        %dma_wait3A_162 = arith.constant 0 : i32
        %dma_wait3A_163 = tpu.memref_slice %arg6[%add3A_16, %mul3A_152, %dma_wait3A_162] : memref<4x10000x128xf32, #tpu.memory_space<hbm>> -> memref<1x632x128xf32, #tpu.memory_space<hbm>>
        %dma_wait3A_164 = tpu.memref_squeeze %dma_wait3A_163 : memref<1x632x128xf32, #tpu.memory_space<hbm>> -> memref<632x128xf32, #tpu.memory_space<hbm>>
        %dma_wait3A_165 = arith.constant 0 : i32
        %dma_wait3A_166 = tpu.memref_slice %arg10[%mul3A_150, %dma_wait3A_165] : memref<10112x144xf32, #tpu.memory_space<vmem_shared>> -> memref<632x128xf32, #tpu.memory_space<vmem_shared>>
        tpu.wait_dma2 semaphore(%run_scoped3A : memref<!tpu.dma_semaphore, #tpu.memory_space<semaphore_mem>>) src(%dma_wait3A_166 : memref<632x128xf32, #tpu.memory_space<vmem_shared>>) dst(%dma_wait3A_164 : memref<632x128xf32, #tpu.memory_space<hbm>>)
        tpu.yield
      }) : () -> ()
      %mul3A_153 = arith.constant 632 : i32
      %mul3A_154 = arith.muli %arg1, %mul3A_153 : i32
      %mul3A_155 = arith.constant 632 : i32
      %mul3A_156 = arith.muli %arg1, %mul3A_155 : i32
      "tpu.region"() ({
        %run_scoped3A = tpu.sem_alloc : memref<!tpu.dma_semaphore, #tpu.memory_space<semaphore_mem>>
        %dma_start3A_157 = arith.constant 0 : i32
        %dma_start3A_158 = tpu.memref_slice %arg7[%add3A_16, %mul3A_156, %dma_start3A_157] : memref<4x10000x16xf32, #tpu.memory_space<hbm>> -> memref<1x632x16xf32, #tpu.memory_space<hbm>>
        %dma_start3A_159 = tpu.memref_squeeze %dma_start3A_158 : memref<1x632x16xf32, #tpu.memory_space<hbm>> -> memref<632x16xf32, #tpu.memory_space<hbm>>
        %dma_start3A_160 = arith.constant 128 : i32
        %dma_start3A_161 = tpu.memref_slice %arg10[%mul3A_154, %dma_start3A_160] : memref<10112x144xf32, #tpu.memory_space<vmem_shared>> -> memref<632x16xf32, #tpu.memory_space<vmem_shared>>
        tpu.enqueue_dma source(%dma_start3A_161 : memref<632x16xf32, #tpu.memory_space<vmem_shared>>) target(%dma_start3A_159 : memref<632x16xf32, #tpu.memory_space<hbm>>) target_semaphore(%run_scoped3A : memref<!tpu.dma_semaphore, #tpu.memory_space<semaphore_mem>>)
        %dma_wait3A_162 = arith.constant 0 : i32
        %dma_wait3A_163 = tpu.memref_slice %arg7[%add3A_16, %mul3A_156, %dma_wait3A_162] : memref<4x10000x16xf32, #tpu.memory_space<hbm>> -> memref<1x632x16xf32, #tpu.memory_space<hbm>>
        %dma_wait3A_164 = tpu.memref_squeeze %dma_wait3A_163 : memref<1x632x16xf32, #tpu.memory_space<hbm>> -> memref<632x16xf32, #tpu.memory_space<hbm>>
        %dma_wait3A_165 = arith.constant 128 : i32
        %dma_wait3A_166 = tpu.memref_slice %arg10[%mul3A_154, %dma_wait3A_165] : memref<10112x144xf32, #tpu.memory_space<vmem_shared>> -> memref<632x16xf32, #tpu.memory_space<vmem_shared>>
        tpu.wait_dma2 semaphore(%run_scoped3A : memref<!tpu.dma_semaphore, #tpu.memory_space<semaphore_mem>>) src(%dma_wait3A_166 : memref<632x16xf32, #tpu.memory_space<vmem_shared>>) dst(%dma_wait3A_164 : memref<632x16xf32, #tpu.memory_space<hbm>>)
        tpu.yield
      }) : () -> ()
    } else {
    }
    %eq3A_72 = arith.constant 15 : i32
    %eq3A_73 = arith.cmpi eq, %arg1, %eq3A_72 : i32
    %convert_element_type3A_74 = arith.extui %eq3A_73 : i1 to i32
    %cond3A_75 = arith.constant 0 : i32
    %cond3A_76 = arith.cmpi ne, %convert_element_type3A_74, %cond3A_75 : i32
    scf.if %cond3A_76 {
      "tpu.region"() ({
        %run_scoped3A = tpu.sem_alloc : memref<!tpu.dma_semaphore, #tpu.memory_space<semaphore_mem>>
        %dma_start3A_149 = arith.constant 9480 : i32
        %dma_start3A_150 = arith.constant 0 : i32
        %dma_start3A_151 = tpu.memref_slice %arg6[%add3A_16, %dma_start3A_149, %dma_start3A_150] : memref<4x10000x128xf32, #tpu.memory_space<hbm>> -> memref<1x520x128xf32, #tpu.memory_space<hbm>>
        %dma_start3A_152 = tpu.memref_squeeze %dma_start3A_151 : memref<1x520x128xf32, #tpu.memory_space<hbm>> -> memref<520x128xf32, #tpu.memory_space<hbm>>
        %dma_start3A_153 = arith.constant 9480 : i32
        %dma_start3A_154 = arith.constant 0 : i32
        %dma_start3A_155 = tpu.memref_slice %arg10[%dma_start3A_153, %dma_start3A_154] : memref<10112x144xf32, #tpu.memory_space<vmem_shared>> -> memref<520x128xf32, #tpu.memory_space<vmem_shared>>
        tpu.enqueue_dma source(%dma_start3A_155 : memref<520x128xf32, #tpu.memory_space<vmem_shared>>) target(%dma_start3A_152 : memref<520x128xf32, #tpu.memory_space<hbm>>) target_semaphore(%run_scoped3A : memref<!tpu.dma_semaphore, #tpu.memory_space<semaphore_mem>>)
        %dma_wait3A_156 = arith.constant 9480 : i32
        %dma_wait3A_157 = arith.constant 0 : i32
        %dma_wait3A_158 = tpu.memref_slice %arg6[%add3A_16, %dma_wait3A_156, %dma_wait3A_157] : memref<4x10000x128xf32, #tpu.memory_space<hbm>> -> memref<1x520x128xf32, #tpu.memory_space<hbm>>
        %dma_wait3A_159 = tpu.memref_squeeze %dma_wait3A_158 : memref<1x520x128xf32, #tpu.memory_space<hbm>> -> memref<520x128xf32, #tpu.memory_space<hbm>>
        %dma_wait3A_160 = arith.constant 9480 : i32
        %dma_wait3A_161 = arith.constant 0 : i32
        %dma_wait3A_162 = tpu.memref_slice %arg10[%dma_wait3A_160, %dma_wait3A_161] : memref<10112x144xf32, #tpu.memory_space<vmem_shared>> -> memref<520x128xf32, #tpu.memory_space<vmem_shared>>
        tpu.wait_dma2 semaphore(%run_scoped3A : memref<!tpu.dma_semaphore, #tpu.memory_space<semaphore_mem>>) src(%dma_wait3A_162 : memref<520x128xf32, #tpu.memory_space<vmem_shared>>) dst(%dma_wait3A_159 : memref<520x128xf32, #tpu.memory_space<hbm>>)
        tpu.yield
      }) : () -> ()
      "tpu.region"() ({
        %run_scoped3A = tpu.sem_alloc : memref<!tpu.dma_semaphore, #tpu.memory_space<semaphore_mem>>
        %dma_start3A_149 = arith.constant 9480 : i32
        %dma_start3A_150 = arith.constant 0 : i32
        %dma_start3A_151 = tpu.memref_slice %arg7[%add3A_16, %dma_start3A_149, %dma_start3A_150] : memref<4x10000x16xf32, #tpu.memory_space<hbm>> -> memref<1x520x16xf32, #tpu.memory_space<hbm>>
        %dma_start3A_152 = tpu.memref_squeeze %dma_start3A_151 : memref<1x520x16xf32, #tpu.memory_space<hbm>> -> memref<520x16xf32, #tpu.memory_space<hbm>>
        %dma_start3A_153 = arith.constant 9480 : i32
        %dma_start3A_154 = arith.constant 128 : i32
        %dma_start3A_155 = tpu.memref_slice %arg10[%dma_start3A_153, %dma_start3A_154] : memref<10112x144xf32, #tpu.memory_space<vmem_shared>> -> memref<520x16xf32, #tpu.memory_space<vmem_shared>>
        tpu.enqueue_dma source(%dma_start3A_155 : memref<520x16xf32, #tpu.memory_space<vmem_shared>>) target(%dma_start3A_152 : memref<520x16xf32, #tpu.memory_space<hbm>>) target_semaphore(%run_scoped3A : memref<!tpu.dma_semaphore, #tpu.memory_space<semaphore_mem>>)
        %dma_wait3A_156 = arith.constant 9480 : i32
        %dma_wait3A_157 = arith.constant 0 : i32
        %dma_wait3A_158 = tpu.memref_slice %arg7[%add3A_16, %dma_wait3A_156, %dma_wait3A_157] : memref<4x10000x16xf32, #tpu.memory_space<hbm>> -> memref<1x520x16xf32, #tpu.memory_space<hbm>>
        %dma_wait3A_159 = tpu.memref_squeeze %dma_wait3A_158 : memref<1x520x16xf32, #tpu.memory_space<hbm>> -> memref<520x16xf32, #tpu.memory_space<hbm>>
        %dma_wait3A_160 = arith.constant 9480 : i32
        %dma_wait3A_161 = arith.constant 128 : i32
        %dma_wait3A_162 = tpu.memref_slice %arg10[%dma_wait3A_160, %dma_wait3A_161] : memref<10112x144xf32, #tpu.memory_space<vmem_shared>> -> memref<520x16xf32, #tpu.memory_space<vmem_shared>>
        tpu.wait_dma2 semaphore(%run_scoped3A : memref<!tpu.dma_semaphore, #tpu.memory_space<semaphore_mem>>) src(%dma_wait3A_162 : memref<520x16xf32, #tpu.memory_space<vmem_shared>>) dst(%dma_wait3A_159 : memref<520x16xf32, #tpu.memory_space<hbm>>)
        tpu.yield
      }) : () -> ()
    } else {
    }
    %barrier3A_77 = arith.constant 0 : index
    tpu.barrier barrier_id(%barrier3A_77)
    %mul3A_78 = arith.constant 2 : i32
    %mul3A_79 = arith.muli %arg0, %mul3A_78 : i32
    %add3A_80 = arith.constant 1 : i32
    %add3A_81 = arith.addi %mul3A_79, %add3A_80 : i32
    %mul3A_82 = arith.constant 80 : i32
    %mul3A_83 = arith.muli %arg1, %mul3A_82 : i32
    %add3A_84 = arith.constant 0 : i32
    %add3A_85 = arith.addi %mul3A_83, %add3A_84 : i32
    %dma_start3A_86 = arith.constant 0 : i32
    %dma_start3A_87 = tpu.memref_slice %arg4[%add3A_81, %add3A_85, %dma_start3A_86] : memref<4x1280x64xi32, #tpu.memory_space<hbm>> -> memref<1x1x64xi32, #tpu.memory_space<hbm>>
    %dma_start3A_88 = tpu.memref_squeeze %dma_start3A_87 : memref<1x1x64xi32, #tpu.memory_space<hbm>> -> memref<64xi32, #tpu.memory_space<hbm>>
    %dma_start3A_89 = arith.constant 0 : i32
    %dma_start3A_90 = tpu.memref_slice %arg4[%add3A_81, %add3A_85, %dma_start3A_89] : memref<4x1280x64xi32, #tpu.memory_space<hbm>> -> memref<1x1x64xi32, #tpu.memory_space<hbm>>
    %dma_start3A_91 = tpu.memref_squeeze %dma_start3A_90 : memref<1x1x64xi32, #tpu.memory_space<hbm>> -> memref<64xi32, #tpu.memory_space<hbm>>
    tpu.enqueue_dma source(%dma_start3A_91 : memref<64xi32, #tpu.memory_space<hbm>>) target(%arg19 : memref<64xi32, #tpu.memory_space<vmem>>) target_semaphore(%arg15 : memref<!tpu.dma_semaphore, #tpu.memory_space<semaphore_mem>>)
    %mul3A_92 = arith.constant 80 : i32
    %mul3A_93 = arith.muli %arg1, %mul3A_92 : i32
    %add3A_94 = arith.constant 0 : i32
    %add3A_95 = arith.addi %mul3A_93, %add3A_94 : i32
    %dma_start3A_96 = arith.constant 0 : i32
    %dma_start3A_97 = tpu.memref_slice %arg3[%add3A_81, %add3A_95, %dma_start3A_96] : memref<4x1280x64xi32, #tpu.memory_space<hbm>> -> memref<1x1x64xi32, #tpu.memory_space<hbm>>
    %dma_start3A_98 = tpu.memref_squeeze %dma_start3A_97 : memref<1x1x64xi32, #tpu.memory_space<hbm>> -> memref<64xi32, #tpu.memory_space<hbm>>
    %dma_start3A_99 = arith.constant 0 : i32
    %dma_start3A_100 = tpu.memref_slice %arg3[%add3A_81, %add3A_95, %dma_start3A_99] : memref<4x1280x64xi32, #tpu.memory_space<hbm>> -> memref<1x1x64xi32, #tpu.memory_space<hbm>>
    %dma_start3A_101 = tpu.memref_squeeze %dma_start3A_100 : memref<1x1x64xi32, #tpu.memory_space<hbm>> -> memref<64xi32, #tpu.memory_space<hbm>>
    tpu.enqueue_dma source(%dma_start3A_101 : memref<64xi32, #tpu.memory_space<hbm>>) target(%arg21 : memref<64xi32, #tpu.memory_space<vmem>>) target_semaphore(%arg17 : memref<!tpu.dma_semaphore, #tpu.memory_space<semaphore_mem>>)
    %dma_wait3A_102 = arith.constant 0 : i32
    %dma_wait3A_103 = arith.constant 0 : i32
    %dma_wait3A_104 = tpu.memref_slice %arg4[%add3A_81, %dma_wait3A_102, %dma_wait3A_103] : memref<4x1280x64xi32, #tpu.memory_space<hbm>> -> memref<1x1x64xi32, #tpu.memory_space<hbm>>
    %dma_wait3A_105 = tpu.memref_squeeze %dma_wait3A_104 : memref<1x1x64xi32, #tpu.memory_space<hbm>> -> memref<64xi32, #tpu.memory_space<hbm>>
    %dma_wait3A_106 = arith.constant 0 : i32
    %dma_wait3A_107 = tpu.memref_slice %arg4[%add3A_81, %dma_wait3A_102, %dma_wait3A_106] : memref<4x1280x64xi32, #tpu.memory_space<hbm>> -> memref<1x1x64xi32, #tpu.memory_space<hbm>>
    %dma_wait3A_108 = tpu.memref_squeeze %dma_wait3A_107 : memref<1x1x64xi32, #tpu.memory_space<hbm>> -> memref<64xi32, #tpu.memory_space<hbm>>
    tpu.wait_dma2 semaphore(%arg15 : memref<!tpu.dma_semaphore, #tpu.memory_space<semaphore_mem>>) src(%dma_wait3A_108 : memref<64xi32, #tpu.memory_space<hbm>>) dst(%arg19 : memref<64xi32, #tpu.memory_space<vmem>>)
    %dma_start3A_109 = arith.constant 0 : i32
    %dma_start3A_110 = arith.constant 0 : i32
    %dma_start3A_111 = tpu.memref_slice %arg2[%dma_start3A_109, %dma_start3A_110] : memref<10000x128xbf16, #tpu.memory_space<hbm>> -> memref<10000x128xbf16, #tpu.memory_space<hbm>>
    tpu.enqueue_indirect_dma source(%dma_start3A_111 : memref<10000x128xbf16, #tpu.memory_space<hbm>>) target(%arg8 : memref<64x128xbf16, #tpu.memory_space<vmem>>) offsets(%arg19 : memref<64xi32, #tpu.memory_space<vmem>>) semaphore(%arg11 : memref<!tpu.dma_semaphore, #tpu.memory_space<semaphore_mem>>)
    %mul3A_112 = arith.constant 80 : i32
    %mul3A_113 = arith.muli %arg1, %mul3A_112 : i32
    %add3A_114 = arith.constant 1 : i32
    %add3A_115 = arith.addi %mul3A_113, %add3A_114 : i32
    %dma_start3A_116 = arith.constant 0 : i32
    %dma_start3A_117 = tpu.memref_slice %arg4[%add3A_81, %add3A_115, %dma_start3A_116] : memref<4x1280x64xi32, #tpu.memory_space<hbm>> -> memref<1x1x64xi32, #tpu.memory_space<hbm>>
    %dma_start3A_118 = tpu.memref_squeeze %dma_start3A_117 : memref<1x1x64xi32, #tpu.memory_space<hbm>> -> memref<64xi32, #tpu.memory_space<hbm>>
    %dma_start3A_119 = arith.constant 0 : i32
    %dma_start3A_120 = tpu.memref_slice %arg4[%add3A_81, %add3A_115, %dma_start3A_119] : memref<4x1280x64xi32, #tpu.memory_space<hbm>> -> memref<1x1x64xi32, #tpu.memory_space<hbm>>
    %dma_start3A_121 = tpu.memref_squeeze %dma_start3A_120 : memref<1x1x64xi32, #tpu.memory_space<hbm>> -> memref<64xi32, #tpu.memory_space<hbm>>
    tpu.enqueue_dma source(%dma_start3A_121 : memref<64xi32, #tpu.memory_space<hbm>>) target(%arg20 : memref<64xi32, #tpu.memory_space<vmem>>) target_semaphore(%arg16 : memref<!tpu.dma_semaphore, #tpu.memory_space<semaphore_mem>>)
    %mul3A_122 = arith.constant 632 : i32
    %mul3A_123 = arith.muli %arg1, %mul3A_122 : i32
    "tpu.region"() ({
      %run_scoped3A = tpu.sem_alloc : memref<!tpu.dma_semaphore, #tpu.memory_space<semaphore_mem>>
      %dma_start3A_149 = arith.constant 0 : i32
      %dma_start3A_150 = tpu.memref_slice %arg10[%mul3A_123, %dma_start3A_149] : memref<10112x144xf32, #tpu.memory_space<vmem_shared>> -> memref<632x144xf32, #tpu.memory_space<vmem_shared>>
      tpu.enqueue_dma source(%arg5 : memref<632x144xf32, #tpu.memory_space<hbm>>) target(%dma_start3A_150 : memref<632x144xf32, #tpu.memory_space<vmem_shared>>) target_semaphore(%run_scoped3A : memref<!tpu.dma_semaphore, #tpu.memory_space<semaphore_mem>>)
      %dma_wait3A_151 = arith.constant 0 : i32
      %dma_wait3A_152 = tpu.memref_slice %arg10[%mul3A_123, %dma_wait3A_151] : memref<10112x144xf32, #tpu.memory_space<vmem_shared>> -> memref<632x144xf32, #tpu.memory_space<vmem_shared>>
      tpu.wait_dma2 semaphore(%run_scoped3A : memref<!tpu.dma_semaphore, #tpu.memory_space<semaphore_mem>>) src(%arg5 : memref<632x144xf32, #tpu.memory_space<hbm>>) dst(%dma_wait3A_152 : memref<632x144xf32, #tpu.memory_space<vmem_shared>>)
      tpu.yield
    }) : () -> ()
    %barrier3A_124 = arith.constant 0 : index
    tpu.barrier barrier_id(%barrier3A_124)
    %scan3A_125 = arith.constant 0 : i32
    %scan3A_126 = arith.constant 0 : i32
    %scan3A_127 = arith.constant 40 : i32
    %scan3A_128 = arith.addi %scan3A_126, %scan3A_127 : i32
    %scan3A_129 = arith.constant 1 : i32
    scf.for %scan3A_149 = %scan3A_126 to %scan3A_128 step %scan3A_129  : i32 {
      %mul3A_150 = arith.constant 2 : i32
      %mul3A_151 = arith.muli %scan3A_149, %mul3A_150 : i32
      %add3A_152 = arith.constant 0 : i32
      %add3A_153 = arith.addi %mul3A_151, %add3A_152 : i32
      %add3A_154 = arith.constant 2 : i32
      %add3A_155 = arith.addi %add3A_153, %add3A_154 : i32
      %sub3A = arith.constant 1 : i32
      %sub3A_156 = arith.subi %add3A_155, %sub3A : i32
      %lt3A_157 = arith.constant 80 : i32
      %lt3A_158 = arith.cmpi slt, %sub3A_156, %lt3A_157 : i32
      %convert_element_type3A_159 = arith.extui %lt3A_158 : i1 to i32
      %cond3A_160 = arith.constant 0 : i32
      %cond3A_161 = arith.cmpi ne, %convert_element_type3A_159, %cond3A_160 : i32
      scf.if %cond3A_161 {
        %ge3A = arith.constant 1 : i32
        %ge3A_227 = arith.cmpi sge, %add3A_153, %ge3A : i32
        %convert_element_type3A_228 = arith.extui %ge3A_227 : i1 to i32
        %cond3A_229 = arith.constant 0 : i32
        %cond3A_230 = arith.cmpi ne, %convert_element_type3A_228, %cond3A_229 : i32
        scf.if %cond3A_230 {
          %dma_wait3A_254 = arith.constant 0 : i32
          %dma_wait3A_255 = arith.constant 0 : i32
          %dma_wait3A_256 = tpu.memref_slice %arg10[%dma_wait3A_254, %dma_wait3A_255] : memref<10112x144xf32, #tpu.memory_space<vmem_shared>> -> memref<10112x144xf32, #tpu.memory_space<vmem_shared>>
          tpu.wait_indirect_dma semaphore(%arg14 : memref<!tpu.dma_semaphore, #tpu.memory_space<semaphore_mem>>) src(%arg24 : memref<64x144xf32, #tpu.memory_space<vmem>>) dst(%dma_wait3A_256 : memref<10112x144xf32, #tpu.memory_space<vmem_shared>>)
        } else {
        }
        %add3A_231 = arith.constant 2 : i32
        %add3A_232 = arith.addi %add3A_153, %add3A_231 : i32
        %sub3A_233 = arith.constant 1 : i32
        %sub3A_234 = arith.subi %add3A_232, %sub3A_233 : i32
        %mul3A_235 = arith.constant 80 : i32
        %mul3A_236 = arith.muli %arg1, %mul3A_235 : i32
        %add3A_237 = arith.addi %mul3A_236, %sub3A_234 : i32
        %dma_start3A_238 = arith.constant 0 : i32
        %dma_start3A_239 = tpu.memref_slice %arg3[%add3A_81, %add3A_237, %dma_start3A_238] : memref<4x1280x64xi32, #tpu.memory_space<hbm>> -> memref<1x1x64xi32, #tpu.memory_space<hbm>>
        %dma_start3A_240 = tpu.memref_squeeze %dma_start3A_239 : memref<1x1x64xi32, #tpu.memory_space<hbm>> -> memref<64xi32, #tpu.memory_space<hbm>>
        %dma_start3A_241 = arith.constant 0 : i32
        %dma_start3A_242 = tpu.memref_slice %arg3[%add3A_81, %add3A_237, %dma_start3A_241] : memref<4x1280x64xi32, #tpu.memory_space<hbm>> -> memref<1x1x64xi32, #tpu.memory_space<hbm>>
        %dma_start3A_243 = tpu.memref_squeeze %dma_start3A_242 : memref<1x1x64xi32, #tpu.memory_space<hbm>> -> memref<64xi32, #tpu.memory_space<hbm>>
        tpu.enqueue_dma source(%dma_start3A_243 : memref<64xi32, #tpu.memory_space<hbm>>) target(%arg22 : memref<64xi32, #tpu.memory_space<vmem>>) target_semaphore(%arg18 : memref<!tpu.dma_semaphore, #tpu.memory_space<semaphore_mem>>)
        %dma_wait3A_244 = arith.constant 0 : i32
        %dma_wait3A_245 = arith.constant 0 : i32
        %dma_wait3A_246 = tpu.memref_slice %arg4[%add3A_81, %dma_wait3A_244, %dma_wait3A_245] : memref<4x1280x64xi32, #tpu.memory_space<hbm>> -> memref<1x1x64xi32, #tpu.memory_space<hbm>>
        %dma_wait3A_247 = tpu.memref_squeeze %dma_wait3A_246 : memref<1x1x64xi32, #tpu.memory_space<hbm>> -> memref<64xi32, #tpu.memory_space<hbm>>
        %dma_wait3A_248 = arith.constant 0 : i32
        %dma_wait3A_249 = tpu.memref_slice %arg4[%add3A_81, %dma_wait3A_244, %dma_wait3A_248] : memref<4x1280x64xi32, #tpu.memory_space<hbm>> -> memref<1x1x64xi32, #tpu.memory_space<hbm>>
        %dma_wait3A_250 = tpu.memref_squeeze %dma_wait3A_249 : memref<1x1x64xi32, #tpu.memory_space<hbm>> -> memref<64xi32, #tpu.memory_space<hbm>>
        tpu.wait_dma2 semaphore(%arg16 : memref<!tpu.dma_semaphore, #tpu.memory_space<semaphore_mem>>) src(%dma_wait3A_250 : memref<64xi32, #tpu.memory_space<hbm>>) dst(%arg20 : memref<64xi32, #tpu.memory_space<vmem>>)
        %dma_start3A_251 = arith.constant 0 : i32
        %dma_start3A_252 = arith.constant 0 : i32
        %dma_start3A_253 = tpu.memref_slice %arg2[%dma_start3A_251, %dma_start3A_252] : memref<10000x128xbf16, #tpu.memory_space<hbm>> -> memref<10000x128xbf16, #tpu.memory_space<hbm>>
        tpu.enqueue_indirect_dma source(%dma_start3A_253 : memref<10000x128xbf16, #tpu.memory_space<hbm>>) target(%arg9 : memref<64x128xbf16, #tpu.memory_space<vmem>>) offsets(%arg20 : memref<64xi32, #tpu.memory_space<vmem>>) semaphore(%arg12 : memref<!tpu.dma_semaphore, #tpu.memory_space<semaphore_mem>>)
      } else {
      }
      %dma_wait3A_162 = arith.constant 0 : i32
      %dma_wait3A_163 = arith.constant 0 : i32
      %dma_wait3A_164 = tpu.memref_slice %arg2[%dma_wait3A_162, %dma_wait3A_163] : memref<10000x128xbf16, #tpu.memory_space<hbm>> -> memref<10000x128xbf16, #tpu.memory_space<hbm>>
      tpu.wait_indirect_dma semaphore(%arg11 : memref<!tpu.dma_semaphore, #tpu.memory_space<semaphore_mem>>) src(%dma_wait3A_164 : memref<10000x128xbf16, #tpu.memory_space<hbm>>) dst(%arg8 : memref<64x128xbf16, #tpu.memory_space<vmem>>)
      %scan3A_165 = arith.constant 0 : i32
      %scan3A_166 = arith.constant 0 : i32
      %scan3A_167 = arith.constant 64 : i32
      %scan3A_168 = arith.addi %scan3A_166, %scan3A_167 : i32
      %scan3A_169 = arith.constant 1 : i32
      scf.for %scan3A_227 = %scan3A_166 to %scan3A_168 step %scan3A_169  : i32 {
        %get3A = arith.index_cast %scan3A_227 : i32 to index
        %get3A_228 = arith.constant 0 : index
        %get3A_229 = tpu.vector_load %arg8[%get3A, %get3A_228] {strides = array<i32>} : memref<64x128xbf16, #tpu.memory_space<vmem>>, vector<32xbf16>,
        %unpack3A = tpu.unpack_subelements %get3A_229, 0 {pack_format = #tpu.pack_format<interleaved>} : vector<32xbf16> -> vector<16xf32>
        %unpack3A_230 = tpu.unpack_subelements %get3A_229, 1 {pack_format = #tpu.pack_format<interleaved>} : vector<32xbf16> -> vector<16xf32>
        %swap3A = arith.index_cast %scan3A_227 : i32 to index
        %swap3A_231 = arith.constant 0 : index
        %swap3A_232 = tpu.vector_load %arg23[%swap3A, %swap3A_231] {strides = array<i32>} : memref<64x144xf32, #tpu.memory_space<vmem>>, vector<16xf32>,
        tpu.vector_store %arg23[%swap3A, %swap3A_231], %unpack3A {strides = array<i32>} : memref<64x144xf32, #tpu.memory_space<vmem>>, vector<16xf32>,
        %swap3A_233 = arith.index_cast %scan3A_227 : i32 to index
        %swap3A_234 = arith.constant 16 : index
        %swap3A_235 = tpu.vector_load %arg23[%swap3A_233, %swap3A_234] {strides = array<i32>} : memref<64x144xf32, #tpu.memory_space<vmem>>, vector<16xf32>,
        tpu.vector_store %arg23[%swap3A_233, %swap3A_234], %unpack3A_230 {strides = array<i32>} : memref<64x144xf32, #tpu.memory_space<vmem>>, vector<16xf32>,
        %get3A_236 = arith.index_cast %scan3A_227 : i32 to index
        %get3A_237 = arith.constant 32 : index
        %get3A_238 = tpu.vector_load %arg8[%get3A_236, %get3A_237] {strides = array<i32>} : memref<64x128xbf16, #tpu.memory_space<vmem>>, vector<32xbf16>,
        %unpack3A_239 = tpu.unpack_subelements %get3A_238, 0 {pack_format = #tpu.pack_format<interleaved>} : vector<32xbf16> -> vector<16xf32>
        %unpack3A_240 = tpu.unpack_subelements %get3A_238, 1 {pack_format = #tpu.pack_format<interleaved>} : vector<32xbf16> -> vector<16xf32>
        %swap3A_241 = arith.index_cast %scan3A_227 : i32 to index
        %swap3A_242 = arith.constant 32 : index
        %swap3A_243 = tpu.vector_load %arg23[%swap3A_241, %swap3A_242] {strides = array<i32>} : memref<64x144xf32, #tpu.memory_space<vmem>>, vector<16xf32>,
        tpu.vector_store %arg23[%swap3A_241, %swap3A_242], %unpack3A_239 {strides = array<i32>} : memref<64x144xf32, #tpu.memory_space<vmem>>, vector<16xf32>,
        %swap3A_244 = arith.index_cast %scan3A_227 : i32 to index
        %swap3A_245 = arith.constant 48 : index
        %swap3A_246 = tpu.vector_load %arg23[%swap3A_244, %swap3A_245] {strides = array<i32>} : memref<64x144xf32, #tpu.memory_space<vmem>>, vector<16xf32>,
        tpu.vector_store %arg23[%swap3A_244, %swap3A_245], %unpack3A_240 {strides = array<i32>} : memref<64x144xf32, #tpu.memory_space<vmem>>, vector<16xf32>,
        %get3A_247 = arith.index_cast %scan3A_227 : i32 to index
        %get3A_248 = arith.constant 64 : index
        %get3A_249 = tpu.vector_load %arg8[%get3A_247, %get3A_248] {strides = array<i32>} : memref<64x128xbf16, #tpu.memory_space<vmem>>, vector<32xbf16>,
        %unpack3A_250 = tpu.unpack_subelements %get3A_249, 0 {pack_format = #tpu.pack_format<interleaved>} : vector<32xbf16> -> vector<16xf32>
        %unpack3A_251 = tpu.unpack_subelements %get3A_249, 1 {pack_format = #tpu.pack_format<interleaved>} : vector<32xbf16> -> vector<16xf32>
        %swap3A_252 = arith.index_cast %scan3A_227 : i32 to index
        %swap3A_253 = arith.constant 64 : index
        %swap3A_254 = tpu.vector_load %arg23[%swap3A_252, %swap3A_253] {strides = array<i32>} : memref<64x144xf32, #tpu.memory_space<vmem>>, vector<16xf32>,
        tpu.vector_store %arg23[%swap3A_252, %swap3A_253], %unpack3A_250 {strides = array<i32>} : memref<64x144xf32, #tpu.memory_space<vmem>>, vector<16xf32>,
        %swap3A_255 = arith.index_cast %scan3A_227 : i32 to index
        %swap3A_256 = arith.constant 80 : index
        %swap3A_257 = tpu.vector_load %arg23[%swap3A_255, %swap3A_256] {strides = array<i32>} : memref<64x144xf32, #tpu.memory_space<vmem>>, vector<16xf32>,
        tpu.vector_store %arg23[%swap3A_255, %swap3A_256], %unpack3A_251 {strides = array<i32>} : memref<64x144xf32, #tpu.memory_space<vmem>>, vector<16xf32>,
        %get3A_258 = arith.index_cast %scan3A_227 : i32 to index
        %get3A_259 = arith.constant 96 : index
        %get3A_260 = tpu.vector_load %arg8[%get3A_258, %get3A_259] {strides = array<i32>} : memref<64x128xbf16, #tpu.memory_space<vmem>>, vector<32xbf16>,
        %unpack3A_261 = tpu.unpack_subelements %get3A_260, 0 {pack_format = #tpu.pack_format<interleaved>} : vector<32xbf16> -> vector<16xf32>
        %unpack3A_262 = tpu.unpack_subelements %get3A_260, 1 {pack_format = #tpu.pack_format<interleaved>} : vector<32xbf16> -> vector<16xf32>
        %swap3A_263 = arith.index_cast %scan3A_227 : i32 to index
        %swap3A_264 = arith.constant 96 : index
        %swap3A_265 = tpu.vector_load %arg23[%swap3A_263, %swap3A_264] {strides = array<i32>} : memref<64x144xf32, #tpu.memory_space<vmem>>, vector<16xf32>,
        tpu.vector_store %arg23[%swap3A_263, %swap3A_264], %unpack3A_261 {strides = array<i32>} : memref<64x144xf32, #tpu.memory_space<vmem>>, vector<16xf32>,
        %swap3A_266 = arith.index_cast %scan3A_227 : i32 to index
        %swap3A_267 = arith.constant 112 : index
        %swap3A_268 = tpu.vector_load %arg23[%swap3A_266, %swap3A_267] {strides = array<i32>} : memref<64x144xf32, #tpu.memory_space<vmem>>, vector<16xf32>,
        tpu.vector_store %arg23[%swap3A_266, %swap3A_267], %unpack3A_262 {strides = array<i32>} : memref<64x144xf32, #tpu.memory_space<vmem>>, vector<16xf32>,
      }
      %scan3A_170 = arith.constant 64 : i32
      %dma_wait3A_171 = arith.constant 0 : i32
      %dma_wait3A_172 = arith.constant 0 : i32
      %dma_wait3A_173 = tpu.memref_slice %arg3[%add3A_81, %dma_wait3A_171, %dma_wait3A_172] : memref<4x1280x64xi32, #tpu.memory_space<hbm>> -> memref<1x1x64xi32, #tpu.memory_space<hbm>>
      %dma_wait3A_174 = tpu.memref_squeeze %dma_wait3A_173 : memref<1x1x64xi32, #tpu.memory_space<hbm>> -> memref<64xi32, #tpu.memory_space<hbm>>
      %dma_wait3A_175 = arith.constant 0 : i32
      %dma_wait3A_176 = tpu.memref_slice %arg3[%add3A_81, %dma_wait3A_171, %dma_wait3A_175] : memref<4x1280x64xi32, #tpu.memory_space<hbm>> -> memref<1x1x64xi32, #tpu.memory_space<hbm>>
      %dma_wait3A_177 = tpu.memref_squeeze %dma_wait3A_176 : memref<1x1x64xi32, #tpu.memory_space<hbm>> -> memref<64xi32, #tpu.memory_space<hbm>>
      tpu.wait_dma2 semaphore(%arg17 : memref<!tpu.dma_semaphore, #tpu.memory_space<semaphore_mem>>) src(%dma_wait3A_177 : memref<64xi32, #tpu.memory_space<hbm>>) dst(%arg21 : memref<64xi32, #tpu.memory_space<vmem>>)
      %dma_start3A_178 = arith.constant 0 : i32
      %dma_start3A_179 = arith.constant 0 : i32
      %dma_start3A_180 = tpu.memref_slice %arg10[%dma_start3A_178, %dma_start3A_179] : memref<10112x144xf32, #tpu.memory_space<vmem_shared>> -> memref<10112x144xf32, #tpu.memory_space<vmem_shared>>
      tpu.enqueue_indirect_dma source(%arg23 : memref<64x144xf32, #tpu.memory_space<vmem>>) target(%dma_start3A_180 : memref<10112x144xf32, #tpu.memory_space<vmem_shared>>) offsets(%arg21 : memref<64xi32, #tpu.memory_space<vmem>>) semaphore(%arg13 : memref<!tpu.dma_semaphore, #tpu.memory_space<semaphore_mem>>) {add = true}
      %add3A_181 = arith.constant 2 : i32
      %add3A_182 = arith.addi %add3A_153, %add3A_181 : i32
      %lt3A_183 = arith.constant 80 : i32
      %lt3A_184 = arith.cmpi slt, %add3A_182, %lt3A_183 : i32
      %convert_element_type3A_185 = arith.extui %lt3A_184 : i1 to i32
      %cond3A_186 = arith.constant 0 : i32
      %cond3A_187 = arith.cmpi ne, %convert_element_type3A_185, %cond3A_186 : i32
      scf.if %cond3A_187 {
        %add3A_227 = arith.constant 2 : i32
        %add3A_228 = arith.addi %add3A_153, %add3A_227 : i32
        %mul3A_229 = arith.constant 80 : i32
        %mul3A_230 = arith.muli %arg1, %mul3A_229 : i32
        %add3A_231 = arith.addi %mul3A_230, %add3A_228 : i32
        %dma_start3A_232 = arith.constant 0 : i32
        %dma_start3A_233 = tpu.memref_slice %arg4[%add3A_81, %add3A_231, %dma_start3A_232] : memref<4x1280x64xi32, #tpu.memory_space<hbm>> -> memref<1x1x64xi32, #tpu.memory_space<hbm>>
        %dma_start3A_234 = tpu.memref_squeeze %dma_start3A_233 : memref<1x1x64xi32, #tpu.memory_space<hbm>> -> memref<64xi32, #tpu.memory_space<hbm>>
        %dma_start3A_235 = arith.constant 0 : i32
        %dma_start3A_236 = tpu.memref_slice %arg4[%add3A_81, %add3A_231, %dma_start3A_235] : memref<4x1280x64xi32, #tpu.memory_space<hbm>> -> memref<1x1x64xi32, #tpu.memory_space<hbm>>
        %dma_start3A_237 = tpu.memref_squeeze %dma_start3A_236 : memref<1x1x64xi32, #tpu.memory_space<hbm>> -> memref<64xi32, #tpu.memory_space<hbm>>
        tpu.enqueue_dma source(%dma_start3A_237 : memref<64xi32, #tpu.memory_space<hbm>>) target(%arg19 : memref<64xi32, #tpu.memory_space<vmem>>) target_semaphore(%arg15 : memref<!tpu.dma_semaphore, #tpu.memory_space<semaphore_mem>>)
      } else {
      }
      %mul3A_188 = arith.constant 2 : i32
      %mul3A_189 = arith.muli %scan3A_149, %mul3A_188 : i32
      %add3A_190 = arith.constant 1 : i32
      %add3A_191 = arith.addi %mul3A_189, %add3A_190 : i32
      %add3A_192 = arith.constant 2 : i32
      %add3A_193 = arith.addi %add3A_191, %add3A_192 : i32
      %sub3A_194 = arith.constant 1 : i32
      %sub3A_195 = arith.subi %add3A_193, %sub3A_194 : i32
      %lt3A_196 = arith.constant 80 : i32
      %lt3A_197 = arith.cmpi slt, %sub3A_195, %lt3A_196 : i32
      %convert_element_type3A_198 = arith.extui %lt3A_197 : i1 to i32
      %cond3A_199 = arith.constant 0 : i32
      %cond3A_200 = arith.cmpi ne, %convert_element_type3A_198, %cond3A_199 : i32
      scf.if %cond3A_200 {
        %ge3A = arith.constant 1 : i32
        %ge3A_227 = arith.cmpi sge, %add3A_191, %ge3A : i32
        %convert_element_type3A_228 = arith.extui %ge3A_227 : i1 to i32
        %cond3A_229 = arith.constant 0 : i32
        %cond3A_230 = arith.cmpi ne, %convert_element_type3A_228, %cond3A_229 : i32
        scf.if %cond3A_230 {
          %dma_wait3A_254 = arith.constant 0 : i32
          %dma_wait3A_255 = arith.constant 0 : i32
          %dma_wait3A_256 = tpu.memref_slice %arg10[%dma_wait3A_254, %dma_wait3A_255] : memref<10112x144xf32, #tpu.memory_space<vmem_shared>> -> memref<10112x144xf32, #tpu.memory_space<vmem_shared>>
          tpu.wait_indirect_dma semaphore(%arg13 : memref<!tpu.dma_semaphore, #tpu.memory_space<semaphore_mem>>) src(%arg23 : memref<64x144xf32, #tpu.memory_space<vmem>>) dst(%dma_wait3A_256 : memref<10112x144xf32, #tpu.memory_space<vmem_shared>>)
        } else {
        }
        %add3A_231 = arith.constant 2 : i32
        %add3A_232 = arith.addi %add3A_191, %add3A_231 : i32
        %sub3A_233 = arith.constant 1 : i32
        %sub3A_234 = arith.subi %add3A_232, %sub3A_233 : i32
        %mul3A_235 = arith.constant 80 : i32
        %mul3A_236 = arith.muli %arg1, %mul3A_235 : i32
        %add3A_237 = arith.addi %mul3A_236, %sub3A_234 : i32
        %dma_start3A_238 = arith.constant 0 : i32
        %dma_start3A_239 = tpu.memref_slice %arg3[%add3A_81, %add3A_237, %dma_start3A_238] : memref<4x1280x64xi32, #tpu.memory_space<hbm>> -> memref<1x1x64xi32, #tpu.memory_space<hbm>>
        %dma_start3A_240 = tpu.memref_squeeze %dma_start3A_239 : memref<1x1x64xi32, #tpu.memory_space<hbm>> -> memref<64xi32, #tpu.memory_space<hbm>>
        %dma_start3A_241 = arith.constant 0 : i32
        %dma_start3A_242 = tpu.memref_slice %arg3[%add3A_81, %add3A_237, %dma_start3A_241] : memref<4x1280x64xi32, #tpu.memory_space<hbm>> -> memref<1x1x64xi32, #tpu.memory_space<hbm>>
        %dma_start3A_243 = tpu.memref_squeeze %dma_start3A_242 : memref<1x1x64xi32, #tpu.memory_space<hbm>> -> memref<64xi32, #tpu.memory_space<hbm>>
        tpu.enqueue_dma source(%dma_start3A_243 : memref<64xi32, #tpu.memory_space<hbm>>) target(%arg21 : memref<64xi32, #tpu.memory_space<vmem>>) target_semaphore(%arg17 : memref<!tpu.dma_semaphore, #tpu.memory_space<semaphore_mem>>)
        %dma_wait3A_244 = arith.constant 0 : i32
        %dma_wait3A_245 = arith.constant 0 : i32
        %dma_wait3A_246 = tpu.memref_slice %arg4[%add3A_81, %dma_wait3A_244, %dma_wait3A_245] : memref<4x1280x64xi32, #tpu.memory_space<hbm>> -> memref<1x1x64xi32, #tpu.memory_space<hbm>>
        %dma_wait3A_247 = tpu.memref_squeeze %dma_wait3A_246 : memref<1x1x64xi32, #tpu.memory_space<hbm>> -> memref<64xi32, #tpu.memory_space<hbm>>
        %dma_wait3A_248 = arith.constant 0 : i32
        %dma_wait3A_249 = tpu.memref_slice %arg4[%add3A_81, %dma_wait3A_244, %dma_wait3A_248] : memref<4x1280x64xi32, #tpu.memory_space<hbm>> -> memref<1x1x64xi32, #tpu.memory_space<hbm>>
        %dma_wait3A_250 = tpu.memref_squeeze %dma_wait3A_249 : memref<1x1x64xi32, #tpu.memory_space<hbm>> -> memref<64xi32, #tpu.memory_space<hbm>>
        tpu.wait_dma2 semaphore(%arg15 : memref<!tpu.dma_semaphore, #tpu.memory_space<semaphore_mem>>) src(%dma_wait3A_250 : memref<64xi32, #tpu.memory_space<hbm>>) dst(%arg19 : memref<64xi32, #tpu.memory_space<vmem>>)
        %dma_start3A_251 = arith.constant 0 : i32
        %dma_start3A_252 = arith.constant 0 : i32
        %dma_start3A_253 = tpu.memref_slice %arg2[%dma_start3A_251, %dma_start3A_252] : memref<10000x128xbf16, #tpu.memory_space<hbm>> -> memref<10000x128xbf16, #tpu.memory_space<hbm>>
        tpu.enqueue_indirect_dma source(%dma_start3A_253 : memref<10000x128xbf16, #tpu.memory_space<hbm>>) target(%arg8 : memref<64x128xbf16, #tpu.memory_space<vmem>>) offsets(%arg19 : memref<64xi32, #tpu.memory_space<vmem>>) semaphore(%arg11 : memref<!tpu.dma_semaphore, #tpu.memory_space<semaphore_mem>>)
      } else {
      }
      %dma_wait3A_201 = arith.constant 0 : i32
      %dma_wait3A_202 = arith.constant 0 : i32
      %dma_wait3A_203 = tpu.memref_slice %arg2[%dma_wait3A_201, %dma_wait3A_202] : memref<10000x128xbf16, #tpu.memory_space<hbm>> -> memref<10000x128xbf16, #tpu.memory_space<hbm>>
      tpu.wait_indirect_dma semaphore(%arg12 : memref<!tpu.dma_semaphore, #tpu.memory_space<semaphore_mem>>) src(%dma_wait3A_203 : memref<10000x128xbf16, #tpu.memory_space<hbm>>) dst(%arg9 : memref<64x128xbf16, #tpu.memory_space<vmem>>)
      %scan3A_204 = arith.constant 0 : i32
      %scan3A_205 = arith.constant 0 : i32
      %scan3A_206 = arith.constant 64 : i32
      %scan3A_207 = arith.addi %scan3A_205, %scan3A_206 : i32
      %scan3A_208 = arith.constant 1 : i32
      scf.for %scan3A_227 = %scan3A_205 to %scan3A_207 step %scan3A_208  : i32 {
        %get3A = arith.index_cast %scan3A_227 : i32 to index
        %get3A_228 = arith.constant 0 : index
        %get3A_229 = tpu.vector_load %arg9[%get3A, %get3A_228] {strides = array<i32>} : memref<64x128xbf16, #tpu.memory_space<vmem>>, vector<32xbf16>,
        %unpack3A = tpu.unpack_subelements %get3A_229, 0 {pack_format = #tpu.pack_format<interleaved>} : vector<32xbf16> -> vector<16xf32>
        %unpack3A_230 = tpu.unpack_subelements %get3A_229, 1 {pack_format = #tpu.pack_format<interleaved>} : vector<32xbf16> -> vector<16xf32>
        %swap3A = arith.index_cast %scan3A_227 : i32 to index
        %swap3A_231 = arith.constant 0 : index
        %swap3A_232 = tpu.vector_load %arg24[%swap3A, %swap3A_231] {strides = array<i32>} : memref<64x144xf32, #tpu.memory_space<vmem>>, vector<16xf32>,
        tpu.vector_store %arg24[%swap3A, %swap3A_231], %unpack3A {strides = array<i32>} : memref<64x144xf32, #tpu.memory_space<vmem>>, vector<16xf32>,
        %swap3A_233 = arith.index_cast %scan3A_227 : i32 to index
        %swap3A_234 = arith.constant 16 : index
        %swap3A_235 = tpu.vector_load %arg24[%swap3A_233, %swap3A_234] {strides = array<i32>} : memref<64x144xf32, #tpu.memory_space<vmem>>, vector<16xf32>,
        tpu.vector_store %arg24[%swap3A_233, %swap3A_234], %unpack3A_230 {strides = array<i32>} : memref<64x144xf32, #tpu.memory_space<vmem>>, vector<16xf32>,
        %get3A_236 = arith.index_cast %scan3A_227 : i32 to index
        %get3A_237 = arith.constant 32 : index
        %get3A_238 = tpu.vector_load %arg9[%get3A_236, %get3A_237] {strides = array<i32>} : memref<64x128xbf16, #tpu.memory_space<vmem>>, vector<32xbf16>,
        %unpack3A_239 = tpu.unpack_subelements %get3A_238, 0 {pack_format = #tpu.pack_format<interleaved>} : vector<32xbf16> -> vector<16xf32>
        %unpack3A_240 = tpu.unpack_subelements %get3A_238, 1 {pack_format = #tpu.pack_format<interleaved>} : vector<32xbf16> -> vector<16xf32>
        %swap3A_241 = arith.index_cast %scan3A_227 : i32 to index
        %swap3A_242 = arith.constant 32 : index
        %swap3A_243 = tpu.vector_load %arg24[%swap3A_241, %swap3A_242] {strides = array<i32>} : memref<64x144xf32, #tpu.memory_space<vmem>>, vector<16xf32>,
        tpu.vector_store %arg24[%swap3A_241, %swap3A_242], %unpack3A_239 {strides = array<i32>} : memref<64x144xf32, #tpu.memory_space<vmem>>, vector<16xf32>,
        %swap3A_244 = arith.index_cast %scan3A_227 : i32 to index
        %swap3A_245 = arith.constant 48 : index
        %swap3A_246 = tpu.vector_load %arg24[%swap3A_244, %swap3A_245] {strides = array<i32>} : memref<64x144xf32, #tpu.memory_space<vmem>>, vector<16xf32>,
        tpu.vector_store %arg24[%swap3A_244, %swap3A_245], %unpack3A_240 {strides = array<i32>} : memref<64x144xf32, #tpu.memory_space<vmem>>, vector<16xf32>,
        %get3A_247 = arith.index_cast %scan3A_227 : i32 to index
        %get3A_248 = arith.constant 64 : index
        %get3A_249 = tpu.vector_load %arg9[%get3A_247, %get3A_248] {strides = array<i32>} : memref<64x128xbf16, #tpu.memory_space<vmem>>, vector<32xbf16>,
        %unpack3A_250 = tpu.unpack_subelements %get3A_249, 0 {pack_format = #tpu.pack_format<interleaved>} : vector<32xbf16> -> vector<16xf32>
        %unpack3A_251 = tpu.unpack_subelements %get3A_249, 1 {pack_format = #tpu.pack_format<interleaved>} : vector<32xbf16> -> vector<16xf32>
        %swap3A_252 = arith.index_cast %scan3A_227 : i32 to index
        %swap3A_253 = arith.constant 64 : index
        %swap3A_254 = tpu.vector_load %arg24[%swap3A_252, %swap3A_253] {strides = array<i32>} : memref<64x144xf32, #tpu.memory_space<vmem>>, vector<16xf32>,
        tpu.vector_store %arg24[%swap3A_252, %swap3A_253], %unpack3A_250 {strides = array<i32>} : memref<64x144xf32, #tpu.memory_space<vmem>>, vector<16xf32>,
        %swap3A_255 = arith.index_cast %scan3A_227 : i32 to index
        %swap3A_256 = arith.constant 80 : index
        %swap3A_257 = tpu.vector_load %arg24[%swap3A_255, %swap3A_256] {strides = array<i32>} : memref<64x144xf32, #tpu.memory_space<vmem>>, vector<16xf32>,
        tpu.vector_store %arg24[%swap3A_255, %swap3A_256], %unpack3A_251 {strides = array<i32>} : memref<64x144xf32, #tpu.memory_space<vmem>>, vector<16xf32>,
        %get3A_258 = arith.index_cast %scan3A_227 : i32 to index
        %get3A_259 = arith.constant 96 : index
        %get3A_260 = tpu.vector_load %arg9[%get3A_258, %get3A_259] {strides = array<i32>} : memref<64x128xbf16, #tpu.memory_space<vmem>>, vector<32xbf16>,
        %unpack3A_261 = tpu.unpack_subelements %get3A_260, 0 {pack_format = #tpu.pack_format<interleaved>} : vector<32xbf16> -> vector<16xf32>
        %unpack3A_262 = tpu.unpack_subelements %get3A_260, 1 {pack_format = #tpu.pack_format<interleaved>} : vector<32xbf16> -> vector<16xf32>
        %swap3A_263 = arith.index_cast %scan3A_227 : i32 to index
        %swap3A_264 = arith.constant 96 : index
        %swap3A_265 = tpu.vector_load %arg24[%swap3A_263, %swap3A_264] {strides = array<i32>} : memref<64x144xf32, #tpu.memory_space<vmem>>, vector<16xf32>,
        tpu.vector_store %arg24[%swap3A_263, %swap3A_264], %unpack3A_261 {strides = array<i32>} : memref<64x144xf32, #tpu.memory_space<vmem>>, vector<16xf32>,
        %swap3A_266 = arith.index_cast %scan3A_227 : i32 to index
        %swap3A_267 = arith.constant 112 : index
        %swap3A_268 = tpu.vector_load %arg24[%swap3A_266, %swap3A_267] {strides = array<i32>} : memref<64x144xf32, #tpu.memory_space<vmem>>, vector<16xf32>,
        tpu.vector_store %arg24[%swap3A_266, %swap3A_267], %unpack3A_262 {strides = array<i32>} : memref<64x144xf32, #tpu.memory_space<vmem>>, vector<16xf32>,
      }
      %scan3A_209 = arith.constant 64 : i32
      %dma_wait3A_210 = arith.constant 0 : i32
      %dma_wait3A_211 = arith.constant 0 : i32
      %dma_wait3A_212 = tpu.memref_slice %arg3[%add3A_81, %dma_wait3A_210, %dma_wait3A_211] : memref<4x1280x64xi32, #tpu.memory_space<hbm>> -> memref<1x1x64xi32, #tpu.memory_space<hbm>>
      %dma_wait3A_213 = tpu.memref_squeeze %dma_wait3A_212 : memref<1x1x64xi32, #tpu.memory_space<hbm>> -> memref<64xi32, #tpu.memory_space<hbm>>
      %dma_wait3A_214 = arith.constant 0 : i32
      %dma_wait3A_215 = tpu.memref_slice %arg3[%add3A_81, %dma_wait3A_210, %dma_wait3A_214] : memref<4x1280x64xi32, #tpu.memory_space<hbm>> -> memref<1x1x64xi32, #tpu.memory_space<hbm>>
      %dma_wait3A_216 = tpu.memref_squeeze %dma_wait3A_215 : memref<1x1x64xi32, #tpu.memory_space<hbm>> -> memref<64xi32, #tpu.memory_space<hbm>>
      tpu.wait_dma2 semaphore(%arg18 : memref<!tpu.dma_semaphore, #tpu.memory_space<semaphore_mem>>) src(%dma_wait3A_216 : memref<64xi32, #tpu.memory_space<hbm>>) dst(%arg22 : memref<64xi32, #tpu.memory_space<vmem>>)
      %dma_start3A_217 = arith.constant 0 : i32
      %dma_start3A_218 = arith.constant 0 : i32
      %dma_start3A_219 = tpu.memref_slice %arg10[%dma_start3A_217, %dma_start3A_218] : memref<10112x144xf32, #tpu.memory_space<vmem_shared>> -> memref<10112x144xf32, #tpu.memory_space<vmem_shared>>
      tpu.enqueue_indirect_dma source(%arg24 : memref<64x144xf32, #tpu.memory_space<vmem>>) target(%dma_start3A_219 : memref<10112x144xf32, #tpu.memory_space<vmem_shared>>) offsets(%arg22 : memref<64xi32, #tpu.memory_space<vmem>>) semaphore(%arg14 : memref<!tpu.dma_semaphore, #tpu.memory_space<semaphore_mem>>) {add = true}
      %add3A_220 = arith.constant 2 : i32
      %add3A_221 = arith.addi %add3A_191, %add3A_220 : i32
      %lt3A_222 = arith.constant 80 : i32
      %lt3A_223 = arith.cmpi slt, %add3A_221, %lt3A_222 : i32
      %convert_element_type3A_224 = arith.extui %lt3A_223 : i1 to i32
      %cond3A_225 = arith.constant 0 : i32
      %cond3A_226 = arith.cmpi ne, %convert_element_type3A_224, %cond3A_225 : i32
      scf.if %cond3A_226 {
        %add3A_227 = arith.constant 2 : i32
        %add3A_228 = arith.addi %add3A_191, %add3A_227 : i32
        %mul3A_229 = arith.constant 80 : i32
        %mul3A_230 = arith.muli %arg1, %mul3A_229 : i32
        %add3A_231 = arith.addi %mul3A_230, %add3A_228 : i32
        %dma_start3A_232 = arith.constant 0 : i32
        %dma_start3A_233 = tpu.memref_slice %arg4[%add3A_81, %add3A_231, %dma_start3A_232] : memref<4x1280x64xi32, #tpu.memory_space<hbm>> -> memref<1x1x64xi32, #tpu.memory_space<hbm>>
        %dma_start3A_234 = tpu.memref_squeeze %dma_start3A_233 : memref<1x1x64xi32, #tpu.memory_space<hbm>> -> memref<64xi32, #tpu.memory_space<hbm>>
        %dma_start3A_235 = arith.constant 0 : i32
        %dma_start3A_236 = tpu.memref_slice %arg4[%add3A_81, %add3A_231, %dma_start3A_235] : memref<4x1280x64xi32, #tpu.memory_space<hbm>> -> memref<1x1x64xi32, #tpu.memory_space<hbm>>
        %dma_start3A_237 = tpu.memref_squeeze %dma_start3A_236 : memref<1x1x64xi32, #tpu.memory_space<hbm>> -> memref<64xi32, #tpu.memory_space<hbm>>
        tpu.enqueue_dma source(%dma_start3A_237 : memref<64xi32, #tpu.memory_space<hbm>>) target(%arg20 : memref<64xi32, #tpu.memory_space<vmem>>) target_semaphore(%arg16 : memref<!tpu.dma_semaphore, #tpu.memory_space<semaphore_mem>>)
      } else {
      }
    }
    %scan3A_130 = arith.constant 40 : i32
    %dma_wait3A_131 = arith.constant 0 : i32
    %dma_wait3A_132 = arith.constant 0 : i32
    %dma_wait3A_133 = tpu.memref_slice %arg10[%dma_wait3A_131, %dma_wait3A_132] : memref<10112x144xf32, #tpu.memory_space<vmem_shared>> -> memref<10112x144xf32, #tpu.memory_space<vmem_shared>>
    tpu.wait_indirect_dma semaphore(%arg13 : memref<!tpu.dma_semaphore, #tpu.memory_space<semaphore_mem>>) src(%arg23 : memref<64x144xf32, #tpu.memory_space<vmem>>) dst(%dma_wait3A_133 : memref<10112x144xf32, #tpu.memory_space<vmem_shared>>)
    %dma_wait3A_134 = arith.constant 0 : i32
    %dma_wait3A_135 = arith.constant 0 : i32
    %dma_wait3A_136 = tpu.memref_slice %arg10[%dma_wait3A_134, %dma_wait3A_135] : memref<10112x144xf32, #tpu.memory_space<vmem_shared>> -> memref<10112x144xf32, #tpu.memory_space<vmem_shared>>
    tpu.wait_indirect_dma semaphore(%arg14 : memref<!tpu.dma_semaphore, #tpu.memory_space<semaphore_mem>>) src(%arg24 : memref<64x144xf32, #tpu.memory_space<vmem>>) dst(%dma_wait3A_136 : memref<10112x144xf32, #tpu.memory_space<vmem_shared>>)
    %barrier3A_137 = arith.constant 0 : index
    tpu.barrier barrier_id(%barrier3A_137)
    %lt3A_138 = arith.constant 15 : i32
    %lt3A_139 = arith.cmpi slt, %arg1, %lt3A_138 : i32
    %convert_element_type3A_140 = arith.extui %lt3A_139 : i1 to i32
    %cond3A_141 = arith.constant 0 : i32
    %cond3A_142 = arith.cmpi ne, %convert_element_type3A_140, %cond3A_141 : i32
    scf.if %cond3A_142 {
      %mul3A_149 = arith.constant 632 : i32
      %mul3A_150 = arith.muli %arg1, %mul3A_149 : i32
      %mul3A_151 = arith.constant 632 : i32
      %mul3A_152 = arith.muli %arg1, %mul3A_151 : i32
      "tpu.region"() ({
        %run_scoped3A = tpu.sem_alloc : memref<!tpu.dma_semaphore, #tpu.memory_space<semaphore_mem>>
        %dma_start3A_157 = arith.constant 0 : i32
        %dma_start3A_158 = tpu.memref_slice %arg6[%add3A_81, %mul3A_152, %dma_start3A_157] : memref<4x10000x128xf32, #tpu.memory_space<hbm>> -> memref<1x632x128xf32, #tpu.memory_space<hbm>>
        %dma_start3A_159 = tpu.memref_squeeze %dma_start3A_158 : memref<1x632x128xf32, #tpu.memory_space<hbm>> -> memref<632x128xf32, #tpu.memory_space<hbm>>
        %dma_start3A_160 = arith.constant 0 : i32
        %dma_start3A_161 = tpu.memref_slice %arg10[%mul3A_150, %dma_start3A_160] : memref<10112x144xf32, #tpu.memory_space<vmem_shared>> -> memref<632x128xf32, #tpu.memory_space<vmem_shared>>
        tpu.enqueue_dma source(%dma_start3A_161 : memref<632x128xf32, #tpu.memory_space<vmem_shared>>) target(%dma_start3A_159 : memref<632x128xf32, #tpu.memory_space<hbm>>) target_semaphore(%run_scoped3A : memref<!tpu.dma_semaphore, #tpu.memory_space<semaphore_mem>>)
        %dma_wait3A_162 = arith.constant 0 : i32
        %dma_wait3A_163 = tpu.memref_slice %arg6[%add3A_81, %mul3A_152, %dma_wait3A_162] : memref<4x10000x128xf32, #tpu.memory_space<hbm>> -> memref<1x632x128xf32, #tpu.memory_space<hbm>>
        %dma_wait3A_164 = tpu.memref_squeeze %dma_wait3A_163 : memref<1x632x128xf32, #tpu.memory_space<hbm>> -> memref<632x128xf32, #tpu.memory_space<hbm>>
        %dma_wait3A_165 = arith.constant 0 : i32
        %dma_wait3A_166 = tpu.memref_slice %arg10[%mul3A_150, %dma_wait3A_165] : memref<10112x144xf32, #tpu.memory_space<vmem_shared>> -> memref<632x128xf32, #tpu.memory_space<vmem_shared>>
        tpu.wait_dma2 semaphore(%run_scoped3A : memref<!tpu.dma_semaphore, #tpu.memory_space<semaphore_mem>>) src(%dma_wait3A_166 : memref<632x128xf32, #tpu.memory_space<vmem_shared>>) dst(%dma_wait3A_164 : memref<632x128xf32, #tpu.memory_space<hbm>>)
        tpu.yield
      }) : () -> ()
      %mul3A_153 = arith.constant 632 : i32
      %mul3A_154 = arith.muli %arg1, %mul3A_153 : i32
      %mul3A_155 = arith.constant 632 : i32
      %mul3A_156 = arith.muli %arg1, %mul3A_155 : i32
      "tpu.region"() ({
        %run_scoped3A = tpu.sem_alloc : memref<!tpu.dma_semaphore, #tpu.memory_space<semaphore_mem>>
        %dma_start3A_157 = arith.constant 0 : i32
        %dma_start3A_158 = tpu.memref_slice %arg7[%add3A_81, %mul3A_156, %dma_start3A_157] : memref<4x10000x16xf32, #tpu.memory_space<hbm>> -> memref<1x632x16xf32, #tpu.memory_space<hbm>>
        %dma_start3A_159 = tpu.memref_squeeze %dma_start3A_158 : memref<1x632x16xf32, #tpu.memory_space<hbm>> -> memref<632x16xf32, #tpu.memory_space<hbm>>
        %dma_start3A_160 = arith.constant 128 : i32
        %dma_start3A_161 = tpu.memref_slice %arg10[%mul3A_154, %dma_start3A_160] : memref<10112x144xf32, #tpu.memory_space<vmem_shared>> -> memref<632x16xf32, #tpu.memory_space<vmem_shared>>
        tpu.enqueue_dma source(%dma_start3A_161 : memref<632x16xf32, #tpu.memory_space<vmem_shared>>) target(%dma_start3A_159 : memref<632x16xf32, #tpu.memory_space<hbm>>) target_semaphore(%run_scoped3A : memref<!tpu.dma_semaphore, #tpu.memory_space<semaphore_mem>>)
        %dma_wait3A_162 = arith.constant 0 : i32
        %dma_wait3A_163 = tpu.memref_slice %arg7[%add3A_81, %mul3A_156, %dma_wait3A_162] : memref<4x10000x16xf32, #tpu.memory_space<hbm>> -> memref<1x632x16xf32, #tpu.memory_space<hbm>>
        %dma_wait3A_164 = tpu.memref_squeeze %dma_wait3A_163 : memref<1x632x16xf32, #tpu.memory_space<hbm>> -> memref<632x16xf32, #tpu.memory_space<hbm>>
        %dma_wait3A_165 = arith.constant 128 : i32
        %dma_wait3A_166 = tpu.memref_slice %arg10[%mul3A_154, %dma_wait3A_165] : memref<10112x144xf32, #tpu.memory_space<vmem_shared>> -> memref<632x16xf32, #tpu.memory_space<vmem_shared>>
        tpu.wait_dma2 semaphore(%run_scoped3A : memref<!tpu.dma_semaphore, #tpu.memory_space<semaphore_mem>>) src(%dma_wait3A_166 : memref<632x16xf32, #tpu.memory_space<vmem_shared>>) dst(%dma_wait3A_164 : memref<632x16xf32, #tpu.memory_space<hbm>>)
        tpu.yield
      }) : () -> ()
    } else {
    }
    %eq3A_143 = arith.constant 15 : i32
    %eq3A_144 = arith.cmpi eq, %arg1, %eq3A_143 : i32
    %convert_element_type3A_145 = arith.extui %eq3A_144 : i1 to i32
    %cond3A_146 = arith.constant 0 : i32
    %cond3A_147 = arith.cmpi ne, %convert_element_type3A_145, %cond3A_146 : i32
    scf.if %cond3A_147 {
      "tpu.region"() ({
        %run_scoped3A = tpu.sem_alloc : memref<!tpu.dma_semaphore, #tpu.memory_space<semaphore_mem>>
        %dma_start3A_149 = arith.constant 9480 : i32
        %dma_start3A_150 = arith.constant 0 : i32
        %dma_start3A_151 = tpu.memref_slice %arg6[%add3A_81, %dma_start3A_149, %dma_start3A_150] : memref<4x10000x128xf32, #tpu.memory_space<hbm>> -> memref<1x520x128xf32, #tpu.memory_space<hbm>>
        %dma_start3A_152 = tpu.memref_squeeze %dma_start3A_151 : memref<1x520x128xf32, #tpu.memory_space<hbm>> -> memref<520x128xf32, #tpu.memory_space<hbm>>
        %dma_start3A_153 = arith.constant 9480 : i32
        %dma_start3A_154 = arith.constant 0 : i32
        %dma_start3A_155 = tpu.memref_slice %arg10[%dma_start3A_153, %dma_start3A_154] : memref<10112x144xf32, #tpu.memory_space<vmem_shared>> -> memref<520x128xf32, #tpu.memory_space<vmem_shared>>
        tpu.enqueue_dma source(%dma_start3A_155 : memref<520x128xf32, #tpu.memory_space<vmem_shared>>) target(%dma_start3A_152 : memref<520x128xf32, #tpu.memory_space<hbm>>) target_semaphore(%run_scoped3A : memref<!tpu.dma_semaphore, #tpu.memory_space<semaphore_mem>>)
        %dma_wait3A_156 = arith.constant 9480 : i32
        %dma_wait3A_157 = arith.constant 0 : i32
        %dma_wait3A_158 = tpu.memref_slice %arg6[%add3A_81, %dma_wait3A_156, %dma_wait3A_157] : memref<4x10000x128xf32, #tpu.memory_space<hbm>> -> memref<1x520x128xf32, #tpu.memory_space<hbm>>
        %dma_wait3A_159 = tpu.memref_squeeze %dma_wait3A_158 : memref<1x520x128xf32, #tpu.memory_space<hbm>> -> memref<520x128xf32, #tpu.memory_space<hbm>>
        %dma_wait3A_160 = arith.constant 9480 : i32
        %dma_wait3A_161 = arith.constant 0 : i32
        %dma_wait3A_162 = tpu.memref_slice %arg10[%dma_wait3A_160, %dma_wait3A_161] : memref<10112x144xf32, #tpu.memory_space<vmem_shared>> -> memref<520x128xf32, #tpu.memory_space<vmem_shared>>
        tpu.wait_dma2 semaphore(%run_scoped3A : memref<!tpu.dma_semaphore, #tpu.memory_space<semaphore_mem>>) src(%dma_wait3A_162 : memref<520x128xf32, #tpu.memory_space<vmem_shared>>) dst(%dma_wait3A_159 : memref<520x128xf32, #tpu.memory_space<hbm>>)
        tpu.yield
      }) : () -> ()
      "tpu.region"() ({
        %run_scoped3A = tpu.sem_alloc : memref<!tpu.dma_semaphore, #tpu.memory_space<semaphore_mem>>
        %dma_start3A_149 = arith.constant 9480 : i32
        %dma_start3A_150 = arith.constant 0 : i32
        %dma_start3A_151 = tpu.memref_slice %arg7[%add3A_81, %dma_start3A_149, %dma_start3A_150] : memref<4x10000x16xf32, #tpu.memory_space<hbm>> -> memref<1x520x16xf32, #tpu.memory_space<hbm>>
        %dma_start3A_152 = tpu.memref_squeeze %dma_start3A_151 : memref<1x520x16xf32, #tpu.memory_space<hbm>> -> memref<520x16xf32, #tpu.memory_space<hbm>>
        %dma_start3A_153 = arith.constant 9480 : i32
        %dma_start3A_154 = arith.constant 128 : i32
        %dma_start3A_155 = tpu.memref_slice %arg10[%dma_start3A_153, %dma_start3A_154] : memref<10112x144xf32, #tpu.memory_space<vmem_shared>> -> memref<520x16xf32, #tpu.memory_space<vmem_shared>>
        tpu.enqueue_dma source(%dma_start3A_155 : memref<520x16xf32, #tpu.memory_space<vmem_shared>>) target(%dma_start3A_152 : memref<520x16xf32, #tpu.memory_space<hbm>>) target_semaphore(%run_scoped3A : memref<!tpu.dma_semaphore, #tpu.memory_space<semaphore_mem>>)
        %dma_wait3A_156 = arith.constant 9480 : i32
        %dma_wait3A_157 = arith.constant 0 : i32
        %dma_wait3A_158 = tpu.memref_slice %arg7[%add3A_81, %dma_wait3A_156, %dma_wait3A_157] : memref<4x10000x16xf32, #tpu.memory_space<hbm>> -> memref<1x520x16xf32, #tpu.memory_space<hbm>>
        %dma_wait3A_159 = tpu.memref_squeeze %dma_wait3A_158 : memref<1x520x16xf32, #tpu.memory_space<hbm>> -> memref<520x16xf32, #tpu.memory_space<hbm>>
        %dma_wait3A_160 = arith.constant 9480 : i32
        %dma_wait3A_161 = arith.constant 128 : i32
        %dma_wait3A_162 = tpu.memref_slice %arg10[%dma_wait3A_160, %dma_wait3A_161] : memref<10112x144xf32, #tpu.memory_space<vmem_shared>> -> memref<520x16xf32, #tpu.memory_space<vmem_shared>>
        tpu.wait_dma2 semaphore(%run_scoped3A : memref<!tpu.dma_semaphore, #tpu.memory_space<semaphore_mem>>) src(%dma_wait3A_162 : memref<520x16xf32, #tpu.memory_space<vmem_shared>>) dst(%dma_wait3A_159 : memref<520x16xf32, #tpu.memory_space<hbm>>)
        tpu.yield
      }) : () -> ()
    } else {
    }
    %barrier3A_148 = arith.constant 0 : index
    tpu.barrier barrier_id(%barrier3A_148)
    return
  }
}

module attributes {stable_mosaic.version = 14 : i64} {
  func.func @_tc_body(%arg0: i32, %arg1: memref<4x2000x128xf32, #tpu.memory_space<vmem>>, %arg2: memref<4x2000x16xf32, #tpu.memory_space<vmem>>, %arg3: memref<4x8xf32, #tpu.memory_space<smem>>, %arg4: memref<4x8xf32, #tpu.memory_space<smem>>, %arg5: memref<8x128x128xf32, #tpu.memory_space<vmem>>, %arg6: memref<8x128x128xf32, #tpu.memory_space<vmem>>, %arg7: memref<1x128xf32, #tpu.memory_space<vmem>>, %arg8: memref<1x128xf32, #tpu.memory_space<vmem>>, %arg9: memref<2000x128xf32, #tpu.memory_space<vmem>>, %arg10: memref<2000x128xf32, #tpu.memory_space<vmem>>, %arg11: memref<4x128x128xf32, #tpu.memory_space<vmem>>, %arg12: memref<4x128x128xf32, #tpu.memory_space<vmem>>) attributes {dimension_semantics = [#tpu.dimension_semantics<arbitrary>], iteration_bounds = array<i64: 5>, scalar_prefetch = 0 : i64, scratch_operands = 2 : i64, tpu.core_type = #tpu.core_type<tc>, window_params = [{transform_indices = @transform_0, window_bounds = array<i64: 4, 2000, 128>}, {transform_indices = @transform_1, window_bounds = array<i64: 4, 2000, 16>}, {transform_indices = @transform_2, window_bounds = array<i64: 4, 8>}, {transform_indices = @transform_3, window_bounds = array<i64: 4, 8>}, {pipeline_mode = #tpu.pipeline_mode<synchronous>, transform_indices = @transform_4, window_bounds = array<i64: 8, 128, 128>}, {pipeline_mode = #tpu.pipeline_mode<synchronous>, transform_indices = @transform_5, window_bounds = array<i64: 8, 128, 128>}, {pipeline_mode = #tpu.pipeline_mode<synchronous>, transform_indices = @transform_6, window_bounds = array<i64: 1, 128>}, {pipeline_mode = #tpu.pipeline_mode<synchronous>, transform_indices = @transform_7, window_bounds = array<i64: 1, 128>}, {transform_indices = @transform_8, window_bounds = array<i64: 2000, 128>}, {transform_indices = @transform_9, window_bounds = array<i64: 2000, 128>}]} {
    %eq3A = arith.constant 0 : i32
    %eq3A_0 = arith.cmpi eq, %arg0, %eq3A : i32
    %convert_element_type3A = arith.extui %eq3A_0 : i1 to i32
    %cond3A = arith.constant 0 : i32
    %cond3A_1 = arith.cmpi ne, %convert_element_type3A, %cond3A : i32
    scf.if %cond3A_1 {
      %broadcast_in_dim3A_193 = arith.constant 0.000000e+00 : f32
      %broadcast_in_dim3A_194 = vector.broadcast %broadcast_in_dim3A_193 : f32 to vector<128x128xf32>
      %broadcast_in_dim3A_195 = arith.constant 0.000000e+00 : f32
      %broadcast_in_dim3A_196 = vector.broadcast %broadcast_in_dim3A_195 : f32 to vector<128x128xf32>
      %get3A_197 = arith.constant 0 : index
      %get3A_198 = arith.constant 0 : index
      %get3A_199 = memref.load %arg3[%get3A_197, %get3A_198] : memref<4x8xf32, #tpu.memory_space<smem>>
      %get3A_200 = arith.constant 0 : index
      %get3A_201 = arith.constant 0 : index
      %get3A_202 = arith.constant 0 : index
      %get3A_203 = vector.load %arg5[%get3A_200, %get3A_201, %get3A_202] : memref<8x128x128xf32, #tpu.memory_space<vmem>>, vector<1x128x128xf32>
      %get3A_204 = vector.shape_cast %get3A_203 : vector<1x128x128xf32> to vector<128x128xf32>
      %mul3A_205 = vector.broadcast %get3A_199 : f32 to vector<128x128xf32>
      %mul3A_206 = arith.mulf %mul3A_205, %get3A_204 : vector<128x128xf32>
      %add3A_207 = arith.addf %broadcast_in_dim3A_194, %mul3A_206 : vector<128x128xf32>
      %get3A_208 = arith.constant 0 : index
      %get3A_209 = arith.constant 0 : index
      %get3A_210 = memref.load %arg4[%get3A_208, %get3A_209] : memref<4x8xf32, #tpu.memory_space<smem>>
      %get3A_211 = arith.constant 0 : index
      %get3A_212 = arith.constant 0 : index
      %get3A_213 = arith.constant 0 : index
      %get3A_214 = vector.load %arg6[%get3A_211, %get3A_212, %get3A_213] : memref<8x128x128xf32, #tpu.memory_space<vmem>>, vector<1x128x128xf32>
      %get3A_215 = vector.shape_cast %get3A_214 : vector<1x128x128xf32> to vector<128x128xf32>
      %mul3A_216 = vector.broadcast %get3A_210 : f32 to vector<128x128xf32>
      %mul3A_217 = arith.mulf %mul3A_216, %get3A_215 : vector<128x128xf32>
      %add3A_218 = arith.addf %broadcast_in_dim3A_196, %mul3A_217 : vector<128x128xf32>
      %get3A_219 = arith.constant 0 : index
      %get3A_220 = arith.constant 1 : index
      %get3A_221 = memref.load %arg3[%get3A_219, %get3A_220] : memref<4x8xf32, #tpu.memory_space<smem>>
      %get3A_222 = arith.constant 1 : index
      %get3A_223 = arith.constant 0 : index
      %get3A_224 = arith.constant 0 : index
      %get3A_225 = vector.load %arg5[%get3A_222, %get3A_223, %get3A_224] : memref<8x128x128xf32, #tpu.memory_space<vmem>>, vector<1x128x128xf32>
      %get3A_226 = vector.shape_cast %get3A_225 : vector<1x128x128xf32> to vector<128x128xf32>
      %mul3A_227 = vector.broadcast %get3A_221 : f32 to vector<128x128xf32>
      %mul3A_228 = arith.mulf %mul3A_227, %get3A_226 : vector<128x128xf32>
      %add3A_229 = arith.addf %add3A_207, %mul3A_228 : vector<128x128xf32>
      %get3A_230 = arith.constant 0 : index
      %get3A_231 = arith.constant 1 : index
      %get3A_232 = memref.load %arg4[%get3A_230, %get3A_231] : memref<4x8xf32, #tpu.memory_space<smem>>
      %get3A_233 = arith.constant 1 : index
      %get3A_234 = arith.constant 0 : index
      %get3A_235 = arith.constant 0 : index
      %get3A_236 = vector.load %arg6[%get3A_233, %get3A_234, %get3A_235] : memref<8x128x128xf32, #tpu.memory_space<vmem>>, vector<1x128x128xf32>
      %get3A_237 = vector.shape_cast %get3A_236 : vector<1x128x128xf32> to vector<128x128xf32>
      %mul3A_238 = vector.broadcast %get3A_232 : f32 to vector<128x128xf32>
      %mul3A_239 = arith.mulf %mul3A_238, %get3A_237 : vector<128x128xf32>
      %add3A_240 = arith.addf %add3A_218, %mul3A_239 : vector<128x128xf32>
      %get3A_241 = arith.constant 0 : index
      %get3A_242 = arith.constant 2 : index
      %get3A_243 = memref.load %arg3[%get3A_241, %get3A_242] : memref<4x8xf32, #tpu.memory_space<smem>>
      %get3A_244 = arith.constant 2 : index
      %get3A_245 = arith.constant 0 : index
      %get3A_246 = arith.constant 0 : index
      %get3A_247 = vector.load %arg5[%get3A_244, %get3A_245, %get3A_246] : memref<8x128x128xf32, #tpu.memory_space<vmem>>, vector<1x128x128xf32>
      %get3A_248 = vector.shape_cast %get3A_247 : vector<1x128x128xf32> to vector<128x128xf32>
      %mul3A_249 = vector.broadcast %get3A_243 : f32 to vector<128x128xf32>
      %mul3A_250 = arith.mulf %mul3A_249, %get3A_248 : vector<128x128xf32>
      %add3A_251 = arith.addf %add3A_229, %mul3A_250 : vector<128x128xf32>
      %get3A_252 = arith.constant 0 : index
      %get3A_253 = arith.constant 2 : index
      %get3A_254 = memref.load %arg4[%get3A_252, %get3A_253] : memref<4x8xf32, #tpu.memory_space<smem>>
      %get3A_255 = arith.constant 2 : index
      %get3A_256 = arith.constant 0 : index
      %get3A_257 = arith.constant 0 : index
      %get3A_258 = vector.load %arg6[%get3A_255, %get3A_256, %get3A_257] : memref<8x128x128xf32, #tpu.memory_space<vmem>>, vector<1x128x128xf32>
      %get3A_259 = vector.shape_cast %get3A_258 : vector<1x128x128xf32> to vector<128x128xf32>
      %mul3A_260 = vector.broadcast %get3A_254 : f32 to vector<128x128xf32>
      %mul3A_261 = arith.mulf %mul3A_260, %get3A_259 : vector<128x128xf32>
      %add3A_262 = arith.addf %add3A_240, %mul3A_261 : vector<128x128xf32>
      %get3A_263 = arith.constant 0 : index
      %get3A_264 = arith.constant 3 : index
      %get3A_265 = memref.load %arg3[%get3A_263, %get3A_264] : memref<4x8xf32, #tpu.memory_space<smem>>
      %get3A_266 = arith.constant 3 : index
      %get3A_267 = arith.constant 0 : index
      %get3A_268 = arith.constant 0 : index
      %get3A_269 = vector.load %arg5[%get3A_266, %get3A_267, %get3A_268] : memref<8x128x128xf32, #tpu.memory_space<vmem>>, vector<1x128x128xf32>
      %get3A_270 = vector.shape_cast %get3A_269 : vector<1x128x128xf32> to vector<128x128xf32>
      %mul3A_271 = vector.broadcast %get3A_265 : f32 to vector<128x128xf32>
      %mul3A_272 = arith.mulf %mul3A_271, %get3A_270 : vector<128x128xf32>
      %add3A_273 = arith.addf %add3A_251, %mul3A_272 : vector<128x128xf32>
      %get3A_274 = arith.constant 0 : index
      %get3A_275 = arith.constant 3 : index
      %get3A_276 = memref.load %arg4[%get3A_274, %get3A_275] : memref<4x8xf32, #tpu.memory_space<smem>>
      %get3A_277 = arith.constant 3 : index
      %get3A_278 = arith.constant 0 : index
      %get3A_279 = arith.constant 0 : index
      %get3A_280 = vector.load %arg6[%get3A_277, %get3A_278, %get3A_279] : memref<8x128x128xf32, #tpu.memory_space<vmem>>, vector<1x128x128xf32>
      %get3A_281 = vector.shape_cast %get3A_280 : vector<1x128x128xf32> to vector<128x128xf32>
      %mul3A_282 = vector.broadcast %get3A_276 : f32 to vector<128x128xf32>
      %mul3A_283 = arith.mulf %mul3A_282, %get3A_281 : vector<128x128xf32>
      %add3A_284 = arith.addf %add3A_262, %mul3A_283 : vector<128x128xf32>
      %get3A_285 = arith.constant 0 : index
      %get3A_286 = arith.constant 4 : index
      %get3A_287 = memref.load %arg3[%get3A_285, %get3A_286] : memref<4x8xf32, #tpu.memory_space<smem>>
      %get3A_288 = arith.constant 4 : index
      %get3A_289 = arith.constant 0 : index
      %get3A_290 = arith.constant 0 : index
      %get3A_291 = vector.load %arg5[%get3A_288, %get3A_289, %get3A_290] : memref<8x128x128xf32, #tpu.memory_space<vmem>>, vector<1x128x128xf32>
      %get3A_292 = vector.shape_cast %get3A_291 : vector<1x128x128xf32> to vector<128x128xf32>
      %mul3A_293 = vector.broadcast %get3A_287 : f32 to vector<128x128xf32>
      %mul3A_294 = arith.mulf %mul3A_293, %get3A_292 : vector<128x128xf32>
      %add3A_295 = arith.addf %add3A_273, %mul3A_294 : vector<128x128xf32>
      %get3A_296 = arith.constant 0 : index
      %get3A_297 = arith.constant 4 : index
      %get3A_298 = memref.load %arg4[%get3A_296, %get3A_297] : memref<4x8xf32, #tpu.memory_space<smem>>
      %get3A_299 = arith.constant 4 : index
      %get3A_300 = arith.constant 0 : index
      %get3A_301 = arith.constant 0 : index
      %get3A_302 = vector.load %arg6[%get3A_299, %get3A_300, %get3A_301] : memref<8x128x128xf32, #tpu.memory_space<vmem>>, vector<1x128x128xf32>
      %get3A_303 = vector.shape_cast %get3A_302 : vector<1x128x128xf32> to vector<128x128xf32>
      %mul3A_304 = vector.broadcast %get3A_298 : f32 to vector<128x128xf32>
      %mul3A_305 = arith.mulf %mul3A_304, %get3A_303 : vector<128x128xf32>
      %add3A_306 = arith.addf %add3A_284, %mul3A_305 : vector<128x128xf32>
      %get3A_307 = arith.constant 0 : index
      %get3A_308 = arith.constant 5 : index
      %get3A_309 = memref.load %arg3[%get3A_307, %get3A_308] : memref<4x8xf32, #tpu.memory_space<smem>>
      %get3A_310 = arith.constant 5 : index
      %get3A_311 = arith.constant 0 : index
      %get3A_312 = arith.constant 0 : index
      %get3A_313 = vector.load %arg5[%get3A_310, %get3A_311, %get3A_312] : memref<8x128x128xf32, #tpu.memory_space<vmem>>, vector<1x128x128xf32>
      %get3A_314 = vector.shape_cast %get3A_313 : vector<1x128x128xf32> to vector<128x128xf32>
      %mul3A_315 = vector.broadcast %get3A_309 : f32 to vector<128x128xf32>
      %mul3A_316 = arith.mulf %mul3A_315, %get3A_314 : vector<128x128xf32>
      %add3A_317 = arith.addf %add3A_295, %mul3A_316 : vector<128x128xf32>
      %get3A_318 = arith.constant 0 : index
      %get3A_319 = arith.constant 5 : index
      %get3A_320 = memref.load %arg4[%get3A_318, %get3A_319] : memref<4x8xf32, #tpu.memory_space<smem>>
      %get3A_321 = arith.constant 5 : index
      %get3A_322 = arith.constant 0 : index
      %get3A_323 = arith.constant 0 : index
      %get3A_324 = vector.load %arg6[%get3A_321, %get3A_322, %get3A_323] : memref<8x128x128xf32, #tpu.memory_space<vmem>>, vector<1x128x128xf32>
      %get3A_325 = vector.shape_cast %get3A_324 : vector<1x128x128xf32> to vector<128x128xf32>
      %mul3A_326 = vector.broadcast %get3A_320 : f32 to vector<128x128xf32>
      %mul3A_327 = arith.mulf %mul3A_326, %get3A_325 : vector<128x128xf32>
      %add3A_328 = arith.addf %add3A_306, %mul3A_327 : vector<128x128xf32>
      %get3A_329 = arith.constant 0 : index
      %get3A_330 = arith.constant 6 : index
      %get3A_331 = memref.load %arg3[%get3A_329, %get3A_330] : memref<4x8xf32, #tpu.memory_space<smem>>
      %get3A_332 = arith.constant 6 : index
      %get3A_333 = arith.constant 0 : index
      %get3A_334 = arith.constant 0 : index
      %get3A_335 = vector.load %arg5[%get3A_332, %get3A_333, %get3A_334] : memref<8x128x128xf32, #tpu.memory_space<vmem>>, vector<1x128x128xf32>
      %get3A_336 = vector.shape_cast %get3A_335 : vector<1x128x128xf32> to vector<128x128xf32>
      %mul3A_337 = vector.broadcast %get3A_331 : f32 to vector<128x128xf32>
      %mul3A_338 = arith.mulf %mul3A_337, %get3A_336 : vector<128x128xf32>
      %add3A_339 = arith.addf %add3A_317, %mul3A_338 : vector<128x128xf32>
      %get3A_340 = arith.constant 0 : index
      %get3A_341 = arith.constant 6 : index
      %get3A_342 = memref.load %arg4[%get3A_340, %get3A_341] : memref<4x8xf32, #tpu.memory_space<smem>>
      %get3A_343 = arith.constant 6 : index
      %get3A_344 = arith.constant 0 : index
      %get3A_345 = arith.constant 0 : index
      %get3A_346 = vector.load %arg6[%get3A_343, %get3A_344, %get3A_345] : memref<8x128x128xf32, #tpu.memory_space<vmem>>, vector<1x128x128xf32>
      %get3A_347 = vector.shape_cast %get3A_346 : vector<1x128x128xf32> to vector<128x128xf32>
      %mul3A_348 = vector.broadcast %get3A_342 : f32 to vector<128x128xf32>
      %mul3A_349 = arith.mulf %mul3A_348, %get3A_347 : vector<128x128xf32>
      %add3A_350 = arith.addf %add3A_328, %mul3A_349 : vector<128x128xf32>
      %get3A_351 = arith.constant 0 : index
      %get3A_352 = arith.constant 7 : index
      %get3A_353 = memref.load %arg3[%get3A_351, %get3A_352] : memref<4x8xf32, #tpu.memory_space<smem>>
      %get3A_354 = arith.constant 7 : index
      %get3A_355 = arith.constant 0 : index
      %get3A_356 = arith.constant 0 : index
      %get3A_357 = vector.load %arg5[%get3A_354, %get3A_355, %get3A_356] : memref<8x128x128xf32, #tpu.memory_space<vmem>>, vector<1x128x128xf32>
      %get3A_358 = vector.shape_cast %get3A_357 : vector<1x128x128xf32> to vector<128x128xf32>
      %mul3A_359 = vector.broadcast %get3A_353 : f32 to vector<128x128xf32>
      %mul3A_360 = arith.mulf %mul3A_359, %get3A_358 : vector<128x128xf32>
      %add3A_361 = arith.addf %add3A_339, %mul3A_360 : vector<128x128xf32>
      %get3A_362 = arith.constant 0 : index
      %get3A_363 = arith.constant 7 : index
      %get3A_364 = memref.load %arg4[%get3A_362, %get3A_363] : memref<4x8xf32, #tpu.memory_space<smem>>
      %get3A_365 = arith.constant 7 : index
      %get3A_366 = arith.constant 0 : index
      %get3A_367 = arith.constant 0 : index
      %get3A_368 = vector.load %arg6[%get3A_365, %get3A_366, %get3A_367] : memref<8x128x128xf32, #tpu.memory_space<vmem>>, vector<1x128x128xf32>
      %get3A_369 = vector.shape_cast %get3A_368 : vector<1x128x128xf32> to vector<128x128xf32>
      %mul3A_370 = vector.broadcast %get3A_364 : f32 to vector<128x128xf32>
      %mul3A_371 = arith.mulf %mul3A_370, %get3A_369 : vector<128x128xf32>
      %add3A_372 = arith.addf %add3A_350, %mul3A_371 : vector<128x128xf32>
      %swap3A_373 = arith.constant 0 : index
      %swap3A_374 = arith.constant 0 : index
      %swap3A_375 = arith.constant 0 : index
      %swap3A_376 = vector.load %arg11[%swap3A_373, %swap3A_374, %swap3A_375] : memref<4x128x128xf32, #tpu.memory_space<vmem>>, vector<1x128x128xf32>
      %swap3A_377 = vector.shape_cast %swap3A_376 : vector<1x128x128xf32> to vector<128x128xf32>
      %swap3A_378 = vector.shape_cast %add3A_361 : vector<128x128xf32> to vector<1x128x128xf32>
      tpu.vector_store %arg11[%swap3A_373, %swap3A_374, %swap3A_375], %swap3A_378 {strides = array<i32>} : memref<4x128x128xf32, #tpu.memory_space<vmem>>, vector<1x128x128xf32>,
      %swap3A_379 = arith.constant 0 : index
      %swap3A_380 = arith.constant 0 : index
      %swap3A_381 = arith.constant 0 : index
      %swap3A_382 = vector.load %arg12[%swap3A_379, %swap3A_380, %swap3A_381] : memref<4x128x128xf32, #tpu.memory_space<vmem>>, vector<1x128x128xf32>
      %swap3A_383 = vector.shape_cast %swap3A_382 : vector<1x128x128xf32> to vector<128x128xf32>
      %swap3A_384 = vector.shape_cast %add3A_372 : vector<128x128xf32> to vector<1x128x128xf32>
      tpu.vector_store %arg12[%swap3A_379, %swap3A_380, %swap3A_381], %swap3A_384 {strides = array<i32>} : memref<4x128x128xf32, #tpu.memory_space<vmem>>, vector<1x128x128xf32>,
      %broadcast_in_dim3A_385 = arith.constant 0.000000e+00 : f32
      %broadcast_in_dim3A_386 = vector.broadcast %broadcast_in_dim3A_385 : f32 to vector<128x128xf32>
      %broadcast_in_dim3A_387 = arith.constant 0.000000e+00 : f32
      %broadcast_in_dim3A_388 = vector.broadcast %broadcast_in_dim3A_387 : f32 to vector<128x128xf32>
      %get3A_389 = arith.constant 1 : index
      %get3A_390 = arith.constant 0 : index
      %get3A_391 = memref.load %arg3[%get3A_389, %get3A_390] : memref<4x8xf32, #tpu.memory_space<smem>>
      %get3A_392 = arith.constant 0 : index
      %get3A_393 = arith.constant 0 : index
      %get3A_394 = arith.constant 0 : index
      %get3A_395 = vector.load %arg5[%get3A_392, %get3A_393, %get3A_394] : memref<8x128x128xf32, #tpu.memory_space<vmem>>, vector<1x128x128xf32>
      %get3A_396 = vector.shape_cast %get3A_395 : vector<1x128x128xf32> to vector<128x128xf32>
      %mul3A_397 = vector.broadcast %get3A_391 : f32 to vector<128x128xf32>
      %mul3A_398 = arith.mulf %mul3A_397, %get3A_396 : vector<128x128xf32>
      %add3A_399 = arith.addf %broadcast_in_dim3A_386, %mul3A_398 : vector<128x128xf32>
      %get3A_400 = arith.constant 1 : index
      %get3A_401 = arith.constant 0 : index
      %get3A_402 = memref.load %arg4[%get3A_400, %get3A_401] : memref<4x8xf32, #tpu.memory_space<smem>>
      %get3A_403 = arith.constant 0 : index
      %get3A_404 = arith.constant 0 : index
      %get3A_405 = arith.constant 0 : index
      %get3A_406 = vector.load %arg6[%get3A_403, %get3A_404, %get3A_405] : memref<8x128x128xf32, #tpu.memory_space<vmem>>, vector<1x128x128xf32>
      %get3A_407 = vector.shape_cast %get3A_406 : vector<1x128x128xf32> to vector<128x128xf32>
      %mul3A_408 = vector.broadcast %get3A_402 : f32 to vector<128x128xf32>
      %mul3A_409 = arith.mulf %mul3A_408, %get3A_407 : vector<128x128xf32>
      %add3A_410 = arith.addf %broadcast_in_dim3A_388, %mul3A_409 : vector<128x128xf32>
      %get3A_411 = arith.constant 1 : index
      %get3A_412 = arith.constant 1 : index
      %get3A_413 = memref.load %arg3[%get3A_411, %get3A_412] : memref<4x8xf32, #tpu.memory_space<smem>>
      %get3A_414 = arith.constant 1 : index
      %get3A_415 = arith.constant 0 : index
      %get3A_416 = arith.constant 0 : index
      %get3A_417 = vector.load %arg5[%get3A_414, %get3A_415, %get3A_416] : memref<8x128x128xf32, #tpu.memory_space<vmem>>, vector<1x128x128xf32>
      %get3A_418 = vector.shape_cast %get3A_417 : vector<1x128x128xf32> to vector<128x128xf32>
      %mul3A_419 = vector.broadcast %get3A_413 : f32 to vector<128x128xf32>
      %mul3A_420 = arith.mulf %mul3A_419, %get3A_418 : vector<128x128xf32>
      %add3A_421 = arith.addf %add3A_399, %mul3A_420 : vector<128x128xf32>
      %get3A_422 = arith.constant 1 : index
      %get3A_423 = arith.constant 1 : index
      %get3A_424 = memref.load %arg4[%get3A_422, %get3A_423] : memref<4x8xf32, #tpu.memory_space<smem>>
      %get3A_425 = arith.constant 1 : index
      %get3A_426 = arith.constant 0 : index
      %get3A_427 = arith.constant 0 : index
      %get3A_428 = vector.load %arg6[%get3A_425, %get3A_426, %get3A_427] : memref<8x128x128xf32, #tpu.memory_space<vmem>>, vector<1x128x128xf32>
      %get3A_429 = vector.shape_cast %get3A_428 : vector<1x128x128xf32> to vector<128x128xf32>
      %mul3A_430 = vector.broadcast %get3A_424 : f32 to vector<128x128xf32>
      %mul3A_431 = arith.mulf %mul3A_430, %get3A_429 : vector<128x128xf32>
      %add3A_432 = arith.addf %add3A_410, %mul3A_431 : vector<128x128xf32>
      %get3A_433 = arith.constant 1 : index
      %get3A_434 = arith.constant 2 : index
      %get3A_435 = memref.load %arg3[%get3A_433, %get3A_434] : memref<4x8xf32, #tpu.memory_space<smem>>
      %get3A_436 = arith.constant 2 : index
      %get3A_437 = arith.constant 0 : index
      %get3A_438 = arith.constant 0 : index
      %get3A_439 = vector.load %arg5[%get3A_436, %get3A_437, %get3A_438] : memref<8x128x128xf32, #tpu.memory_space<vmem>>, vector<1x128x128xf32>
      %get3A_440 = vector.shape_cast %get3A_439 : vector<1x128x128xf32> to vector<128x128xf32>
      %mul3A_441 = vector.broadcast %get3A_435 : f32 to vector<128x128xf32>
      %mul3A_442 = arith.mulf %mul3A_441, %get3A_440 : vector<128x128xf32>
      %add3A_443 = arith.addf %add3A_421, %mul3A_442 : vector<128x128xf32>
      %get3A_444 = arith.constant 1 : index
      %get3A_445 = arith.constant 2 : index
      %get3A_446 = memref.load %arg4[%get3A_444, %get3A_445] : memref<4x8xf32, #tpu.memory_space<smem>>
      %get3A_447 = arith.constant 2 : index
      %get3A_448 = arith.constant 0 : index
      %get3A_449 = arith.constant 0 : index
      %get3A_450 = vector.load %arg6[%get3A_447, %get3A_448, %get3A_449] : memref<8x128x128xf32, #tpu.memory_space<vmem>>, vector<1x128x128xf32>
      %get3A_451 = vector.shape_cast %get3A_450 : vector<1x128x128xf32> to vector<128x128xf32>
      %mul3A_452 = vector.broadcast %get3A_446 : f32 to vector<128x128xf32>
      %mul3A_453 = arith.mulf %mul3A_452, %get3A_451 : vector<128x128xf32>
      %add3A_454 = arith.addf %add3A_432, %mul3A_453 : vector<128x128xf32>
      %get3A_455 = arith.constant 1 : index
      %get3A_456 = arith.constant 3 : index
      %get3A_457 = memref.load %arg3[%get3A_455, %get3A_456] : memref<4x8xf32, #tpu.memory_space<smem>>
      %get3A_458 = arith.constant 3 : index
      %get3A_459 = arith.constant 0 : index
      %get3A_460 = arith.constant 0 : index
      %get3A_461 = vector.load %arg5[%get3A_458, %get3A_459, %get3A_460] : memref<8x128x128xf32, #tpu.memory_space<vmem>>, vector<1x128x128xf32>
      %get3A_462 = vector.shape_cast %get3A_461 : vector<1x128x128xf32> to vector<128x128xf32>
      %mul3A_463 = vector.broadcast %get3A_457 : f32 to vector<128x128xf32>
      %mul3A_464 = arith.mulf %mul3A_463, %get3A_462 : vector<128x128xf32>
      %add3A_465 = arith.addf %add3A_443, %mul3A_464 : vector<128x128xf32>
      %get3A_466 = arith.constant 1 : index
      %get3A_467 = arith.constant 3 : index
      %get3A_468 = memref.load %arg4[%get3A_466, %get3A_467] : memref<4x8xf32, #tpu.memory_space<smem>>
      %get3A_469 = arith.constant 3 : index
      %get3A_470 = arith.constant 0 : index
      %get3A_471 = arith.constant 0 : index
      %get3A_472 = vector.load %arg6[%get3A_469, %get3A_470, %get3A_471] : memref<8x128x128xf32, #tpu.memory_space<vmem>>, vector<1x128x128xf32>
      %get3A_473 = vector.shape_cast %get3A_472 : vector<1x128x128xf32> to vector<128x128xf32>
      %mul3A_474 = vector.broadcast %get3A_468 : f32 to vector<128x128xf32>
      %mul3A_475 = arith.mulf %mul3A_474, %get3A_473 : vector<128x128xf32>
      %add3A_476 = arith.addf %add3A_454, %mul3A_475 : vector<128x128xf32>
      %get3A_477 = arith.constant 1 : index
      %get3A_478 = arith.constant 4 : index
      %get3A_479 = memref.load %arg3[%get3A_477, %get3A_478] : memref<4x8xf32, #tpu.memory_space<smem>>
      %get3A_480 = arith.constant 4 : index
      %get3A_481 = arith.constant 0 : index
      %get3A_482 = arith.constant 0 : index
      %get3A_483 = vector.load %arg5[%get3A_480, %get3A_481, %get3A_482] : memref<8x128x128xf32, #tpu.memory_space<vmem>>, vector<1x128x128xf32>
      %get3A_484 = vector.shape_cast %get3A_483 : vector<1x128x128xf32> to vector<128x128xf32>
      %mul3A_485 = vector.broadcast %get3A_479 : f32 to vector<128x128xf32>
      %mul3A_486 = arith.mulf %mul3A_485, %get3A_484 : vector<128x128xf32>
      %add3A_487 = arith.addf %add3A_465, %mul3A_486 : vector<128x128xf32>
      %get3A_488 = arith.constant 1 : index
      %get3A_489 = arith.constant 4 : index
      %get3A_490 = memref.load %arg4[%get3A_488, %get3A_489] : memref<4x8xf32, #tpu.memory_space<smem>>
      %get3A_491 = arith.constant 4 : index
      %get3A_492 = arith.constant 0 : index
      %get3A_493 = arith.constant 0 : index
      %get3A_494 = vector.load %arg6[%get3A_491, %get3A_492, %get3A_493] : memref<8x128x128xf32, #tpu.memory_space<vmem>>, vector<1x128x128xf32>
      %get3A_495 = vector.shape_cast %get3A_494 : vector<1x128x128xf32> to vector<128x128xf32>
      %mul3A_496 = vector.broadcast %get3A_490 : f32 to vector<128x128xf32>
      %mul3A_497 = arith.mulf %mul3A_496, %get3A_495 : vector<128x128xf32>
      %add3A_498 = arith.addf %add3A_476, %mul3A_497 : vector<128x128xf32>
      %get3A_499 = arith.constant 1 : index
      %get3A_500 = arith.constant 5 : index
      %get3A_501 = memref.load %arg3[%get3A_499, %get3A_500] : memref<4x8xf32, #tpu.memory_space<smem>>
      %get3A_502 = arith.constant 5 : index
      %get3A_503 = arith.constant 0 : index
      %get3A_504 = arith.constant 0 : index
      %get3A_505 = vector.load %arg5[%get3A_502, %get3A_503, %get3A_504] : memref<8x128x128xf32, #tpu.memory_space<vmem>>, vector<1x128x128xf32>
      %get3A_506 = vector.shape_cast %get3A_505 : vector<1x128x128xf32> to vector<128x128xf32>
      %mul3A_507 = vector.broadcast %get3A_501 : f32 to vector<128x128xf32>
      %mul3A_508 = arith.mulf %mul3A_507, %get3A_506 : vector<128x128xf32>
      %add3A_509 = arith.addf %add3A_487, %mul3A_508 : vector<128x128xf32>
      %get3A_510 = arith.constant 1 : index
      %get3A_511 = arith.constant 5 : index
      %get3A_512 = memref.load %arg4[%get3A_510, %get3A_511] : memref<4x8xf32, #tpu.memory_space<smem>>
      %get3A_513 = arith.constant 5 : index
      %get3A_514 = arith.constant 0 : index
      %get3A_515 = arith.constant 0 : index
      %get3A_516 = vector.load %arg6[%get3A_513, %get3A_514, %get3A_515] : memref<8x128x128xf32, #tpu.memory_space<vmem>>, vector<1x128x128xf32>
      %get3A_517 = vector.shape_cast %get3A_516 : vector<1x128x128xf32> to vector<128x128xf32>
      %mul3A_518 = vector.broadcast %get3A_512 : f32 to vector<128x128xf32>
      %mul3A_519 = arith.mulf %mul3A_518, %get3A_517 : vector<128x128xf32>
      %add3A_520 = arith.addf %add3A_498, %mul3A_519 : vector<128x128xf32>
      %get3A_521 = arith.constant 1 : index
      %get3A_522 = arith.constant 6 : index
      %get3A_523 = memref.load %arg3[%get3A_521, %get3A_522] : memref<4x8xf32, #tpu.memory_space<smem>>
      %get3A_524 = arith.constant 6 : index
      %get3A_525 = arith.constant 0 : index
      %get3A_526 = arith.constant 0 : index
      %get3A_527 = vector.load %arg5[%get3A_524, %get3A_525, %get3A_526] : memref<8x128x128xf32, #tpu.memory_space<vmem>>, vector<1x128x128xf32>
      %get3A_528 = vector.shape_cast %get3A_527 : vector<1x128x128xf32> to vector<128x128xf32>
      %mul3A_529 = vector.broadcast %get3A_523 : f32 to vector<128x128xf32>
      %mul3A_530 = arith.mulf %mul3A_529, %get3A_528 : vector<128x128xf32>
      %add3A_531 = arith.addf %add3A_509, %mul3A_530 : vector<128x128xf32>
      %get3A_532 = arith.constant 1 : index
      %get3A_533 = arith.constant 6 : index
      %get3A_534 = memref.load %arg4[%get3A_532, %get3A_533] : memref<4x8xf32, #tpu.memory_space<smem>>
      %get3A_535 = arith.constant 6 : index
      %get3A_536 = arith.constant 0 : index
      %get3A_537 = arith.constant 0 : index
      %get3A_538 = vector.load %arg6[%get3A_535, %get3A_536, %get3A_537] : memref<8x128x128xf32, #tpu.memory_space<vmem>>, vector<1x128x128xf32>
      %get3A_539 = vector.shape_cast %get3A_538 : vector<1x128x128xf32> to vector<128x128xf32>
      %mul3A_540 = vector.broadcast %get3A_534 : f32 to vector<128x128xf32>
      %mul3A_541 = arith.mulf %mul3A_540, %get3A_539 : vector<128x128xf32>
      %add3A_542 = arith.addf %add3A_520, %mul3A_541 : vector<128x128xf32>
      %get3A_543 = arith.constant 1 : index
      %get3A_544 = arith.constant 7 : index
      %get3A_545 = memref.load %arg3[%get3A_543, %get3A_544] : memref<4x8xf32, #tpu.memory_space<smem>>
      %get3A_546 = arith.constant 7 : index
      %get3A_547 = arith.constant 0 : index
      %get3A_548 = arith.constant 0 : index
      %get3A_549 = vector.load %arg5[%get3A_546, %get3A_547, %get3A_548] : memref<8x128x128xf32, #tpu.memory_space<vmem>>, vector<1x128x128xf32>
      %get3A_550 = vector.shape_cast %get3A_549 : vector<1x128x128xf32> to vector<128x128xf32>
      %mul3A_551 = vector.broadcast %get3A_545 : f32 to vector<128x128xf32>
      %mul3A_552 = arith.mulf %mul3A_551, %get3A_550 : vector<128x128xf32>
      %add3A_553 = arith.addf %add3A_531, %mul3A_552 : vector<128x128xf32>
      %get3A_554 = arith.constant 1 : index
      %get3A_555 = arith.constant 7 : index
      %get3A_556 = memref.load %arg4[%get3A_554, %get3A_555] : memref<4x8xf32, #tpu.memory_space<smem>>
      %get3A_557 = arith.constant 7 : index
      %get3A_558 = arith.constant 0 : index
      %get3A_559 = arith.constant 0 : index
      %get3A_560 = vector.load %arg6[%get3A_557, %get3A_558, %get3A_559] : memref<8x128x128xf32, #tpu.memory_space<vmem>>, vector<1x128x128xf32>
      %get3A_561 = vector.shape_cast %get3A_560 : vector<1x128x128xf32> to vector<128x128xf32>
      %mul3A_562 = vector.broadcast %get3A_556 : f32 to vector<128x128xf32>
      %mul3A_563 = arith.mulf %mul3A_562, %get3A_561 : vector<128x128xf32>
      %add3A_564 = arith.addf %add3A_542, %mul3A_563 : vector<128x128xf32>
      %swap3A_565 = arith.constant 1 : index
      %swap3A_566 = arith.constant 0 : index
      %swap3A_567 = arith.constant 0 : index
      %swap3A_568 = vector.load %arg11[%swap3A_565, %swap3A_566, %swap3A_567] : memref<4x128x128xf32, #tpu.memory_space<vmem>>, vector<1x128x128xf32>
      %swap3A_569 = vector.shape_cast %swap3A_568 : vector<1x128x128xf32> to vector<128x128xf32>
      %swap3A_570 = vector.shape_cast %add3A_553 : vector<128x128xf32> to vector<1x128x128xf32>
      tpu.vector_store %arg11[%swap3A_565, %swap3A_566, %swap3A_567], %swap3A_570 {strides = array<i32>} : memref<4x128x128xf32, #tpu.memory_space<vmem>>, vector<1x128x128xf32>,
      %swap3A_571 = arith.constant 1 : index
      %swap3A_572 = arith.constant 0 : index
      %swap3A_573 = arith.constant 0 : index
      %swap3A_574 = vector.load %arg12[%swap3A_571, %swap3A_572, %swap3A_573] : memref<4x128x128xf32, #tpu.memory_space<vmem>>, vector<1x128x128xf32>
      %swap3A_575 = vector.shape_cast %swap3A_574 : vector<1x128x128xf32> to vector<128x128xf32>
      %swap3A_576 = vector.shape_cast %add3A_564 : vector<128x128xf32> to vector<1x128x128xf32>
      tpu.vector_store %arg12[%swap3A_571, %swap3A_572, %swap3A_573], %swap3A_576 {strides = array<i32>} : memref<4x128x128xf32, #tpu.memory_space<vmem>>, vector<1x128x128xf32>,
      %broadcast_in_dim3A_577 = arith.constant 0.000000e+00 : f32
      %broadcast_in_dim3A_578 = vector.broadcast %broadcast_in_dim3A_577 : f32 to vector<128x128xf32>
      %broadcast_in_dim3A_579 = arith.constant 0.000000e+00 : f32
      %broadcast_in_dim3A_580 = vector.broadcast %broadcast_in_dim3A_579 : f32 to vector<128x128xf32>
      %get3A_581 = arith.constant 2 : index
      %get3A_582 = arith.constant 0 : index
      %get3A_583 = memref.load %arg3[%get3A_581, %get3A_582] : memref<4x8xf32, #tpu.memory_space<smem>>
      %get3A_584 = arith.constant 0 : index
      %get3A_585 = arith.constant 0 : index
      %get3A_586 = arith.constant 0 : index
      %get3A_587 = vector.load %arg5[%get3A_584, %get3A_585, %get3A_586] : memref<8x128x128xf32, #tpu.memory_space<vmem>>, vector<1x128x128xf32>
      %get3A_588 = vector.shape_cast %get3A_587 : vector<1x128x128xf32> to vector<128x128xf32>
      %mul3A_589 = vector.broadcast %get3A_583 : f32 to vector<128x128xf32>
      %mul3A_590 = arith.mulf %mul3A_589, %get3A_588 : vector<128x128xf32>
      %add3A_591 = arith.addf %broadcast_in_dim3A_578, %mul3A_590 : vector<128x128xf32>
      %get3A_592 = arith.constant 2 : index
      %get3A_593 = arith.constant 0 : index
      %get3A_594 = memref.load %arg4[%get3A_592, %get3A_593] : memref<4x8xf32, #tpu.memory_space<smem>>
      %get3A_595 = arith.constant 0 : index
      %get3A_596 = arith.constant 0 : index
      %get3A_597 = arith.constant 0 : index
      %get3A_598 = vector.load %arg6[%get3A_595, %get3A_596, %get3A_597] : memref<8x128x128xf32, #tpu.memory_space<vmem>>, vector<1x128x128xf32>
      %get3A_599 = vector.shape_cast %get3A_598 : vector<1x128x128xf32> to vector<128x128xf32>
      %mul3A_600 = vector.broadcast %get3A_594 : f32 to vector<128x128xf32>
      %mul3A_601 = arith.mulf %mul3A_600, %get3A_599 : vector<128x128xf32>
      %add3A_602 = arith.addf %broadcast_in_dim3A_580, %mul3A_601 : vector<128x128xf32>
      %get3A_603 = arith.constant 2 : index
      %get3A_604 = arith.constant 1 : index
      %get3A_605 = memref.load %arg3[%get3A_603, %get3A_604] : memref<4x8xf32, #tpu.memory_space<smem>>
      %get3A_606 = arith.constant 1 : index
      %get3A_607 = arith.constant 0 : index
      %get3A_608 = arith.constant 0 : index
      %get3A_609 = vector.load %arg5[%get3A_606, %get3A_607, %get3A_608] : memref<8x128x128xf32, #tpu.memory_space<vmem>>, vector<1x128x128xf32>
      %get3A_610 = vector.shape_cast %get3A_609 : vector<1x128x128xf32> to vector<128x128xf32>
      %mul3A_611 = vector.broadcast %get3A_605 : f32 to vector<128x128xf32>
      %mul3A_612 = arith.mulf %mul3A_611, %get3A_610 : vector<128x128xf32>
      %add3A_613 = arith.addf %add3A_591, %mul3A_612 : vector<128x128xf32>
      %get3A_614 = arith.constant 2 : index
      %get3A_615 = arith.constant 1 : index
      %get3A_616 = memref.load %arg4[%get3A_614, %get3A_615] : memref<4x8xf32, #tpu.memory_space<smem>>
      %get3A_617 = arith.constant 1 : index
      %get3A_618 = arith.constant 0 : index
      %get3A_619 = arith.constant 0 : index
      %get3A_620 = vector.load %arg6[%get3A_617, %get3A_618, %get3A_619] : memref<8x128x128xf32, #tpu.memory_space<vmem>>, vector<1x128x128xf32>
      %get3A_621 = vector.shape_cast %get3A_620 : vector<1x128x128xf32> to vector<128x128xf32>
      %mul3A_622 = vector.broadcast %get3A_616 : f32 to vector<128x128xf32>
      %mul3A_623 = arith.mulf %mul3A_622, %get3A_621 : vector<128x128xf32>
      %add3A_624 = arith.addf %add3A_602, %mul3A_623 : vector<128x128xf32>
      %get3A_625 = arith.constant 2 : index
      %get3A_626 = arith.constant 2 : index
      %get3A_627 = memref.load %arg3[%get3A_625, %get3A_626] : memref<4x8xf32, #tpu.memory_space<smem>>
      %get3A_628 = arith.constant 2 : index
      %get3A_629 = arith.constant 0 : index
      %get3A_630 = arith.constant 0 : index
      %get3A_631 = vector.load %arg5[%get3A_628, %get3A_629, %get3A_630] : memref<8x128x128xf32, #tpu.memory_space<vmem>>, vector<1x128x128xf32>
      %get3A_632 = vector.shape_cast %get3A_631 : vector<1x128x128xf32> to vector<128x128xf32>
      %mul3A_633 = vector.broadcast %get3A_627 : f32 to vector<128x128xf32>
      %mul3A_634 = arith.mulf %mul3A_633, %get3A_632 : vector<128x128xf32>
      %add3A_635 = arith.addf %add3A_613, %mul3A_634 : vector<128x128xf32>
      %get3A_636 = arith.constant 2 : index
      %get3A_637 = arith.constant 2 : index
      %get3A_638 = memref.load %arg4[%get3A_636, %get3A_637] : memref<4x8xf32, #tpu.memory_space<smem>>
      %get3A_639 = arith.constant 2 : index
      %get3A_640 = arith.constant 0 : index
      %get3A_641 = arith.constant 0 : index
      %get3A_642 = vector.load %arg6[%get3A_639, %get3A_640, %get3A_641] : memref<8x128x128xf32, #tpu.memory_space<vmem>>, vector<1x128x128xf32>
      %get3A_643 = vector.shape_cast %get3A_642 : vector<1x128x128xf32> to vector<128x128xf32>
      %mul3A_644 = vector.broadcast %get3A_638 : f32 to vector<128x128xf32>
      %mul3A_645 = arith.mulf %mul3A_644, %get3A_643 : vector<128x128xf32>
      %add3A_646 = arith.addf %add3A_624, %mul3A_645 : vector<128x128xf32>
      %get3A_647 = arith.constant 2 : index
      %get3A_648 = arith.constant 3 : index
      %get3A_649 = memref.load %arg3[%get3A_647, %get3A_648] : memref<4x8xf32, #tpu.memory_space<smem>>
      %get3A_650 = arith.constant 3 : index
      %get3A_651 = arith.constant 0 : index
      %get3A_652 = arith.constant 0 : index
      %get3A_653 = vector.load %arg5[%get3A_650, %get3A_651, %get3A_652] : memref<8x128x128xf32, #tpu.memory_space<vmem>>, vector<1x128x128xf32>
      %get3A_654 = vector.shape_cast %get3A_653 : vector<1x128x128xf32> to vector<128x128xf32>
      %mul3A_655 = vector.broadcast %get3A_649 : f32 to vector<128x128xf32>
      %mul3A_656 = arith.mulf %mul3A_655, %get3A_654 : vector<128x128xf32>
      %add3A_657 = arith.addf %add3A_635, %mul3A_656 : vector<128x128xf32>
      %get3A_658 = arith.constant 2 : index
      %get3A_659 = arith.constant 3 : index
      %get3A_660 = memref.load %arg4[%get3A_658, %get3A_659] : memref<4x8xf32, #tpu.memory_space<smem>>
      %get3A_661 = arith.constant 3 : index
      %get3A_662 = arith.constant 0 : index
      %get3A_663 = arith.constant 0 : index
      %get3A_664 = vector.load %arg6[%get3A_661, %get3A_662, %get3A_663] : memref<8x128x128xf32, #tpu.memory_space<vmem>>, vector<1x128x128xf32>
      %get3A_665 = vector.shape_cast %get3A_664 : vector<1x128x128xf32> to vector<128x128xf32>
      %mul3A_666 = vector.broadcast %get3A_660 : f32 to vector<128x128xf32>
      %mul3A_667 = arith.mulf %mul3A_666, %get3A_665 : vector<128x128xf32>
      %add3A_668 = arith.addf %add3A_646, %mul3A_667 : vector<128x128xf32>
      %get3A_669 = arith.constant 2 : index
      %get3A_670 = arith.constant 4 : index
      %get3A_671 = memref.load %arg3[%get3A_669, %get3A_670] : memref<4x8xf32, #tpu.memory_space<smem>>
      %get3A_672 = arith.constant 4 : index
      %get3A_673 = arith.constant 0 : index
      %get3A_674 = arith.constant 0 : index
      %get3A_675 = vector.load %arg5[%get3A_672, %get3A_673, %get3A_674] : memref<8x128x128xf32, #tpu.memory_space<vmem>>, vector<1x128x128xf32>
      %get3A_676 = vector.shape_cast %get3A_675 : vector<1x128x128xf32> to vector<128x128xf32>
      %mul3A_677 = vector.broadcast %get3A_671 : f32 to vector<128x128xf32>
      %mul3A_678 = arith.mulf %mul3A_677, %get3A_676 : vector<128x128xf32>
      %add3A_679 = arith.addf %add3A_657, %mul3A_678 : vector<128x128xf32>
      %get3A_680 = arith.constant 2 : index
      %get3A_681 = arith.constant 4 : index
      %get3A_682 = memref.load %arg4[%get3A_680, %get3A_681] : memref<4x8xf32, #tpu.memory_space<smem>>
      %get3A_683 = arith.constant 4 : index
      %get3A_684 = arith.constant 0 : index
      %get3A_685 = arith.constant 0 : index
      %get3A_686 = vector.load %arg6[%get3A_683, %get3A_684, %get3A_685] : memref<8x128x128xf32, #tpu.memory_space<vmem>>, vector<1x128x128xf32>
      %get3A_687 = vector.shape_cast %get3A_686 : vector<1x128x128xf32> to vector<128x128xf32>
      %mul3A_688 = vector.broadcast %get3A_682 : f32 to vector<128x128xf32>
      %mul3A_689 = arith.mulf %mul3A_688, %get3A_687 : vector<128x128xf32>
      %add3A_690 = arith.addf %add3A_668, %mul3A_689 : vector<128x128xf32>
      %get3A_691 = arith.constant 2 : index
      %get3A_692 = arith.constant 5 : index
      %get3A_693 = memref.load %arg3[%get3A_691, %get3A_692] : memref<4x8xf32, #tpu.memory_space<smem>>
      %get3A_694 = arith.constant 5 : index
      %get3A_695 = arith.constant 0 : index
      %get3A_696 = arith.constant 0 : index
      %get3A_697 = vector.load %arg5[%get3A_694, %get3A_695, %get3A_696] : memref<8x128x128xf32, #tpu.memory_space<vmem>>, vector<1x128x128xf32>
      %get3A_698 = vector.shape_cast %get3A_697 : vector<1x128x128xf32> to vector<128x128xf32>
      %mul3A_699 = vector.broadcast %get3A_693 : f32 to vector<128x128xf32>
      %mul3A_700 = arith.mulf %mul3A_699, %get3A_698 : vector<128x128xf32>
      %add3A_701 = arith.addf %add3A_679, %mul3A_700 : vector<128x128xf32>
      %get3A_702 = arith.constant 2 : index
      %get3A_703 = arith.constant 5 : index
      %get3A_704 = memref.load %arg4[%get3A_702, %get3A_703] : memref<4x8xf32, #tpu.memory_space<smem>>
      %get3A_705 = arith.constant 5 : index
      %get3A_706 = arith.constant 0 : index
      %get3A_707 = arith.constant 0 : index
      %get3A_708 = vector.load %arg6[%get3A_705, %get3A_706, %get3A_707] : memref<8x128x128xf32, #tpu.memory_space<vmem>>, vector<1x128x128xf32>
      %get3A_709 = vector.shape_cast %get3A_708 : vector<1x128x128xf32> to vector<128x128xf32>
      %mul3A_710 = vector.broadcast %get3A_704 : f32 to vector<128x128xf32>
      %mul3A_711 = arith.mulf %mul3A_710, %get3A_709 : vector<128x128xf32>
      %add3A_712 = arith.addf %add3A_690, %mul3A_711 : vector<128x128xf32>
      %get3A_713 = arith.constant 2 : index
      %get3A_714 = arith.constant 6 : index
      %get3A_715 = memref.load %arg3[%get3A_713, %get3A_714] : memref<4x8xf32, #tpu.memory_space<smem>>
      %get3A_716 = arith.constant 6 : index
      %get3A_717 = arith.constant 0 : index
      %get3A_718 = arith.constant 0 : index
      %get3A_719 = vector.load %arg5[%get3A_716, %get3A_717, %get3A_718] : memref<8x128x128xf32, #tpu.memory_space<vmem>>, vector<1x128x128xf32>
      %get3A_720 = vector.shape_cast %get3A_719 : vector<1x128x128xf32> to vector<128x128xf32>
      %mul3A_721 = vector.broadcast %get3A_715 : f32 to vector<128x128xf32>
      %mul3A_722 = arith.mulf %mul3A_721, %get3A_720 : vector<128x128xf32>
      %add3A_723 = arith.addf %add3A_701, %mul3A_722 : vector<128x128xf32>
      %get3A_724 = arith.constant 2 : index
      %get3A_725 = arith.constant 6 : index
      %get3A_726 = memref.load %arg4[%get3A_724, %get3A_725] : memref<4x8xf32, #tpu.memory_space<smem>>
      %get3A_727 = arith.constant 6 : index
      %get3A_728 = arith.constant 0 : index
      %get3A_729 = arith.constant 0 : index
      %get3A_730 = vector.load %arg6[%get3A_727, %get3A_728, %get3A_729] : memref<8x128x128xf32, #tpu.memory_space<vmem>>, vector<1x128x128xf32>
      %get3A_731 = vector.shape_cast %get3A_730 : vector<1x128x128xf32> to vector<128x128xf32>
      %mul3A_732 = vector.broadcast %get3A_726 : f32 to vector<128x128xf32>
      %mul3A_733 = arith.mulf %mul3A_732, %get3A_731 : vector<128x128xf32>
      %add3A_734 = arith.addf %add3A_712, %mul3A_733 : vector<128x128xf32>
      %get3A_735 = arith.constant 2 : index
      %get3A_736 = arith.constant 7 : index
      %get3A_737 = memref.load %arg3[%get3A_735, %get3A_736] : memref<4x8xf32, #tpu.memory_space<smem>>
      %get3A_738 = arith.constant 7 : index
      %get3A_739 = arith.constant 0 : index
      %get3A_740 = arith.constant 0 : index
      %get3A_741 = vector.load %arg5[%get3A_738, %get3A_739, %get3A_740] : memref<8x128x128xf32, #tpu.memory_space<vmem>>, vector<1x128x128xf32>
      %get3A_742 = vector.shape_cast %get3A_741 : vector<1x128x128xf32> to vector<128x128xf32>
      %mul3A_743 = vector.broadcast %get3A_737 : f32 to vector<128x128xf32>
      %mul3A_744 = arith.mulf %mul3A_743, %get3A_742 : vector<128x128xf32>
      %add3A_745 = arith.addf %add3A_723, %mul3A_744 : vector<128x128xf32>
      %get3A_746 = arith.constant 2 : index
      %get3A_747 = arith.constant 7 : index
      %get3A_748 = memref.load %arg4[%get3A_746, %get3A_747] : memref<4x8xf32, #tpu.memory_space<smem>>
      %get3A_749 = arith.constant 7 : index
      %get3A_750 = arith.constant 0 : index
      %get3A_751 = arith.constant 0 : index
      %get3A_752 = vector.load %arg6[%get3A_749, %get3A_750, %get3A_751] : memref<8x128x128xf32, #tpu.memory_space<vmem>>, vector<1x128x128xf32>
      %get3A_753 = vector.shape_cast %get3A_752 : vector<1x128x128xf32> to vector<128x128xf32>
      %mul3A_754 = vector.broadcast %get3A_748 : f32 to vector<128x128xf32>
      %mul3A_755 = arith.mulf %mul3A_754, %get3A_753 : vector<128x128xf32>
      %add3A_756 = arith.addf %add3A_734, %mul3A_755 : vector<128x128xf32>
      %swap3A_757 = arith.constant 2 : index
      %swap3A_758 = arith.constant 0 : index
      %swap3A_759 = arith.constant 0 : index
      %swap3A_760 = vector.load %arg11[%swap3A_757, %swap3A_758, %swap3A_759] : memref<4x128x128xf32, #tpu.memory_space<vmem>>, vector<1x128x128xf32>
      %swap3A_761 = vector.shape_cast %swap3A_760 : vector<1x128x128xf32> to vector<128x128xf32>
      %swap3A_762 = vector.shape_cast %add3A_745 : vector<128x128xf32> to vector<1x128x128xf32>
      tpu.vector_store %arg11[%swap3A_757, %swap3A_758, %swap3A_759], %swap3A_762 {strides = array<i32>} : memref<4x128x128xf32, #tpu.memory_space<vmem>>, vector<1x128x128xf32>,
      %swap3A_763 = arith.constant 2 : index
      %swap3A_764 = arith.constant 0 : index
      %swap3A_765 = arith.constant 0 : index
      %swap3A_766 = vector.load %arg12[%swap3A_763, %swap3A_764, %swap3A_765] : memref<4x128x128xf32, #tpu.memory_space<vmem>>, vector<1x128x128xf32>
      %swap3A_767 = vector.shape_cast %swap3A_766 : vector<1x128x128xf32> to vector<128x128xf32>
      %swap3A_768 = vector.shape_cast %add3A_756 : vector<128x128xf32> to vector<1x128x128xf32>
      tpu.vector_store %arg12[%swap3A_763, %swap3A_764, %swap3A_765], %swap3A_768 {strides = array<i32>} : memref<4x128x128xf32, #tpu.memory_space<vmem>>, vector<1x128x128xf32>,
      %broadcast_in_dim3A_769 = arith.constant 0.000000e+00 : f32
      %broadcast_in_dim3A_770 = vector.broadcast %broadcast_in_dim3A_769 : f32 to vector<128x128xf32>
      %broadcast_in_dim3A_771 = arith.constant 0.000000e+00 : f32
      %broadcast_in_dim3A_772 = vector.broadcast %broadcast_in_dim3A_771 : f32 to vector<128x128xf32>
      %get3A_773 = arith.constant 3 : index
      %get3A_774 = arith.constant 0 : index
      %get3A_775 = memref.load %arg3[%get3A_773, %get3A_774] : memref<4x8xf32, #tpu.memory_space<smem>>
      %get3A_776 = arith.constant 0 : index
      %get3A_777 = arith.constant 0 : index
      %get3A_778 = arith.constant 0 : index
      %get3A_779 = vector.load %arg5[%get3A_776, %get3A_777, %get3A_778] : memref<8x128x128xf32, #tpu.memory_space<vmem>>, vector<1x128x128xf32>
      %get3A_780 = vector.shape_cast %get3A_779 : vector<1x128x128xf32> to vector<128x128xf32>
      %mul3A_781 = vector.broadcast %get3A_775 : f32 to vector<128x128xf32>
      %mul3A_782 = arith.mulf %mul3A_781, %get3A_780 : vector<128x128xf32>
      %add3A_783 = arith.addf %broadcast_in_dim3A_770, %mul3A_782 : vector<128x128xf32>
      %get3A_784 = arith.constant 3 : index
      %get3A_785 = arith.constant 0 : index
      %get3A_786 = memref.load %arg4[%get3A_784, %get3A_785] : memref<4x8xf32, #tpu.memory_space<smem>>
      %get3A_787 = arith.constant 0 : index
      %get3A_788 = arith.constant 0 : index
      %get3A_789 = arith.constant 0 : index
      %get3A_790 = vector.load %arg6[%get3A_787, %get3A_788, %get3A_789] : memref<8x128x128xf32, #tpu.memory_space<vmem>>, vector<1x128x128xf32>
      %get3A_791 = vector.shape_cast %get3A_790 : vector<1x128x128xf32> to vector<128x128xf32>
      %mul3A_792 = vector.broadcast %get3A_786 : f32 to vector<128x128xf32>
      %mul3A_793 = arith.mulf %mul3A_792, %get3A_791 : vector<128x128xf32>
      %add3A_794 = arith.addf %broadcast_in_dim3A_772, %mul3A_793 : vector<128x128xf32>
      %get3A_795 = arith.constant 3 : index
      %get3A_796 = arith.constant 1 : index
      %get3A_797 = memref.load %arg3[%get3A_795, %get3A_796] : memref<4x8xf32, #tpu.memory_space<smem>>
      %get3A_798 = arith.constant 1 : index
      %get3A_799 = arith.constant 0 : index
      %get3A_800 = arith.constant 0 : index
      %get3A_801 = vector.load %arg5[%get3A_798, %get3A_799, %get3A_800] : memref<8x128x128xf32, #tpu.memory_space<vmem>>, vector<1x128x128xf32>
      %get3A_802 = vector.shape_cast %get3A_801 : vector<1x128x128xf32> to vector<128x128xf32>
      %mul3A_803 = vector.broadcast %get3A_797 : f32 to vector<128x128xf32>
      %mul3A_804 = arith.mulf %mul3A_803, %get3A_802 : vector<128x128xf32>
      %add3A_805 = arith.addf %add3A_783, %mul3A_804 : vector<128x128xf32>
      %get3A_806 = arith.constant 3 : index
      %get3A_807 = arith.constant 1 : index
      %get3A_808 = memref.load %arg4[%get3A_806, %get3A_807] : memref<4x8xf32, #tpu.memory_space<smem>>
      %get3A_809 = arith.constant 1 : index
      %get3A_810 = arith.constant 0 : index
      %get3A_811 = arith.constant 0 : index
      %get3A_812 = vector.load %arg6[%get3A_809, %get3A_810, %get3A_811] : memref<8x128x128xf32, #tpu.memory_space<vmem>>, vector<1x128x128xf32>
      %get3A_813 = vector.shape_cast %get3A_812 : vector<1x128x128xf32> to vector<128x128xf32>
      %mul3A_814 = vector.broadcast %get3A_808 : f32 to vector<128x128xf32>
      %mul3A_815 = arith.mulf %mul3A_814, %get3A_813 : vector<128x128xf32>
      %add3A_816 = arith.addf %add3A_794, %mul3A_815 : vector<128x128xf32>
      %get3A_817 = arith.constant 3 : index
      %get3A_818 = arith.constant 2 : index
      %get3A_819 = memref.load %arg3[%get3A_817, %get3A_818] : memref<4x8xf32, #tpu.memory_space<smem>>
      %get3A_820 = arith.constant 2 : index
      %get3A_821 = arith.constant 0 : index
      %get3A_822 = arith.constant 0 : index
      %get3A_823 = vector.load %arg5[%get3A_820, %get3A_821, %get3A_822] : memref<8x128x128xf32, #tpu.memory_space<vmem>>, vector<1x128x128xf32>
      %get3A_824 = vector.shape_cast %get3A_823 : vector<1x128x128xf32> to vector<128x128xf32>
      %mul3A_825 = vector.broadcast %get3A_819 : f32 to vector<128x128xf32>
      %mul3A_826 = arith.mulf %mul3A_825, %get3A_824 : vector<128x128xf32>
      %add3A_827 = arith.addf %add3A_805, %mul3A_826 : vector<128x128xf32>
      %get3A_828 = arith.constant 3 : index
      %get3A_829 = arith.constant 2 : index
      %get3A_830 = memref.load %arg4[%get3A_828, %get3A_829] : memref<4x8xf32, #tpu.memory_space<smem>>
      %get3A_831 = arith.constant 2 : index
      %get3A_832 = arith.constant 0 : index
      %get3A_833 = arith.constant 0 : index
      %get3A_834 = vector.load %arg6[%get3A_831, %get3A_832, %get3A_833] : memref<8x128x128xf32, #tpu.memory_space<vmem>>, vector<1x128x128xf32>
      %get3A_835 = vector.shape_cast %get3A_834 : vector<1x128x128xf32> to vector<128x128xf32>
      %mul3A_836 = vector.broadcast %get3A_830 : f32 to vector<128x128xf32>
      %mul3A_837 = arith.mulf %mul3A_836, %get3A_835 : vector<128x128xf32>
      %add3A_838 = arith.addf %add3A_816, %mul3A_837 : vector<128x128xf32>
      %get3A_839 = arith.constant 3 : index
      %get3A_840 = arith.constant 3 : index
      %get3A_841 = memref.load %arg3[%get3A_839, %get3A_840] : memref<4x8xf32, #tpu.memory_space<smem>>
      %get3A_842 = arith.constant 3 : index
      %get3A_843 = arith.constant 0 : index
      %get3A_844 = arith.constant 0 : index
      %get3A_845 = vector.load %arg5[%get3A_842, %get3A_843, %get3A_844] : memref<8x128x128xf32, #tpu.memory_space<vmem>>, vector<1x128x128xf32>
      %get3A_846 = vector.shape_cast %get3A_845 : vector<1x128x128xf32> to vector<128x128xf32>
      %mul3A_847 = vector.broadcast %get3A_841 : f32 to vector<128x128xf32>
      %mul3A_848 = arith.mulf %mul3A_847, %get3A_846 : vector<128x128xf32>
      %add3A_849 = arith.addf %add3A_827, %mul3A_848 : vector<128x128xf32>
      %get3A_850 = arith.constant 3 : index
      %get3A_851 = arith.constant 3 : index
      %get3A_852 = memref.load %arg4[%get3A_850, %get3A_851] : memref<4x8xf32, #tpu.memory_space<smem>>
      %get3A_853 = arith.constant 3 : index
      %get3A_854 = arith.constant 0 : index
      %get3A_855 = arith.constant 0 : index
      %get3A_856 = vector.load %arg6[%get3A_853, %get3A_854, %get3A_855] : memref<8x128x128xf32, #tpu.memory_space<vmem>>, vector<1x128x128xf32>
      %get3A_857 = vector.shape_cast %get3A_856 : vector<1x128x128xf32> to vector<128x128xf32>
      %mul3A_858 = vector.broadcast %get3A_852 : f32 to vector<128x128xf32>
      %mul3A_859 = arith.mulf %mul3A_858, %get3A_857 : vector<128x128xf32>
      %add3A_860 = arith.addf %add3A_838, %mul3A_859 : vector<128x128xf32>
      %get3A_861 = arith.constant 3 : index
      %get3A_862 = arith.constant 4 : index
      %get3A_863 = memref.load %arg3[%get3A_861, %get3A_862] : memref<4x8xf32, #tpu.memory_space<smem>>
      %get3A_864 = arith.constant 4 : index
      %get3A_865 = arith.constant 0 : index
      %get3A_866 = arith.constant 0 : index
      %get3A_867 = vector.load %arg5[%get3A_864, %get3A_865, %get3A_866] : memref<8x128x128xf32, #tpu.memory_space<vmem>>, vector<1x128x128xf32>
      %get3A_868 = vector.shape_cast %get3A_867 : vector<1x128x128xf32> to vector<128x128xf32>
      %mul3A_869 = vector.broadcast %get3A_863 : f32 to vector<128x128xf32>
      %mul3A_870 = arith.mulf %mul3A_869, %get3A_868 : vector<128x128xf32>
      %add3A_871 = arith.addf %add3A_849, %mul3A_870 : vector<128x128xf32>
      %get3A_872 = arith.constant 3 : index
      %get3A_873 = arith.constant 4 : index
      %get3A_874 = memref.load %arg4[%get3A_872, %get3A_873] : memref<4x8xf32, #tpu.memory_space<smem>>
      %get3A_875 = arith.constant 4 : index
      %get3A_876 = arith.constant 0 : index
      %get3A_877 = arith.constant 0 : index
      %get3A_878 = vector.load %arg6[%get3A_875, %get3A_876, %get3A_877] : memref<8x128x128xf32, #tpu.memory_space<vmem>>, vector<1x128x128xf32>
      %get3A_879 = vector.shape_cast %get3A_878 : vector<1x128x128xf32> to vector<128x128xf32>
      %mul3A_880 = vector.broadcast %get3A_874 : f32 to vector<128x128xf32>
      %mul3A_881 = arith.mulf %mul3A_880, %get3A_879 : vector<128x128xf32>
      %add3A_882 = arith.addf %add3A_860, %mul3A_881 : vector<128x128xf32>
      %get3A_883 = arith.constant 3 : index
      %get3A_884 = arith.constant 5 : index
      %get3A_885 = memref.load %arg3[%get3A_883, %get3A_884] : memref<4x8xf32, #tpu.memory_space<smem>>
      %get3A_886 = arith.constant 5 : index
      %get3A_887 = arith.constant 0 : index
      %get3A_888 = arith.constant 0 : index
      %get3A_889 = vector.load %arg5[%get3A_886, %get3A_887, %get3A_888] : memref<8x128x128xf32, #tpu.memory_space<vmem>>, vector<1x128x128xf32>
      %get3A_890 = vector.shape_cast %get3A_889 : vector<1x128x128xf32> to vector<128x128xf32>
      %mul3A_891 = vector.broadcast %get3A_885 : f32 to vector<128x128xf32>
      %mul3A_892 = arith.mulf %mul3A_891, %get3A_890 : vector<128x128xf32>
      %add3A_893 = arith.addf %add3A_871, %mul3A_892 : vector<128x128xf32>
      %get3A_894 = arith.constant 3 : index
      %get3A_895 = arith.constant 5 : index
      %get3A_896 = memref.load %arg4[%get3A_894, %get3A_895] : memref<4x8xf32, #tpu.memory_space<smem>>
      %get3A_897 = arith.constant 5 : index
      %get3A_898 = arith.constant 0 : index
      %get3A_899 = arith.constant 0 : index
      %get3A_900 = vector.load %arg6[%get3A_897, %get3A_898, %get3A_899] : memref<8x128x128xf32, #tpu.memory_space<vmem>>, vector<1x128x128xf32>
      %get3A_901 = vector.shape_cast %get3A_900 : vector<1x128x128xf32> to vector<128x128xf32>
      %mul3A_902 = vector.broadcast %get3A_896 : f32 to vector<128x128xf32>
      %mul3A_903 = arith.mulf %mul3A_902, %get3A_901 : vector<128x128xf32>
      %add3A_904 = arith.addf %add3A_882, %mul3A_903 : vector<128x128xf32>
      %get3A_905 = arith.constant 3 : index
      %get3A_906 = arith.constant 6 : index
      %get3A_907 = memref.load %arg3[%get3A_905, %get3A_906] : memref<4x8xf32, #tpu.memory_space<smem>>
      %get3A_908 = arith.constant 6 : index
      %get3A_909 = arith.constant 0 : index
      %get3A_910 = arith.constant 0 : index
      %get3A_911 = vector.load %arg5[%get3A_908, %get3A_909, %get3A_910] : memref<8x128x128xf32, #tpu.memory_space<vmem>>, vector<1x128x128xf32>
      %get3A_912 = vector.shape_cast %get3A_911 : vector<1x128x128xf32> to vector<128x128xf32>
      %mul3A_913 = vector.broadcast %get3A_907 : f32 to vector<128x128xf32>
      %mul3A_914 = arith.mulf %mul3A_913, %get3A_912 : vector<128x128xf32>
      %add3A_915 = arith.addf %add3A_893, %mul3A_914 : vector<128x128xf32>
      %get3A_916 = arith.constant 3 : index
      %get3A_917 = arith.constant 6 : index
      %get3A_918 = memref.load %arg4[%get3A_916, %get3A_917] : memref<4x8xf32, #tpu.memory_space<smem>>
      %get3A_919 = arith.constant 6 : index
      %get3A_920 = arith.constant 0 : index
      %get3A_921 = arith.constant 0 : index
      %get3A_922 = vector.load %arg6[%get3A_919, %get3A_920, %get3A_921] : memref<8x128x128xf32, #tpu.memory_space<vmem>>, vector<1x128x128xf32>
      %get3A_923 = vector.shape_cast %get3A_922 : vector<1x128x128xf32> to vector<128x128xf32>
      %mul3A_924 = vector.broadcast %get3A_918 : f32 to vector<128x128xf32>
      %mul3A_925 = arith.mulf %mul3A_924, %get3A_923 : vector<128x128xf32>
      %add3A_926 = arith.addf %add3A_904, %mul3A_925 : vector<128x128xf32>
      %get3A_927 = arith.constant 3 : index
      %get3A_928 = arith.constant 7 : index
      %get3A_929 = memref.load %arg3[%get3A_927, %get3A_928] : memref<4x8xf32, #tpu.memory_space<smem>>
      %get3A_930 = arith.constant 7 : index
      %get3A_931 = arith.constant 0 : index
      %get3A_932 = arith.constant 0 : index
      %get3A_933 = vector.load %arg5[%get3A_930, %get3A_931, %get3A_932] : memref<8x128x128xf32, #tpu.memory_space<vmem>>, vector<1x128x128xf32>
      %get3A_934 = vector.shape_cast %get3A_933 : vector<1x128x128xf32> to vector<128x128xf32>
      %mul3A_935 = vector.broadcast %get3A_929 : f32 to vector<128x128xf32>
      %mul3A_936 = arith.mulf %mul3A_935, %get3A_934 : vector<128x128xf32>
      %add3A_937 = arith.addf %add3A_915, %mul3A_936 : vector<128x128xf32>
      %get3A_938 = arith.constant 3 : index
      %get3A_939 = arith.constant 7 : index
      %get3A_940 = memref.load %arg4[%get3A_938, %get3A_939] : memref<4x8xf32, #tpu.memory_space<smem>>
      %get3A_941 = arith.constant 7 : index
      %get3A_942 = arith.constant 0 : index
      %get3A_943 = arith.constant 0 : index
      %get3A_944 = vector.load %arg6[%get3A_941, %get3A_942, %get3A_943] : memref<8x128x128xf32, #tpu.memory_space<vmem>>, vector<1x128x128xf32>
      %get3A_945 = vector.shape_cast %get3A_944 : vector<1x128x128xf32> to vector<128x128xf32>
      %mul3A_946 = vector.broadcast %get3A_940 : f32 to vector<128x128xf32>
      %mul3A_947 = arith.mulf %mul3A_946, %get3A_945 : vector<128x128xf32>
      %add3A_948 = arith.addf %add3A_926, %mul3A_947 : vector<128x128xf32>
      %swap3A_949 = arith.constant 3 : index
      %swap3A_950 = arith.constant 0 : index
      %swap3A_951 = arith.constant 0 : index
      %swap3A_952 = vector.load %arg11[%swap3A_949, %swap3A_950, %swap3A_951] : memref<4x128x128xf32, #tpu.memory_space<vmem>>, vector<1x128x128xf32>
      %swap3A_953 = vector.shape_cast %swap3A_952 : vector<1x128x128xf32> to vector<128x128xf32>
      %swap3A_954 = vector.shape_cast %add3A_937 : vector<128x128xf32> to vector<1x128x128xf32>
      tpu.vector_store %arg11[%swap3A_949, %swap3A_950, %swap3A_951], %swap3A_954 {strides = array<i32>} : memref<4x128x128xf32, #tpu.memory_space<vmem>>, vector<1x128x128xf32>,
      %swap3A_955 = arith.constant 3 : index
      %swap3A_956 = arith.constant 0 : index
      %swap3A_957 = arith.constant 0 : index
      %swap3A_958 = vector.load %arg12[%swap3A_955, %swap3A_956, %swap3A_957] : memref<4x128x128xf32, #tpu.memory_space<vmem>>, vector<1x128x128xf32>
      %swap3A_959 = vector.shape_cast %swap3A_958 : vector<1x128x128xf32> to vector<128x128xf32>
      %swap3A_960 = vector.shape_cast %add3A_948 : vector<128x128xf32> to vector<1x128x128xf32>
      tpu.vector_store %arg12[%swap3A_955, %swap3A_956, %swap3A_957], %swap3A_960 {strides = array<i32>} : memref<4x128x128xf32, #tpu.memory_space<vmem>>, vector<1x128x128xf32>,
    } else {
    }
    %broadcast_in_dim3A = arith.constant 0.000000e+00 : f32
    %broadcast_in_dim3A_2 = vector.broadcast %broadcast_in_dim3A : f32 to vector<2000x128xf32>
    %broadcast_in_dim3A_3 = arith.constant 0.000000e+00 : f32
    %broadcast_in_dim3A_4 = vector.broadcast %broadcast_in_dim3A_3 : f32 to vector<2000x128xf32>
    %get3A = arith.constant 0 : index
    %get3A_5 = arith.constant 0 : index
    %get3A_6 = arith.constant 0 : index
    %get3A_7 = vector.load %arg2[%get3A, %get3A_5, %get3A_6] : memref<4x2000x16xf32, #tpu.memory_space<vmem>>, vector<1x2000x16xf32>
    %get3A_8 = vector.shape_cast %get3A_7 : vector<1x2000x16xf32> to vector<2000x16xf32>
    %reduce_sum3A = arith.constant dense<0.000000e+00> : vector<2000xf32>
    %reduce_sum3A_9 = vector.multi_reduction <add>, %get3A_8, %reduce_sum3A [1] : vector<2000x16xf32> to vector<2000xf32>
    %broadcast_in_dim3A_10 = vector.shape_cast %reduce_sum3A_9 : vector<2000xf32> to vector<2000x1xf32>
    %get3A_11 = arith.constant 0 : index
    %get3A_12 = arith.constant 0 : index
    %get3A_13 = arith.constant 0 : index
    %get3A_14 = vector.load %arg1[%get3A_11, %get3A_12, %get3A_13] : memref<4x2000x128xf32, #tpu.memory_space<vmem>>, vector<1x2000x128xf32>
    %get3A_15 = vector.shape_cast %get3A_14 : vector<1x2000x128xf32> to vector<2000x128xf32>
    %add3A = arith.constant 9.99999993E-9 : f32
    %add3A_16 = vector.broadcast %add3A : f32 to vector<2000x1xf32>
    %add3A_17 = arith.addf %broadcast_in_dim3A_10, %add3A_16 : vector<2000x1xf32>
    %div3A = arith.constant 1.000000e+00 : f32
    %div3A_18 = vector.broadcast %div3A : f32 to vector<2000x1xf32>
    %div3A_19 = arith.divf %div3A_18, %add3A_17 : vector<2000x1xf32>
    %mul3A = vector.broadcast %div3A_19 : vector<2000x1xf32> to vector<2000x128xf32>
    %mul3A_20 = arith.mulf %get3A_15, %mul3A : vector<2000x128xf32>
    %get3A_21 = arith.constant 0 : index
    %get3A_22 = arith.constant 0 : index
    %get3A_23 = arith.constant 0 : index
    %get3A_24 = vector.load %arg11[%get3A_21, %get3A_22, %get3A_23] : memref<4x128x128xf32, #tpu.memory_space<vmem>>, vector<1x128x128xf32>
    %get3A_25 = vector.shape_cast %get3A_24 : vector<1x128x128xf32> to vector<128x128xf32>
    %dot_general3A = arith.constant dense<0.000000e+00> : vector<2000x128xf32>
    %dot_general3A_26 = tpu.matmul %mul3A_20, %get3A_25, %dot_general3A {dimension_numbers = #tpu.dot_dimension_numbers<[1], [0], [0], [1], [0, 0, 1, 1], [], []>, transpose_lhs_hint = false} : vector<2000x128xf32>, vector<128x128xf32>, vector<2000x128xf32> -> vector<2000x128xf32>
    %add3A_27 = arith.addf %broadcast_in_dim3A_2, %dot_general3A_26 : vector<2000x128xf32>
    %get3A_28 = arith.constant 0 : index
    %get3A_29 = arith.constant 0 : index
    %get3A_30 = arith.constant 0 : index
    %get3A_31 = vector.load %arg12[%get3A_28, %get3A_29, %get3A_30] : memref<4x128x128xf32, #tpu.memory_space<vmem>>, vector<1x128x128xf32>
    %get3A_32 = vector.shape_cast %get3A_31 : vector<1x128x128xf32> to vector<128x128xf32>
    %dot_general3A_33 = arith.constant dense<0.000000e+00> : vector<2000x128xf32>
    %dot_general3A_34 = tpu.matmul %mul3A_20, %get3A_32, %dot_general3A_33 {dimension_numbers = #tpu.dot_dimension_numbers<[1], [0], [0], [1], [0, 0, 1, 1], [], []>, transpose_lhs_hint = false} : vector<2000x128xf32>, vector<128x128xf32>, vector<2000x128xf32> -> vector<2000x128xf32>
    %add3A_35 = arith.addf %broadcast_in_dim3A_4, %dot_general3A_34 : vector<2000x128xf32>
    %get3A_36 = arith.constant 1 : index
    %get3A_37 = arith.constant 0 : index
    %get3A_38 = arith.constant 0 : index
    %get3A_39 = vector.load %arg2[%get3A_36, %get3A_37, %get3A_38] : memref<4x2000x16xf32, #tpu.memory_space<vmem>>, vector<1x2000x16xf32>
    %get3A_40 = vector.shape_cast %get3A_39 : vector<1x2000x16xf32> to vector<2000x16xf32>
    %reduce_sum3A_41 = arith.constant dense<0.000000e+00> : vector<2000xf32>
    %reduce_sum3A_42 = vector.multi_reduction <add>, %get3A_40, %reduce_sum3A_41 [1] : vector<2000x16xf32> to vector<2000xf32>
    %broadcast_in_dim3A_43 = vector.shape_cast %reduce_sum3A_42 : vector<2000xf32> to vector<2000x1xf32>
    %get3A_44 = arith.constant 1 : index
    %get3A_45 = arith.constant 0 : index
    %get3A_46 = arith.constant 0 : index
    %get3A_47 = vector.load %arg1[%get3A_44, %get3A_45, %get3A_46] : memref<4x2000x128xf32, #tpu.memory_space<vmem>>, vector<1x2000x128xf32>
    %get3A_48 = vector.shape_cast %get3A_47 : vector<1x2000x128xf32> to vector<2000x128xf32>
    %add3A_49 = arith.constant 9.99999993E-9 : f32
    %add3A_50 = vector.broadcast %add3A_49 : f32 to vector<2000x1xf32>
    %add3A_51 = arith.addf %broadcast_in_dim3A_43, %add3A_50 : vector<2000x1xf32>
    %div3A_52 = arith.constant 1.000000e+00 : f32
    %div3A_53 = vector.broadcast %div3A_52 : f32 to vector<2000x1xf32>
    %div3A_54 = arith.divf %div3A_53, %add3A_51 : vector<2000x1xf32>
    %mul3A_55 = vector.broadcast %div3A_54 : vector<2000x1xf32> to vector<2000x128xf32>
    %mul3A_56 = arith.mulf %get3A_48, %mul3A_55 : vector<2000x128xf32>
    %get3A_57 = arith.constant 1 : index
    %get3A_58 = arith.constant 0 : index
    %get3A_59 = arith.constant 0 : index
    %get3A_60 = vector.load %arg11[%get3A_57, %get3A_58, %get3A_59] : memref<4x128x128xf32, #tpu.memory_space<vmem>>, vector<1x128x128xf32>
    %get3A_61 = vector.shape_cast %get3A_60 : vector<1x128x128xf32> to vector<128x128xf32>
    %dot_general3A_62 = arith.constant dense<0.000000e+00> : vector<2000x128xf32>
    %dot_general3A_63 = tpu.matmul %mul3A_56, %get3A_61, %dot_general3A_62 {dimension_numbers = #tpu.dot_dimension_numbers<[1], [0], [0], [1], [0, 0, 1, 1], [], []>, transpose_lhs_hint = false} : vector<2000x128xf32>, vector<128x128xf32>, vector<2000x128xf32> -> vector<2000x128xf32>
    %add3A_64 = arith.addf %add3A_27, %dot_general3A_63 : vector<2000x128xf32>
    %get3A_65 = arith.constant 1 : index
    %get3A_66 = arith.constant 0 : index
    %get3A_67 = arith.constant 0 : index
    %get3A_68 = vector.load %arg12[%get3A_65, %get3A_66, %get3A_67] : memref<4x128x128xf32, #tpu.memory_space<vmem>>, vector<1x128x128xf32>
    %get3A_69 = vector.shape_cast %get3A_68 : vector<1x128x128xf32> to vector<128x128xf32>
    %dot_general3A_70 = arith.constant dense<0.000000e+00> : vector<2000x128xf32>
    %dot_general3A_71 = tpu.matmul %mul3A_56, %get3A_69, %dot_general3A_70 {dimension_numbers = #tpu.dot_dimension_numbers<[1], [0], [0], [1], [0, 0, 1, 1], [], []>, transpose_lhs_hint = false} : vector<2000x128xf32>, vector<128x128xf32>, vector<2000x128xf32> -> vector<2000x128xf32>
    %add3A_72 = arith.addf %add3A_35, %dot_general3A_71 : vector<2000x128xf32>
    %get3A_73 = arith.constant 2 : index
    %get3A_74 = arith.constant 0 : index
    %get3A_75 = arith.constant 0 : index
    %get3A_76 = vector.load %arg2[%get3A_73, %get3A_74, %get3A_75] : memref<4x2000x16xf32, #tpu.memory_space<vmem>>, vector<1x2000x16xf32>
    %get3A_77 = vector.shape_cast %get3A_76 : vector<1x2000x16xf32> to vector<2000x16xf32>
    %reduce_sum3A_78 = arith.constant dense<0.000000e+00> : vector<2000xf32>
    %reduce_sum3A_79 = vector.multi_reduction <add>, %get3A_77, %reduce_sum3A_78 [1] : vector<2000x16xf32> to vector<2000xf32>
    %broadcast_in_dim3A_80 = vector.shape_cast %reduce_sum3A_79 : vector<2000xf32> to vector<2000x1xf32>
    %get3A_81 = arith.constant 2 : index
    %get3A_82 = arith.constant 0 : index
    %get3A_83 = arith.constant 0 : index
    %get3A_84 = vector.load %arg1[%get3A_81, %get3A_82, %get3A_83] : memref<4x2000x128xf32, #tpu.memory_space<vmem>>, vector<1x2000x128xf32>
    %get3A_85 = vector.shape_cast %get3A_84 : vector<1x2000x128xf32> to vector<2000x128xf32>
    %add3A_86 = arith.constant 9.99999993E-9 : f32
    %add3A_87 = vector.broadcast %add3A_86 : f32 to vector<2000x1xf32>
    %add3A_88 = arith.addf %broadcast_in_dim3A_80, %add3A_87 : vector<2000x1xf32>
    %div3A_89 = arith.constant 1.000000e+00 : f32
    %div3A_90 = vector.broadcast %div3A_89 : f32 to vector<2000x1xf32>
    %div3A_91 = arith.divf %div3A_90, %add3A_88 : vector<2000x1xf32>
    %mul3A_92 = vector.broadcast %div3A_91 : vector<2000x1xf32> to vector<2000x128xf32>
    %mul3A_93 = arith.mulf %get3A_85, %mul3A_92 : vector<2000x128xf32>
    %get3A_94 = arith.constant 2 : index
    %get3A_95 = arith.constant 0 : index
    %get3A_96 = arith.constant 0 : index
    %get3A_97 = vector.load %arg11[%get3A_94, %get3A_95, %get3A_96] : memref<4x128x128xf32, #tpu.memory_space<vmem>>, vector<1x128x128xf32>
    %get3A_98 = vector.shape_cast %get3A_97 : vector<1x128x128xf32> to vector<128x128xf32>
    %dot_general3A_99 = arith.constant dense<0.000000e+00> : vector<2000x128xf32>
    %dot_general3A_100 = tpu.matmul %mul3A_93, %get3A_98, %dot_general3A_99 {dimension_numbers = #tpu.dot_dimension_numbers<[1], [0], [0], [1], [0, 0, 1, 1], [], []>, transpose_lhs_hint = false} : vector<2000x128xf32>, vector<128x128xf32>, vector<2000x128xf32> -> vector<2000x128xf32>
    %add3A_101 = arith.addf %add3A_64, %dot_general3A_100 : vector<2000x128xf32>
    %get3A_102 = arith.constant 2 : index
    %get3A_103 = arith.constant 0 : index
    %get3A_104 = arith.constant 0 : index
    %get3A_105 = vector.load %arg12[%get3A_102, %get3A_103, %get3A_104] : memref<4x128x128xf32, #tpu.memory_space<vmem>>, vector<1x128x128xf32>
    %get3A_106 = vector.shape_cast %get3A_105 : vector<1x128x128xf32> to vector<128x128xf32>
    %dot_general3A_107 = arith.constant dense<0.000000e+00> : vector<2000x128xf32>
    %dot_general3A_108 = tpu.matmul %mul3A_93, %get3A_106, %dot_general3A_107 {dimension_numbers = #tpu.dot_dimension_numbers<[1], [0], [0], [1], [0, 0, 1, 1], [], []>, transpose_lhs_hint = false} : vector<2000x128xf32>, vector<128x128xf32>, vector<2000x128xf32> -> vector<2000x128xf32>
    %add3A_109 = arith.addf %add3A_72, %dot_general3A_108 : vector<2000x128xf32>
    %get3A_110 = arith.constant 3 : index
    %get3A_111 = arith.constant 0 : index
    %get3A_112 = arith.constant 0 : index
    %get3A_113 = vector.load %arg2[%get3A_110, %get3A_111, %get3A_112] : memref<4x2000x16xf32, #tpu.memory_space<vmem>>, vector<1x2000x16xf32>
    %get3A_114 = vector.shape_cast %get3A_113 : vector<1x2000x16xf32> to vector<2000x16xf32>
    %reduce_sum3A_115 = arith.constant dense<0.000000e+00> : vector<2000xf32>
    %reduce_sum3A_116 = vector.multi_reduction <add>, %get3A_114, %reduce_sum3A_115 [1] : vector<2000x16xf32> to vector<2000xf32>
    %broadcast_in_dim3A_117 = vector.shape_cast %reduce_sum3A_116 : vector<2000xf32> to vector<2000x1xf32>
    %get3A_118 = arith.constant 3 : index
    %get3A_119 = arith.constant 0 : index
    %get3A_120 = arith.constant 0 : index
    %get3A_121 = vector.load %arg1[%get3A_118, %get3A_119, %get3A_120] : memref<4x2000x128xf32, #tpu.memory_space<vmem>>, vector<1x2000x128xf32>
    %get3A_122 = vector.shape_cast %get3A_121 : vector<1x2000x128xf32> to vector<2000x128xf32>
    %add3A_123 = arith.constant 9.99999993E-9 : f32
    %add3A_124 = vector.broadcast %add3A_123 : f32 to vector<2000x1xf32>
    %add3A_125 = arith.addf %broadcast_in_dim3A_117, %add3A_124 : vector<2000x1xf32>
    %div3A_126 = arith.constant 1.000000e+00 : f32
    %div3A_127 = vector.broadcast %div3A_126 : f32 to vector<2000x1xf32>
    %div3A_128 = arith.divf %div3A_127, %add3A_125 : vector<2000x1xf32>
    %mul3A_129 = vector.broadcast %div3A_128 : vector<2000x1xf32> to vector<2000x128xf32>
    %mul3A_130 = arith.mulf %get3A_122, %mul3A_129 : vector<2000x128xf32>
    %get3A_131 = arith.constant 3 : index
    %get3A_132 = arith.constant 0 : index
    %get3A_133 = arith.constant 0 : index
    %get3A_134 = vector.load %arg11[%get3A_131, %get3A_132, %get3A_133] : memref<4x128x128xf32, #tpu.memory_space<vmem>>, vector<1x128x128xf32>
    %get3A_135 = vector.shape_cast %get3A_134 : vector<1x128x128xf32> to vector<128x128xf32>
    %dot_general3A_136 = arith.constant dense<0.000000e+00> : vector<2000x128xf32>
    %dot_general3A_137 = tpu.matmul %mul3A_130, %get3A_135, %dot_general3A_136 {dimension_numbers = #tpu.dot_dimension_numbers<[1], [0], [0], [1], [0, 0, 1, 1], [], []>, transpose_lhs_hint = false} : vector<2000x128xf32>, vector<128x128xf32>, vector<2000x128xf32> -> vector<2000x128xf32>
    %add3A_138 = arith.addf %add3A_101, %dot_general3A_137 : vector<2000x128xf32>
    %get3A_139 = arith.constant 3 : index
    %get3A_140 = arith.constant 0 : index
    %get3A_141 = arith.constant 0 : index
    %get3A_142 = vector.load %arg12[%get3A_139, %get3A_140, %get3A_141] : memref<4x128x128xf32, #tpu.memory_space<vmem>>, vector<1x128x128xf32>
    %get3A_143 = vector.shape_cast %get3A_142 : vector<1x128x128xf32> to vector<128x128xf32>
    %dot_general3A_144 = arith.constant dense<0.000000e+00> : vector<2000x128xf32>
    %dot_general3A_145 = tpu.matmul %mul3A_130, %get3A_143, %dot_general3A_144 {dimension_numbers = #tpu.dot_dimension_numbers<[1], [0], [0], [1], [0, 0, 1, 1], [], []>, transpose_lhs_hint = false} : vector<2000x128xf32>, vector<128x128xf32>, vector<2000x128xf32> -> vector<2000x128xf32>
    %add3A_146 = arith.addf %add3A_109, %dot_general3A_145 : vector<2000x128xf32>
    %max3A = arith.constant 0.000000e+00 : f32
    %max3A_147 = vector.broadcast %max3A : f32 to vector<2000x128xf32>
    %max3A_148 = arith.maximumf %add3A_138, %max3A_147 : vector<2000x128xf32>
    %get3A_149 = arith.constant 0 : index
    %get3A_150 = arith.constant 0 : index
    %get3A_151 = vector.load %arg7[%get3A_149, %get3A_150] : memref<1x128xf32, #tpu.memory_space<vmem>>, vector<1x128xf32>
    %add3A_152 = vector.broadcast %get3A_151 : vector<1x128xf32> to vector<2000x128xf32>
    %add3A_153 = arith.addf %max3A_148, %add3A_152 : vector<2000x128xf32>
    %max3A_154 = arith.constant 0.000000e+00 : f32
    %max3A_155 = vector.broadcast %max3A_154 : f32 to vector<2000x128xf32>
    %max3A_156 = arith.maximumf %add3A_146, %max3A_155 : vector<2000x128xf32>
    %get3A_157 = arith.constant 0 : index
    %get3A_158 = arith.constant 0 : index
    %get3A_159 = vector.load %arg8[%get3A_157, %get3A_158] : memref<1x128xf32, #tpu.memory_space<vmem>>, vector<1x128xf32>
    %add3A_160 = vector.broadcast %get3A_159 : vector<1x128xf32> to vector<2000x128xf32>
    %add3A_161 = arith.addf %max3A_156, %add3A_160 : vector<2000x128xf32>
    %max3A_162 = arith.constant 0.000000e+00 : f32
    %max3A_163 = vector.broadcast %max3A_162 : f32 to vector<2000x128xf32>
    %max3A_164 = arith.maximumf %add3A_153, %max3A_163 : vector<2000x128xf32>
    %sub3A = arith.subf %add3A_153, %max3A_164 : vector<2000x128xf32>
    %exp3A = math.exp %sub3A : vector<2000x128xf32>
    %neg3A = arith.constant 0.000000e+00 : f32
    %neg3A_165 = vector.broadcast %neg3A : f32 to vector<2000x128xf32>
    %neg3A_166 = arith.subf %neg3A_165, %max3A_164 : vector<2000x128xf32>
    %exp3A_167 = math.exp %neg3A_166 : vector<2000x128xf32>
    %add3A_168 = arith.addf %exp3A, %exp3A_167 : vector<2000x128xf32>
    %log3A = math.log %add3A_168 : vector<2000x128xf32>
    %add3A_169 = arith.addf %max3A_164, %log3A : vector<2000x128xf32>
    %add3A_170 = arith.constant 1.010000e+00 : f32
    %add3A_171 = vector.broadcast %add3A_170 : f32 to vector<2000x128xf32>
    %add3A_172 = arith.addf %add3A_171, %add3A_169 : vector<2000x128xf32>
    %swap3A = arith.constant 0 : index
    %swap3A_173 = arith.constant 0 : index
    %swap3A_174 = vector.load %arg9[%swap3A, %swap3A_173] : memref<2000x128xf32, #tpu.memory_space<vmem>>, vector<2000x128xf32>
    tpu.vector_store %arg9[%swap3A, %swap3A_173], %add3A_172 {strides = array<i32>} : memref<2000x128xf32, #tpu.memory_space<vmem>>, vector<2000x128xf32>,
    %max3A_175 = arith.constant 0.000000e+00 : f32
    %max3A_176 = vector.broadcast %max3A_175 : f32 to vector<2000x128xf32>
    %max3A_177 = arith.maximumf %add3A_161, %max3A_176 : vector<2000x128xf32>
    %sub3A_178 = arith.subf %add3A_161, %max3A_177 : vector<2000x128xf32>
    %exp3A_179 = math.exp %sub3A_178 : vector<2000x128xf32>
    %neg3A_180 = arith.constant 0.000000e+00 : f32
    %neg3A_181 = vector.broadcast %neg3A_180 : f32 to vector<2000x128xf32>
    %neg3A_182 = arith.subf %neg3A_181, %max3A_177 : vector<2000x128xf32>
    %exp3A_183 = math.exp %neg3A_182 : vector<2000x128xf32>
    %add3A_184 = arith.addf %exp3A_179, %exp3A_183 : vector<2000x128xf32>
    %log3A_185 = math.log %add3A_184 : vector<2000x128xf32>
    %add3A_186 = arith.addf %max3A_177, %log3A_185 : vector<2000x128xf32>
    %add3A_187 = arith.constant 1.010000e+00 : f32
    %add3A_188 = vector.broadcast %add3A_187 : f32 to vector<2000x128xf32>
    %add3A_189 = arith.addf %add3A_188, %add3A_186 : vector<2000x128xf32>
    %swap3A_190 = arith.constant 0 : index
    %swap3A_191 = arith.constant 0 : index
    %swap3A_192 = vector.load %arg10[%swap3A_190, %swap3A_191] : memref<2000x128xf32, #tpu.memory_space<vmem>>, vector<2000x128xf32>
    tpu.vector_store %arg10[%swap3A_190, %swap3A_191], %add3A_189 {strides = array<i32>} : memref<2000x128xf32, #tpu.memory_space<vmem>>, vector<2000x128xf32>,
    return
  }
  func.func @transform_0(%arg0: i32) -> (i32, i32, i32) {
    %c0_i32 = arith.constant 0 : i32
    %c0_i32_0 = arith.constant 0 : i32
    %c0_i32_1 = arith.constant 0 : i32
    return %c0_i32, %arg0, %c0_i32_0 : i32, i32, i32
  }
  func.func @transform_1(%arg0: i32) -> (i32, i32, i32) {
    %c0_i32 = arith.constant 0 : i32
    %c0_i32_0 = arith.constant 0 : i32
    %c0_i32_1 = arith.constant 0 : i32
    return %c0_i32, %arg0, %c0_i32_0 : i32, i32, i32
  }
  func.func @transform_2(%arg0: i32) -> (i32, i32) {
    %c0_i32 = arith.constant 0 : i32
    %c0_i32_0 = arith.constant 0 : i32
    %c0_i32_1 = arith.constant 0 : i32
    return %c0_i32, %c0_i32_0 : i32, i32
  }
  func.func @transform_3(%arg0: i32) -> (i32, i32) {
    %c0_i32 = arith.constant 0 : i32
    %c0_i32_0 = arith.constant 0 : i32
    %c0_i32_1 = arith.constant 0 : i32
    return %c0_i32, %c0_i32_0 : i32, i32
  }
  func.func @transform_4(%arg0: i32) -> (i32, i32, i32) {
    %c0_i32 = arith.constant 0 : i32
    %c0_i32_0 = arith.constant 0 : i32
    %c0_i32_1 = arith.constant 0 : i32
    %c0_i32_2 = arith.constant 0 : i32
    return %c0_i32, %c0_i32_0, %c0_i32_1 : i32, i32, i32
  }
  func.func @transform_5(%arg0: i32) -> (i32, i32, i32) {
    %c0_i32 = arith.constant 0 : i32
    %c0_i32_0 = arith.constant 0 : i32
    %c0_i32_1 = arith.constant 0 : i32
    %c0_i32_2 = arith.constant 0 : i32
    return %c0_i32, %c0_i32_0, %c0_i32_1 : i32, i32, i32
  }
  func.func @transform_6(%arg0: i32) -> (i32, i32) {
    %c0_i32 = arith.constant 0 : i32
    %c0_i32_0 = arith.constant 0 : i32
    %c0_i32_1 = arith.constant 0 : i32
    return %c0_i32, %c0_i32_0 : i32, i32
  }
  func.func @transform_7(%arg0: i32) -> (i32, i32) {
    %c0_i32 = arith.constant 0 : i32
    %c0_i32_0 = arith.constant 0 : i32
    %c0_i32_1 = arith.constant 0 : i32
    return %c0_i32, %c0_i32_0 : i32, i32
  }
  func.func @transform_8(%arg0: i32) -> (i32, i32) {
    %c0_i32 = arith.constant 0 : i32
    %c0_i32_0 = arith.constant 0 : i32
    return %arg0, %c0_i32 : i32, i32
  }
  func.func @transform_9(%arg0: i32) -> (i32, i32) {
    %c0_i32 = arith.constant 0 : i32
    %c0_i32_0 = arith.constant 0 : i32
    return %arg0, %c0_i32 : i32, i32
  }
}

</mosaic_0001>

<sc_bundles>
// kernel: kernel.4.cloned.1.call-start
scs
__scs_entry_jumppad:
0x0: {  	(pc) =	sbr.rel $0x88, $3  }
0x1: {  	(tag) =	ssettag $0x0;
	lr =	simm.s32 $0x1  }
0x2: {  	[smem:$0x3F99] =	sst lr;
	_ =	strace $0xD0000000  }
0x3: {  	_ = 	snop  }
0x4: {  	_ = 	snop  }
0x5: {  	_ = 	snop  }
0x6: {  	_ = 	snop  }
0x7: {  	_ = 	snop  }
__scs_overlays_trampoline_lowered:
0x8: {  	[smem:$0x3FA8] =	sst s0  }
0x9: {  	[smem:$0x3FA9] =	sst s1  }
0xa: {  	[smem:$0x3FAA] =	sst s2  }
0xb: {  	[smem:$0x3FAB] =	sst s3  }
0xc: {  	[smem:$0x3FAC] =	sst s4  }
0xd: {  	[smem:$0x3FAD] =	sst s5  }
0xe: {  	[smem:$0x3FAE] =	sst s6  }
0xf: {  	[smem:$0x3FAF] =	sst s7  }
0x10: {  	[smem:$0x3FB0] =	sst s8  }
0x11: {  	[smem:$0x3FB1] =	sst s9;
	s0 =	simm.s32 @!p0 $0x0  }
0x12: {  	s1 =	sld [smem:$0x3F97];
	s0 =	simm.s32 @p0 $0x1  }
0x13: {  	[smem:$0x3FB2] =	sst s0;
	s0 =	simm.s32 @!p1 $0x0  }
0x14: {  	s2 =	sld [smem:$0x3F96];
	s0 =	simm.s32 @p1 $0x1  }
0x15: {  	[smem:$0x3FB3] =	sst s0;
	s0 =	simm.s32 @!p2 $0x0  }
0x16: {  	s3 =	sld [smem:$0x3FDB];
	s0 =	simm.s32 @p2 $0x1  }
0x17: {  	s4 =	simm.s32 $0x1BF5;
	[smem:$0x3FB5] =	sst s0  }
0x18: {  	s0 =	sld [smem:$0x3F98];
	_ =	swait.ge [sflag:s4], $0x0  }
0x19: {  	s7 =	sld [smem:$0x3F99]  }
0x1a: {  	s8 =	sadd.s32 $0xFFFFE003, lr  }
0x1b: {  	s9 =	sadd.s32 $0xFFFFFEF7, lr;
	s5 =	simm.s32 $0xFFFFFFFF;
	p2 =	slt.u32 s8, $0xFFFFF086  }
0x1c: {  	p1 =	slt.u32 s9, $0xF7A;
	s5 =	simm.s32 @!p2 $0x0  }
0x1d: {  	s5 =	simm.s32 @p1 $0x1;
	p0 =	seq.s32 s7, s2  }
0x1e: {  	s7 =	smul.u32 @!p0 $0xF7A, s2;
	p2 =	seq.s32 @!p0 s5, $0x0  }
0x1f: {  	s9 =	smul.u32 $0xF7A, s1;
	s8 =	simm.s32 @!p0 $0x1BF5;
	p2 =	por !p2, p0  }
0x20: {  	[sflag:s8] =	ssyncset.s32 @!p0 $0xFFFFF086;
	s6 =	sadd.s32 @!p0 s3, s7;
	s7 =	simm.s32 @!p0 $0x108  }
0x21: {  	s3 =	sadd.s32 s3, s9;
	s6 =	sadd.s32 @!p0 $0x88, s6;
	s7 =	simm.s32 @p2 $0x1082  }
0x22: {  	[simem:s7], [sflag:s8] =	dma.local @!p0 [hbm:s6], $0xF7A  }
0x23: {  	s9 =	sor.u32 $0xD0000000, s2;
	s6 =	simm.s32 $0x108;
	_ =	swait.ge @!p0 [sflag:s8], $0x0  }
0x24: {  	s3 =	sadd.s32 $0x88, s3;
	s6 =	simm.s32 @!p1 $0x1082;
	[sflag:s4] =	ssyncset.s32 $0xFFFFF086  }
0x25: {  	[simem:s6], [sflag:s4] =	dma.local [hbm:s3], $0xF7A  }
0x26: {  	[smem:$0x3F99] =	sst s1;
	(tag) =	ssettag s2;
	_ =	strace s9  }
0x27: {  	s1 =	sld [smem:$0x3FA9]  }
0x28: {  	s2 =	sld [smem:$0x3FAA]  }
0x29: {  	s4 =	sld [smem:$0x3FAC]  }
0x2a: {  	p0 =	seq.s32 s5, $0x0;
	s5 =	sld [smem:$0x3FAD]  }
0x2b: {  	s6 =	sld [smem:$0x3FAE]  }
0x2c: {  	s7 =	sld [smem:$0x3FAF]  }
0x2d: {  	s3 =	simm.s32 $0x108;
	s8 =	sld [smem:$0x3FB0]  }
0x2e: {  	s3 =	simm.s32 @!p0 $0x1082;
	s9 =	sld [smem:$0x3FB1]  }
0x2f: {  	lr =	sadd.s32 s0, s3;
	s0 =	sld [smem:$0x3FA8]  }
0x30: {  	s3 =	sld [smem:$0x3FAB]  }
0x31: {  	[smem:$0x3FB4] =	sst s10  }
0x32: {  	s10 =	sld [smem:$0x3FB2];
	_ =	sdelay $0x3  }
0x33: {  	p0 =	seq.s32 s10, $0x1;
	s10 =	sld [smem:$0x3FB4];
	_ =	sdelay $0x3  }
0x34: {  	[smem:$0x3FB4] =	sst s10  }
0x35: {  	s10 =	sld [smem:$0x3FB3];
	_ =	sdelay $0x3  }
0x36: {  	p1 =	seq.s32 s10, $0x1;
	s10 =	sld [smem:$0x3FB4];
	_ =	sdelay $0x3  }
0x37: {  	[smem:$0x3FB4] =	sst s10  }
0x38: {  	s10 =	sld [smem:$0x3FB5]  }
0x39: {  	_ = 	snop;
	(pc) =	sbr.ind lr, $3  }
0x3a: {  	_ = 	snop  }
0x3b: {  	_ = 	snop  }
0x3c: {  	p2 =	seq.s32 s10, $0x1;
	s10 =	sld [smem:$0x3FB4]  }
0x3d: {  	_ =	shalt  }
0x3e: {  	_ =	shalt  }
0x3f: {  	_ =	shalt  }
0x40: {  	_ =	shalt  }
0x41: {  	_ =	shalt  }
0x42: {  	_ =	shalt  }
0x43: {  	_ =	shalt  }
0x44: {  	_ =	shalt  }
0x45: {  	_ =	shalt  }
0x46: {  	_ =	shalt  }
0x47: {  	_ =	shalt  }
0x48: {  	_ =	shalt  }
0x49: {  	_ =	shalt  }
0x4a: {  	_ =	shalt  }
0x4b: {  	_ =	shalt  }
0x4c: {  	_ =	shalt  }
0x4d: {  	_ =	shalt  }
0x4e: {  	_ =	shalt  }
0x4f: {  	_ =	shalt  }
0x50: {  	_ =	shalt  }
0x51: {  	_ =	shalt  }
0x52: {  	_ =	shalt  }
0x53: {  	_ =	shalt  }
0x54: {  	_ =	shalt  }
0x55: {  	_ =	shalt  }
0x56: {  	_ =	shalt  }
0x57: {  	_ =	shalt  }
0x58: {  	_ =	shalt  }
0x59: {  	_ =	shalt  }
0x5a: {  	_ =	shalt  }
0x5b: {  	_ =	shalt  }
0x5c: {  	_ =	shalt  }
0x5d: {  	_ =	shalt  }
0x5e: {  	_ =	shalt  }
0x5f: {  	_ =	shalt  }
0x60: {  	_ =	shalt  }
0x61: {  	_ =	shalt  }
0x62: {  	_ =	shalt  }
0x63: {  	_ =	shalt  }
0x64: {  	_ =	shalt  }
0x65: {  	_ =	shalt  }
0x66: {  	_ =	shalt  }
0x67: {  	_ =	shalt  }
0x68: {  	_ =	shalt  }
0x69: {  	_ =	shalt  }
0x6a: {  	_ =	shalt  }
0x6b: {  	_ =	shalt  }
0x6c: {  	_ =	shalt  }
0x6d: {  	_ =	shalt  }
0x6e: {  	_ =	shalt  }
0x6f: {  	_ =	shalt  }
0x70: {  	_ =	shalt  }
0x71: {  	_ =	shalt  }
0x72: {  	_ =	shalt  }
0x73: {  	_ =	shalt  }
0x74: {  	_ =	shalt  }
0x75: {  	_ =	shalt  }
0x76: {  	_ =	shalt  }
0x77: {  	_ =	shalt  }
0x78: {  	_ =	shalt  }
0x79: {  	_ =	shalt  }
0x7a: {  	_ =	shalt  }
0x7b: {  	_ =	shalt  }
0x7c: {  	_ =	shalt  }
0x7d: {  	_ =	shalt  }
0x7e: {  	_ =	shalt  }
0x7f: {  	_ =	shalt  }
0x80: {  	_ =	shalt  }
0x81: {  	_ =	shalt  }
0x82: {  	_ =	shalt  }
0x83: {  	_ =	shalt  }
0x84: {  	_ =	shalt  }
0x85: {  	_ =	shalt  }
0x86: {  	_ =	shalt  }
0x87: {  	_ =	shalt  }
.Lfunc_end0:
.L_simem_size_0:
called_computation_lowered:
.L_overlay_start_0:
0x88: {  	s2 =	sld [smem:$0x3FD9]  }
0x89: {  	s3 =	sld [smem:$0x3FFE];
	_ =	sdelay $0x1  }
0x8a: {  	s1 =	srdreg.scid  }
0x8b: {  	s0 =	sand.u32 $0x1, s1  }
0x8c: {  	s14 =	sshll.u32 s0, $0xA;
	s2 =	sadd.s32 s3, s2  }
0x8d: {  	s2 =	sadd.s32 s2, s14  }
0x8e: {  	[smem:$0x3FC0] =	sst s2  }
0x8f: {  	_ = 	snop  }
0x90: {  	s2 =	sld [smem:$0x3FD0];
	_ =	sdelay $0x2  }
0x91: {  	s15 =	simm.s32 $0xA;
	s4 =	simm.s32 $0x10  }
0x92: {  	[smem:s4], [sflag:s15] =	dma.local [hbm:s2], $0x1  }
0x93: {  	_ =	swait.eq [sflag:s15], $0x1  }
0x94: {  	[sflag:s15] =	ssyncset.done $0x0  }
0x95: {  	s16 =	sld [smem:$0x10];
	[sflag:s15] =	ssyncadd.s32 $0xFFFFFFFF  }
0x96: {  	s17 =	sld [smem:$0x11];
	(tm) =	ssettm $0x1  }
0x97: {  	s18 =	sld [smem:$0x3FFB];
	_ =	sdelay $0x3  }
0x98: {  	_ =	strace s18  }
0x99: {  	s4 =	sld [smem:$0x3FFC];
	_ =	sdelay $0x3  }
0x9a: {  	_ =	strace s4  }
0x9b: {  	s4 =	sld [smem:$0x3FFD];
	_ =	sdelay $0x3  }
0x9c: {  	_ =	strace s4  }
0x9d: {  	_ =	strace $0x8FFFFFFF  }
0x9e: {  	s19 =	sld [smem:$0x3FDB];
	_ =	sdelay $0x1  }
0x9f: {  	s5 =	simm.s32 $_scs_section_size  }
0xa0: {  	s6 =	simm.s32 $_size__tile_overlayer_lowered;
	s7 =	simm.s32 $_tile_overlayer_lowered  }
0xa1: {  	s22 =	simm.s32 $0x1BFF;
	s21 =	sshll.u32 s7, $0x1;
	s4 =	sadd.s32 s5, s19  }
0xa2: {  	s8 =	simm.s32 $0x0;
	s20 =	sshll.u32 s6, $0x1;
	s6 =	sadd.s32 s21, s4  }
0xa3: {  	[timem:s8], [sflag:s22] =	dma.local [hbm:s6], s20  }
0xa4: {  	_ =	swait.ge [sflag:s22], s20  }
0xa5: {  	s5 =	ssub.s32 $0x0, s20;
	[sflag:s22] =	ssyncset.done $0x0  }
0xa6: {  	[sflag:s22] =	ssyncadd.s32 s5;
	_ =	sdelay $0x1  }
0xa7: {  	s23 =	simm.s32 $0x1B8B  }
0xa8: {  	_ =	swait.ge [sflag:s23], $0x1  }
0xa9: {  	[sflag:s23] =	ssyncset.done $0x0  }
0xaa: {  	s25 =	simm.s32 $0x1B8E;
	s24 =	sld [smem:$0x3FFE];
	[sflag:s23] =	ssyncadd.s32 $0xFFFFFFFF  }
0xab: {  	s26 =	simm.s32 $execute0_lowered;
	[smem:$0x3FD2] =	sst s25  }
0xac: {  	s6 =	sshll.u32 s26, $0x1;
	_ =	strace $0x80000046;
	[dreg:$0x1] =	wrdreg $0xFFFFFFFF  }
0xad: {  	s28 =	simm.s32 $_size_execute0_lowered;
	s4 =	sadd.s32 s4, s6;
	[dreg:$0x0] =	wrdreg $0x0  }
0xae: {  	s6 =	sshll.u32 s28, $0x1;
	[dreg:$0x2] =	wrdreg s4  }
0xaf: {  	[dreg:$0x3] =	wrdreg s6  }
0xb0: {  	[dreg:$0x4] =	wrdreg $0xC0  }
0xb1: {  	_ =	task [dreg:s8], $0x5FFFF  }
0xb2: {  	[dreg:$0x1] =	wrdreg $0xFFFFFFFF  }
0xb3: {  	[dreg:$0x0] =	wrdreg $0x60  }
0xb4: {  	[dreg:$0x2] =	wrdreg s17  }
0xb5: {  	[dreg:$0x3] =	wrdreg s24  }
0xb6: {  	[dreg:$0x4] =	wrdreg s16  }
0xb7: {  	[dreg:$0x5] =	wrdreg $0x20000  }
0xb8: {  	[dreg:$0x6] =	wrdreg $0x9  }
0xb9: {  	_ =	task.clear_ibuf [dreg:s8], $0x7FFFF;
	_ =	strace $0x90000046  }
0xba: {  	s29 =	simm.s32 $0x9;
	_ =	strace $0x80000048  }
0xbb: {  	_ =	swait.ge [sflag:s29], $0x1  }
0xbc: {  	[sflag:s29] =	ssyncadd.s32 $0xFFFFFFFF  }
0xbd: {  	_ =	strace $0x90000048  }
0xbe: {  	_ =	sfence  }
0xbf: {  	s30 =	sld [smem:$0x0];
	_ =	sdelay $0x2  }
0xc0: {  	s31 =	sshll.u32 s1, $0xD;
	s1 =	sshrl.u32 s1, $0x2  }
0xc1: {  	s3 =	sand.u32 $0x4000, s31;
	s1 =	sadd.s32 s1, s30  }
0xc2: {  	s0 =	sor.u32 s3, s0;
	s1 =	sshll.u32 s1, $0x11  }
0xc3: {  	s0 =	sor.u32 s1, s0  }
0xc4: {  	s0 =	sadd.s32 $0x8F2B, s0  }
0xc5: {  	[sflag:s0] =	ssyncadd.remote.s32 $0x1  }
0xc6: {  	_ =	sfence.sel $0xFFFF  }
0xc7: {  	[dreg:$0x0] =	wrdreg $0xFFFFFFFF;
	(pc) =	sbr.abs _section_cstart, $3  }
0xc8: {  	[dreg:$0x1] =	wrdreg $0xFFFFFFFF  }
0xc9: {  	_ =	task.clear_ibuf [dreg:s8], $0x2FFFF;
	_ =	strace $0x9FFFFFFF  }
0xca: {  	(tm) =	ssettm $0x7FFFFFFF  }
0xcb: {  	_ =	shalt  }
tec
execute0_lowered:
.L_overlay_start_1:
0x0: {  	(tag) =	ssettag $0x1  }
0x1: {  	s1 =	rddreg [dreg:$0x0]  }
0x2: {  	s0 =	rddreg [dreg:$0x1]  }
0x3: {  	s4 =	rddreg [dreg:$0x2];
	s21 =	stileid.u32  }
0x4: {  	s2 =	rddreg [dreg:$0x3];
	s3 =	simm.s32 $0x0;
	s11 =	smul.u32 $0x50, s21  }
0x5: {  	s5 =	srdreg.scid;
	s28 =	simm.s32 $0x1A880;
	s29 =	smul.u32 $0x13C00, s21  }
0x6: {  	s31 =	simm.s32 $0x0;
	s8 =	sand.u32 $0x1, s5;
	s23 =	smul.u32 $0x58E00, s21  }
0x7: {  	[smem:$0x7FF] =	sst s3;
	s9 =	sadd.s32 $0x16200, s0;
	s6 =	smul.u32 $0x28000, s8  }
0x8: {  	_ =	strace $0x80000047;
	[dreg:$0x5] =	wrdreg s9;
	s9 =	smul.u32 $0x1400, s21  }
0x9: {  	s5 =	sadd.s32 $0xC200, s0;
	s7 =	sadd.s32 $0x2200, s0;
	s14 =	smul.u32 $0x271000, s8  }
0xa: {  	s10 =	ssub.s32 $0x2, s8;
	s30 =	smul.u32 $0x4E200, s8;
	s8 =	sshllo.u32 s8, $0x1  }
0xb: {  	s0 =	sadd.s32 $0x19000, s0;
	p0 =	seq.s32 s21, $0xF;
	s16 =	smul.u32 $0x138800, s8  }
0xc: {  	s12 =	sshrl.u32 s10, $0x1;
	s22 =	smul.u32 $0x27100, s8;
	s13 =	sadd.s32 s9, s6  }
0xd: {  	s10 =	ssub.s32 s10, s12;
	s18 =	sadd.s32 s29, s14;
	s17 =	sor.u32 $0x40, s9  }
0xe: {  	s19 =	sshrl.u32 s14, $0x3;
	s24 =	sshrl.u32 s30, $0x3;
	s26 =	sshrl.u32 s13, $0x3  }
0xf: {  	s13 =	sadd.s32 s29, s16;
	s16 =	sshrl.u32 s16, $0x3;
	s15 =	sadd.s32 s7, s26  }
0x10: {  	s12 =	sadd.s32 s5, s26;
	s13 =	sshrl.u32 s13, $0x3;
	[dreg:$0x6] =	wrdreg s15  }
0x11: {  	s26 =	sadd.s32 s6, s17;
	[dreg:$0x7] =	wrdreg s12;
	s12 =	sshrl.u32 s18, $0x3  }
0x12: {  	s18 =	smul.u32 $0x2780, s21;
	s13 =	sadd.s32 s0, s13;
	s21 =	simm.s32 $0x1000  }
0x13: {  	s12 =	sadd.s32 s0, s12;
	[dreg:$0x9] =	wrdreg s13;
	s13 =	sshrl.u32 s22, $0x3  }
0x14: {  	[dreg:$0x8] =	wrdreg s12;
	s20 =	sadd.s32 s18, s30;
	s12 =	sadd.s32 s0, s19  }
0x15: {  	s0 =	sadd.s32 s0, s16;
	s25 =	sadd.s32 s18, s22;
	s16 =	sshrl.u32 s23, $0x2  }
0x16: {  	s18 =	sor.u32 $0x1, s11;
	s19 =	sor.u32 $0x2, s11;
	s12 =	sadd.s32 $0x25080, s12  }
0x17: {  	s14 =	sshrl.u32 s20, $0x3;
	s0 =	sadd.s32 $0x25080, s0;
	[dreg:$0xe] =	wrdreg s12  }
0x18: {  	s15 =	sshrl.u32 s25, $0x3;
	s25 =	smax.u32 s10, $0x1;
	[dreg:$0x13] =	wrdreg s0  }
0x19: {  	s30 =	sadd.s32 s16, s2;
	s20 =	sor.u32 $0x3, s11;
	[dreg:$0x15] =	wrdreg s25  }
0x1a: {  	s14 =	sadd.s32 s4, s14;
	s15 =	sadd.s32 s4, s15;
	[dreg:$0xd] =	wrdreg s30  }
0x1b: {  	s12 =	simm.s32 $0x183C0;
	s25 =	simm.s32 $0x2;
	[dreg:$0xa] =	wrdreg s14  }
0x1c: {  	s14 =	sadd.s32 s4, s24;
	[dreg:$0xb] =	wrdreg s15;
	s4 =	sadd.s32 s4, s13  }
0x1d: {  	s13 =	sshrl.u32 s26, $0x3;
	s15 =	smul.u32 $0x14000, s8;
	s26 =	sadd.s32 $0x80, s30  }
0x1e: {  	s30 =	sadd.s32 $0x14D500, s2;
	s29 =	sadd.s32 s7, s13;
	[dreg:$0x16] =	wrdreg s26  }
0x1f: {  	s24 =	sadd.s32 $0x4A10, s4;
	[dreg:$0x18] =	wrdreg s30;
	s26 =	simm.s32 $0x8  }
0x20: {  	[dreg:$0xc] =	wrdreg s29;
	s11 =	sadd.s32 s9, s15;
	s16 =	sadd.s32 s17, s15  }
0x21: {  	s17 =	sadd.s32 $0x4A10, s14;
	[dreg:$0x14] =	wrdreg s24;
	s29 =	sadd.s32 $0x14D480, s2  }
0x22: {  	s14 =	simm.s32 $0x18440;
	s24 =	simm.s32 $0x18480;
	s8 =	sshrl.u32 s11, $0x3  }
.Ltmp0:
0x23: {  	[dreg:$0xf] =	wrdreg s17;
	s9 =	sshrl.u32 s16, $0x3;
	(pc) =	sbr.rel .LBB2_1-.Ltmp0, $4  }
0x24: {  	[dreg:$0x17] =	wrdreg s29;
	s11 =	simm.s32 $0x40;
	s22 =	sadd.s32 s7, s8  }
0x25: {  	s16 =	simm.s32 $0x6;
	s8 =	sadd.s32 s5, s8;
	[dreg:$0x10] =	wrdreg s22  }
0x26: {  	v0 =	vimm.f32 $0.0e+00;
	vm0 =	vcmask $0x300;
	s23 =	sadd.s32 s7, s9;
	s9 =	simm.s32 $0x18400;
	[dreg:$0x11] =	wrdreg s8  }
0x27: {  	v0 =	vsel vm0, $0x3F800000, v0;
	[dreg:$0x12] =	wrdreg s23;
	s22 =	simm.s32 $0x1;
	s23 =	simm.s32 $0x7  }
.LBB2_19:
0x28: {  	s4 =	simm.s32 $0x3  }
0x29: {  	_ =	swait.ge [sflag:s4], $0x2400  }
0x2a: {  	[sflag:s4] =	ssyncset.done $0x0  }
0x2b: {  	s29 =	simm.s32 $0x4;
	[sflag:s4] =	ssyncadd.s32 $0xFFFFDC00  }
0x2c: {  	_ =	swait.ge [sflag:s29], $0x2400  }
0x2d: {  	[sflag:s29] =	ssyncset.done $0x0  }
0x2e: {  	[sflag:s29] =	ssyncadd.s32 $0xFFFFDC00  }
0x2f: {  	[bflag:$0x0] =	sbarrier.arrive $0xFFFF  }
0x30: {  	s8 =	simm.s32 @p0 $0x10;
	s13 =	rddreg [dreg:$0x13]  }
0x31: {  	s10 =	simm.s32 @p0 $0x12;
	s4 =	simm.s32 @p0 $0x1;
	s17 =	rddreg [dreg:$0x19]  }
0x32: {  	[hbm:s13@s8], [sflag:s0] =	dma.strided @p0 [spmem:s17@s10], $0x2080, s4, $0x10   }
0x33: {  	s8 =	simm.s32 @p0 $0x9  }
0x34: {  	_ =	swait.ge @p0 [sflag:s8], $0x2080  }
0x35: {  	[sflag:s8] =	ssyncset.done @p0 $0x0;
	s17 =	rddreg [dreg:$0x14]  }
0x36: {  	s13 =	simm.s32 @p0 $0x2;
	s29 =	rddreg [dreg:$0x1c];
	[sflag:s8] =	ssyncadd.s32 @p0 $0xFFFFDF80  }
0x37: {  	[hbm:s17@s13], [sflag:s0] =	dma.strided @p0 [spmem:s29@s10], $0x410, s4, $0x2   }
0x38: {  	s4 =	simm.s32 @!p0 $0x1;
	_ =	swait.ge @p0 [sflag:s8], $0x410  }
0x39: {  	s10 =	simm.s32 @!p0 $0x12;
	[sflag:s8] =	ssyncset.done @p0 $0x0;
	s13 =	rddreg [dreg:$0x9]  }
0x3a: {  	s17 =	rddreg [dreg:$0x1b];
	[sflag:s8] =	ssyncadd.s32 @p0 $0xFFFFFBF0;
	s8 =	simm.s32 @!p0 $0x10  }
0x3b: {  	[hbm:s13@s8], [sflag:s0] =	dma.strided @!p0 [spmem:s17@s10], $0x2780, s4, $0x10   }
0x3c: {  	s8 =	simm.s32 @!p0 $0x9  }
0x3d: {  	_ =	swait.ge @!p0 [sflag:s8], $0x2780  }
0x3e: {  	[sflag:s8] =	ssyncset.done @!p0 $0x0;
	s17 =	rddreg [dreg:$0xb]  }
0x3f: {  	s13 =	simm.s32 @!p0 $0x2;
	s29 =	rddreg [dreg:$0x1d];
	[sflag:s8] =	ssyncadd.s32 @!p0 $0xFFFFD880  }
0x40: {  	[hbm:s17@s13], [sflag:s0] =	dma.strided @!p0 [spmem:s29@s10], $0x4F0, s4, $0x2   }
0x41: {  	_ =	swait.ge @!p0 [sflag:s8], $0x4F0  }
0x42: {  	s31 =	sadd.s32 $0x1, s31;
	s30 =	rddreg [dreg:$0x15]  }
0x43: {  	p1 =	sne.s32 s31, s30  }
.Ltmp1:
0x44: {  	_ = 	snop;
	(pc) =	sbr.rel @!p1 .LBB2_20-.Ltmp1, $3  }
0x45: {  	[sflag:s8] =	ssyncset.done @!p0 $0x0  }
0x46: {  	[sflag:s8] =	ssyncadd.s32 @!p0 $0xFFFFFB10  }
0x47: {  	[bflag:$0x0] =	sbarrier.arrive $0xFFFF;
	_ =	sdelay $0x1  }
.LBB2_1:
0x48: {  	s0 =	simm.s32 $0x440;
	s4 =	simm.s32 $0x80  }
.LBB2_2:
0x49: {  	p1 =	sne.s32 s0, $0x8FC0;
	[tilespmem:s4+$0x18480] =	vst v0;
	s4 =	smov.u32 s0;
	s0 =	sadd.s32 $0x240, s0  }
.Ltmp2:
0x4a: {  	(pc) =	sbr.rel @p1 .LBB2_2-.Ltmp2, $2  }
0x4b: {  	_ =	sdelay $0x2  }
0x4c: {  	s4 =	sshra.s32 s4, $0x2  }
0x4d: {  	[tilespmem:s4+$0x18480] =	vst v0;
	s0 =	simm.s32 $0x440;
	s4 =	simm.s32 $0x80  }
.LBB2_4:
0x4e: {  	p1 =	sne.s32 s0, $0x8FC0;
	[tilespmem:s4+$0x1A880] =	vst v0;
	s4 =	smov.u32 s0;
	s0 =	sadd.s32 $0x240, s0  }
.Ltmp3:
0x4f: {  	(pc) =	sbr.rel @p1 .LBB2_4-.Ltmp3, $2  }
0x50: {  	_ =	sdelay $0x2  }
0x51: {  	s4 =	sshra.s32 s4, $0x2  }
0x52: {  	[tilespmem:s4+$0x1A880] =	vst v0;
	s4 =	simm.s32 $0x0;
	s0 =	rddreg [dreg:$0x6];
	s8 =	simm.s32 $0x18380  }
0x53: {  	[tilespmem:s8], [sflag:$0x5] =	stream.linear.gather [hbm4b:s0+s4], $0x40, $0x38;
	[tilespmem:$0x1CC80] =	vst v63  }
0x54: {  	s29 =	rddreg [dreg:$0x7];
	s30 =	simm.s32 $0x5  }
0x55: {  	[tilespmem:s9], [sflag:$0x7] =	stream.linear.gather [hbm4b:s29+s4], $0x40, $0x38;
	[tilespmem:$0x1CC80] =	vst v63  }
0x56: {  	_ =	swait.ge [sflag:s30], $0x40  }
0x57: {  	[sflag:s30] =	ssyncset.done $0x0  }
0x58: {  	s10 =	rddreg [dreg:$0xc];
	[sflag:s30] =	ssyncadd.s32 $0xFFFFFFC0  }
0x59: {  	[tilespmem:s4], [sflag:$0x1] =	stream.indirect.gather [hbm4b:s1+s11], $0x40, s8, s11, $0xb8;
	[tilespmem:$0x1CC80] =	vst v63  }
0x5a: {  	s13 =	stileid.u32;
	s17 =	rddreg [dreg:$0xd]  }
0x5b: {  	[tilespmem:s12], [sflag:$0x6] =	stream.linear.gather [hbm4b:s10+s4], $0x40, $0x38;
	[tilespmem:$0x1CC80] =	vst v63  }
0x5c: {  	s0 =	sshll.u32 s13, $0x6;
	s29 =	rddreg [dreg:$0x5];
	s10 =	sshrl.u32 s17, $0x3  }
0x5d: {  	s0 =	sor.u32 $0x1C09, s0;
	s30 =	simm.s32 $0x9;
	[dreg:$0x1a] =	wrdreg s10  }
0x5e: {  	[spmem:s10], [sflag:s0] =	dma.local [hbm:s29], $0x2C70  }
0x5f: {  	_ =	swait.ge [sflag:s30], $0x2C70  }
0x60: {  	[sflag:s30] =	ssyncset.done $0x0  }
0x61: {  	[sflag:s30] =	ssyncadd.s32 $0xFFFFD390  }
0x62: {  	s8 =	simm.s32 $0x0;
	[bflag:$0x0] =	sbarrier.arrive $0xFFFF  }
.LBB2_6:
0x63: {  	s10 =	sshll.u32 s8, $0x1  }
0x64: {  	p1 =	seq.s32 s8, $0x0;
	s13 =	sadd.s32 s10, s18  }
0x65: {  	s29 =	simm.s32 @!p1 $0x4;
	s13 =	sshll.u32 s13, $0x6  }
0x66: {  	_ =	swait.ge @!p1 [sflag:s29], $0x2400;
	s13 =	sadd.s32 s6, s13  }
0x67: {  	[sflag:s29] =	ssyncset.done @!p1 $0x0;
	s13 =	sshrl.u32 s13, $0x3  }
0x68: {  	[sflag:s29] =	ssyncadd.s32 @!p1 $0xFFFFDC00;
	s13 =	sadd.s32 s5, s13  }
0x69: {  	[tilespmem:s14], [sflag:$0x8] =	stream.linear.gather [hbm4b:s13+s4], $0x40, $0x38;
	[tilespmem:$0x1CC80] =	vst v63  }
0x6a: {  	_ =	swait.ge [sflag:s16], $0x40  }
0x6b: {  	[sflag:s16] =	ssyncset.done $0x0  }
0x6c: {  	[sflag:s16] =	ssyncadd.s32 $0xFFFFFFC0  }
0x6d: {  	[tilespmem:s21], [sflag:$0x2] =	stream.indirect.gather [hbm4b:s1+s11], $0x40, s12, s11, $0xb8;
	[tilespmem:$0x1CC80] =	vst v63  }
0x6e: {  	_ =	swait.ge [sflag:s22], $0x1000  }
0x6f: {  	[sflag:s22] =	ssyncset.done $0x0  }
0x70: {  	s29 =	simm.s32 $0x0;
	[sflag:s22] =	ssyncadd.s32 $0xFFFFF000  }
0x71: {  	v1 =	vld [tilespmem:s29+$0x0];
	_ =	sdelay $0x4  }
0x72: {  	s13 =	simm.s32 $0x184C0;
	v2 =	vunpack.i.l.bf16.f32 v1  }
0x73: {  	v1 =	vunpack.i.u.bf16.f32 v1;
	[tilespmem:s13+$0xFFFFFFC0] =	vst v2  }
0x74: {  	[tilespmem:s13+$0xFFFFFFD0] =	vst v1  }
0x75: {  	v1 =	vld [tilespmem:s29+$0x10];
	_ =	sdelay $0x4  }
0x76: {  	v2 =	vunpack.i.l.bf16.f32 v1  }
0x77: {  	v1 =	vunpack.i.u.bf16.f32 v1;
	[tilespmem:s13+$0xFFFFFFE0] =	vst v2  }
0x78: {  	[tilespmem:s13+$0xFFFFFFF0] =	vst v1  }
0x79: {  	v1 =	vld [tilespmem:s29+$0x20];
	_ =	sdelay $0x4  }
0x7a: {  	v2 =	vunpack.i.u.bf16.f32 v1  }
0x7b: {  	v1 =	vunpack.i.l.bf16.f32 v1;
	[tilespmem:s13+$0x10] =	vst v2  }
0x7c: {  	[tilespmem:s13+$0x0] =	vst v1  }
0x7d: {  	v1 =	vld [tilespmem:s29+$0x30];
	_ =	sdelay $0x4  }
0x7e: {  	v2 =	vunpack.i.l.bf16.f32 v1  }
0x7f: {  	v1 =	vunpack.i.u.bf16.f32 v1;
	[tilespmem:s13+$0x20] =	vst v2  }
0x80: {  	s29 =	simm.s32 $0x40;
	[tilespmem:s13+$0x30] =	vst v1  }
0x81: {  	v1 =	vld [tilespmem:s29+$0x0]  }
0x82: {  	s30 =	simm.s32 $0x200  }
.LBB2_7:
0x83: {  	p1 =	sne.s32 s30, $0x3F00;
	_ =	sdelay $0x2  }
0x84: {  	s13 =	sadd.s32 $0x90, s13;
	v2 =	vunpack.i.l.bf16.f32 v1  }
0x85: {  	v1 =	vunpack.i.u.bf16.f32 v1;
	[tilespmem:s13+$0xFFFFFFC0] =	vst v2  }
0x86: {  	[tilespmem:s13+$0xFFFFFFD0] =	vst v1  }
0x87: {  	v1 =	vld [tilespmem:s29+$0x10];
	_ =	sdelay $0x4  }
0x88: {  	v2 =	vunpack.i.l.bf16.f32 v1  }
0x89: {  	v1 =	vunpack.i.u.bf16.f32 v1;
	[tilespmem:s13+$0xFFFFFFE0] =	vst v2  }
0x8a: {  	[tilespmem:s13+$0xFFFFFFF0] =	vst v1  }
0x8b: {  	v1 =	vld [tilespmem:s29+$0x20];
	_ =	sdelay $0x4  }
0x8c: {  	v2 =	vunpack.i.u.bf16.f32 v1;
	v1 =	vunpack.i.l.bf16.f32 v1  }
0x8d: {  	[tilespmem:s13+$0x10] =	vst v2  }
0x8e: {  	[tilespmem:s13+$0x0] =	vst v1  }
0x8f: {  	v1 =	vld [tilespmem:s29+$0x30];
	_ =	sdelay $0x4  }
.Ltmp4:
0x90: {  	v2 =	vunpack.i.u.bf16.f32 v1;
	v1 =	vunpack.i.l.bf16.f32 v1;
	(pc) =	sbr.rel @p1 .LBB2_7-.Ltmp4, $4  }
0x91: {  	[tilespmem:s13+$0x20] =	vst v1  }
0x92: {  	s29 =	sshra.s32 s30, $0x2;
	[tilespmem:s13+$0x30] =	vst v2  }
0x93: {  	v1 =	vld [tilespmem:s29+$0x0]  }
0x94: {  	s30 =	sadd.s32 $0x100, s30  }
0x95: {  	_ =	sdelay $0x2  }
0x96: {  	s13 =	sadd.s32 $0x90, s13;
	v2 =	vunpack.i.l.bf16.f32 v1  }
0x97: {  	v1 =	vunpack.i.u.bf16.f32 v1;
	[tilespmem:s13+$0xFFFFFFC0] =	vst v2  }
0x98: {  	[tilespmem:s13+$0xFFFFFFD0] =	vst v1  }
0x99: {  	v1 =	vld [tilespmem:s29+$0x10];
	_ =	sdelay $0x4  }
0x9a: {  	v2 =	vunpack.i.l.bf16.f32 v1  }
0x9b: {  	v1 =	vunpack.i.u.bf16.f32 v1;
	[tilespmem:s13+$0xFFFFFFE0] =	vst v2  }
0x9c: {  	[tilespmem:s13+$0xFFFFFFF0] =	vst v1  }
0x9d: {  	v1 =	vld [tilespmem:s29+$0x20];
	_ =	sdelay $0x4  }
0x9e: {  	v2 =	vunpack.i.u.bf16.f32 v1  }
0x9f: {  	v1 =	vunpack.i.l.bf16.f32 v1;
	[tilespmem:s13+$0x10] =	vst v2  }
0xa0: {  	[tilespmem:s13+$0x0] =	vst v1  }
0xa1: {  	v1 =	vld [tilespmem:s29+$0x30];
	_ =	sdelay $0x4  }
0xa2: {  	v2 =	vunpack.i.l.bf16.f32 v1  }
0xa3: {  	p1 =	seq.s32 s8, $0x27;
	v1 =	vunpack.i.u.bf16.f32 v1;
	[tilespmem:s13+$0x20] =	vst v2  }
0xa4: {  	[tilespmem:s13+$0x30] =	vst v1;
	s13 =	sadd.s32 @!p1 s10, s19  }
0xa5: {  	_ =	swait.ge [sflag:s23], $0x40;
	s13 =	sshll.u32 @!p1 s13, $0x6  }
0xa6: {  	[sflag:s23] =	ssyncset.done $0x0;
	s13 =	sadd.s32 @!p1 s6, s13  }
0xa7: {  	[sflag:s23] =	ssyncadd.s32 $0xFFFFFFC0;
	s13 =	sshrl.u32 @!p1 s13, $0x3  }
0xa8: {  	[spmem:s2] =	stream.indirect.scatter.add.f32 [tilespmem:s24], [sflag:$0x3], $0x90, s9, s11, $0xb8;
	[tilespmem:$0x1CC80] =	vst v63  }
0xa9: {  	s30 =	simm.s32 @!p1 $0x0;
	s17 =	simm.s32 @!p1 $0x18380;
	s29 =	sadd.s32 @!p1 s7, s13  }
0xaa: {  	[tilespmem:s17], [sflag:$0x5] =	stream.linear.gather @!p1 [hbm4b:s29+s30], $0x40, $0x38;
	[tilespmem:$0x1CC80] =	vst v63  }
0xab: {  	s29 =	simm.s32 @!p1 $0x3  }
0xac: {  	_ =	swait.ge @!p1 [sflag:s29], $0x2400  }
0xad: {  	[sflag:s29] =	ssyncset.done @!p1 $0x0  }
0xae: {  	s13 =	sadd.s32 @!p1 s5, s13;
	[sflag:s29] =	ssyncadd.s32 @!p1 $0xFFFFDC00;
	s29 =	simm.s32 @!p1 $0x18400  }
0xaf: {  	[tilespmem:s29], [sflag:$0x7] =	stream.linear.gather @!p1 [hbm4b:s13+s30], $0x40, $0x38;
	[tilespmem:$0x1CC80] =	vst v63  }
0xb0: {  	s13 =	simm.s32 @!p1 $0x5  }
0xb1: {  	_ =	swait.ge @!p1 [sflag:s13], $0x40  }
0xb2: {  	[sflag:s13] =	ssyncset.done @!p1 $0x0  }
0xb3: {  	[sflag:s13] =	ssyncadd.s32 @!p1 $0xFFFFFFC0;
	s13 =	simm.s32 @!p1 $0x40  }
0xb4: {  	[tilespmem:s30], [sflag:$0x1] =	stream.indirect.gather @!p1 [hbm4b:s1+s13], $0x40, s17, s13, $0xb8;
	[tilespmem:$0x1CC80] =	vst v63  }
0xb5: {  	_ =	swait.ge [sflag:s25], $0x1000  }
0xb6: {  	[sflag:s25] =	ssyncset.done $0x0  }
0xb7: {  	s17 =	simm.s32 $0x0;
	[sflag:s25] =	ssyncadd.s32 $0xFFFFF000  }
0xb8: {  	v1 =	vld [tilespmem:s17+$0x1000];
	_ =	sdelay $0x4  }
0xb9: {  	s13 =	simm.s32 $0x1A8C0;
	v2 =	vunpack.i.l.bf16.f32 v1  }
0xba: {  	v1 =	vunpack.i.u.bf16.f32 v1;
	[tilespmem:s13+$0xFFFFFFC0] =	vst v2  }
0xbb: {  	[tilespmem:s13+$0xFFFFFFD0] =	vst v1  }
0xbc: {  	v1 =	vld [tilespmem:s17+$0x1010];
	_ =	sdelay $0x4  }
0xbd: {  	v2 =	vunpack.i.l.bf16.f32 v1  }
0xbe: {  	v1 =	vunpack.i.u.bf16.f32 v1;
	[tilespmem:s13+$0xFFFFFFE0] =	vst v2  }
0xbf: {  	[tilespmem:s13+$0xFFFFFFF0] =	vst v1  }
0xc0: {  	v1 =	vld [tilespmem:s17+$0x1020];
	_ =	sdelay $0x4  }
0xc1: {  	v2 =	vunpack.i.u.bf16.f32 v1  }
0xc2: {  	v1 =	vunpack.i.l.bf16.f32 v1;
	[tilespmem:s13+$0x10] =	vst v2  }
0xc3: {  	[tilespmem:s13+$0x0] =	vst v1  }
0xc4: {  	v1 =	vld [tilespmem:s17+$0x1030];
	_ =	sdelay $0x4  }
0xc5: {  	v2 =	vunpack.i.l.bf16.f32 v1  }
0xc6: {  	v1 =	vunpack.i.u.bf16.f32 v1;
	[tilespmem:s13+$0x20] =	vst v2  }
0xc7: {  	s29 =	simm.s32 $0x40;
	[tilespmem:s13+$0x30] =	vst v1  }
0xc8: {  	v1 =	vld [tilespmem:s29+$0x1000]  }
0xc9: {  	s30 =	simm.s32 $0x200  }
.LBB2_9:
0xca: {  	p2 =	sne.s32 s30, $0x3F00;
	_ =	sdelay $0x2  }
0xcb: {  	s13 =	sadd.s32 $0x90, s13;
	v2 =	vunpack.i.l.bf16.f32 v1  }
0xcc: {  	v1 =	vunpack.i.u.bf16.f32 v1;
	[tilespmem:s13+$0xFFFFFFC0] =	vst v2  }
0xcd: {  	[tilespmem:s13+$0xFFFFFFD0] =	vst v1  }
0xce: {  	v1 =	vld [tilespmem:s29+$0x1010];
	_ =	sdelay $0x4  }
0xcf: {  	v2 =	vunpack.i.l.bf16.f32 v1  }
0xd0: {  	v1 =	vunpack.i.u.bf16.f32 v1;
	[tilespmem:s13+$0xFFFFFFE0] =	vst v2  }
0xd1: {  	[tilespmem:s13+$0xFFFFFFF0] =	vst v1  }
0xd2: {  	v1 =	vld [tilespmem:s29+$0x1020];
	_ =	sdelay $0x4  }
0xd3: {  	v2 =	vunpack.i.u.bf16.f32 v1;
	v1 =	vunpack.i.l.bf16.f32 v1  }
0xd4: {  	[tilespmem:s13+$0x10] =	vst v2  }
0xd5: {  	[tilespmem:s13+$0x0] =	vst v1  }
0xd6: {  	v1 =	vld [tilespmem:s29+$0x1030];
	_ =	sdelay $0x4  }
.Ltmp5:
0xd7: {  	v2 =	vunpack.i.u.bf16.f32 v1;
	v1 =	vunpack.i.l.bf16.f32 v1;
	(pc) =	sbr.rel @p2 .LBB2_9-.Ltmp5, $4  }
0xd8: {  	[tilespmem:s13+$0x20] =	vst v1  }
0xd9: {  	s29 =	sshra.s32 s30, $0x2;
	[tilespmem:s13+$0x30] =	vst v2  }
0xda: {  	v1 =	vld [tilespmem:s29+$0x1000]  }
0xdb: {  	s30 =	sadd.s32 $0x100, s30  }
0xdc: {  	_ =	sdelay $0x2  }
0xdd: {  	s13 =	sadd.s32 $0x90, s13;
	v2 =	vunpack.i.l.bf16.f32 v1  }
0xde: {  	v1 =	vunpack.i.u.bf16.f32 v1;
	[tilespmem:s13+$0xFFFFFFC0] =	vst v2  }
0xdf: {  	[tilespmem:s13+$0xFFFFFFD0] =	vst v1  }
0xe0: {  	v1 =	vld [tilespmem:s29+$0x1010];
	_ =	sdelay $0x4  }
0xe1: {  	v2 =	vunpack.i.l.bf16.f32 v1  }
0xe2: {  	v1 =	vunpack.i.u.bf16.f32 v1;
	[tilespmem:s13+$0xFFFFFFE0] =	vst v2  }
0xe3: {  	[tilespmem:s13+$0xFFFFFFF0] =	vst v1  }
0xe4: {  	v1 =	vld [tilespmem:s29+$0x1020];
	_ =	sdelay $0x4  }
0xe5: {  	v2 =	vunpack.i.u.bf16.f32 v1  }
0xe6: {  	v1 =	vunpack.i.l.bf16.f32 v1;
	[tilespmem:s13+$0x10] =	vst v2  }
0xe7: {  	[tilespmem:s13+$0x0] =	vst v1  }
0xe8: {  	v1 =	vld [tilespmem:s29+$0x1030];
	_ =	sdelay $0x4  }
0xe9: {  	v2 =	vunpack.i.l.bf16.f32 v1  }
0xea: {  	v1 =	vunpack.i.u.bf16.f32 v1;
	[tilespmem:s13+$0x20] =	vst v2  }
.Ltmp6:
0xeb: {  	[tilespmem:s13+$0x30] =	vst v1;
	(pc) =	sbr.rel @p1 .LBB2_12-.Ltmp6, $4  }
0xec: {  	_ =	swait.ge [sflag:s26], $0x40  }
0xed: {  	[sflag:s26] =	ssyncset.done $0x0  }
0xee: {  	[sflag:s26] =	ssyncadd.s32 $0xFFFFFFC0  }
0xef: {  	[spmem:s2] =	stream.indirect.scatter.add.f32 [tilespmem:s28], [sflag:$0x4], $0x90, s14, s11, $0xb8;
	[tilespmem:$0x1CC80] =	vst v63  }
0xf0: {  	s10 =	sadd.s32 s10, s20  }
.Ltmp7:
0xf1: {  	s10 =	sshll.u32 s10, $0x6;
	(pc) =	sbr.rel .LBB2_6-.Ltmp7, $4  }
0xf2: {  	s10 =	sadd.s32 s6, s10  }
0xf3: {  	s10 =	sshrl.u32 s10, $0x3  }
0xf4: {  	s8 =	sadd.s32 $0x1, s8;
	s10 =	sadd.s32 s7, s10  }
0xf5: {  	[tilespmem:s12], [sflag:$0x6] =	stream.linear.gather [hbm4b:s10+s3], $0x40, $0x38;
	[tilespmem:$0x1CC80] =	vst v63  }
.LBB2_12:
0xf6: {  	s4 =	simm.s32 $0x3  }
0xf7: {  	_ =	swait.ge [sflag:s4], $0x2400  }
0xf8: {  	[sflag:s4] =	ssyncset.done $0x0  }
0xf9: {  	s8 =	simm.s32 $0x4;
	[sflag:s4] =	ssyncadd.s32 $0xFFFFDC00  }
0xfa: {  	_ =	swait.ge [sflag:s8], $0x2400  }
0xfb: {  	[sflag:s8] =	ssyncset.done $0x0  }
0xfc: {  	[sflag:s8] =	ssyncadd.s32 $0xFFFFDC00  }
0xfd: {  	[bflag:$0x0] =	sbarrier.arrive $0xFFFF  }
0xfe: {  	s4 =	rddreg [dreg:$0x17]  }
0xff: {  	s10 =	simm.s32 @p0 $0x12;
	s13 =	rddreg [dreg:$0xe];
	s17 =	sshrl.u32 @p0 s4, $0x3  }
0x100: {  	s8 =	simm.s32 @p0 $0x10;
	s4 =	simm.s32 @p0 $0x1;
	[dreg:$0x19] =	wrdreg s17  }
0x101: {  	[hbm:s13@s8], [sflag:s0] =	dma.strided @p0 [spmem:s17@s10], $0x2080, s4, $0x10   }
0x102: {  	s8 =	simm.s32 @p0 $0x9  }
0x103: {  	_ =	swait.ge @p0 [sflag:s8], $0x2080  }
0x104: {  	s13 =	rddreg [dreg:$0x18]  }
0x105: {  	[sflag:s8] =	ssyncset.done @p0 $0x0;
	s17 =	rddreg [dreg:$0xf];
	s29 =	sshrl.u32 @p0 s13, $0x3  }
0x106: {  	[sflag:s8] =	ssyncadd.s32 @p0 $0xFFFFDF80;
	s13 =	simm.s32 @p0 $0x2;
	[dreg:$0x1c] =	wrdreg s29  }
0x107: {  	[hbm:s17@s13], [sflag:s0] =	dma.strided @p0 [spmem:s29@s10], $0x410, s4, $0x2   }
0x108: {  	_ =	swait.ge @p0 [sflag:s8], $0x410  }
0x109: {  	s10 =	simm.s32 @!p0 $0x12;
	[sflag:s8] =	ssyncset.done @p0 $0x0;
	s4 =	rddreg [dreg:$0xd]  }
0x10a: {  	s13 =	rddreg [dreg:$0x8];
	[sflag:s8] =	ssyncadd.s32 @p0 $0xFFFFFBF0;
	s17 =	sshrl.u32 @!p0 s4, $0x3  }
0x10b: {  	s4 =	simm.s32 @!p0 $0x1;
	s8 =	simm.s32 @!p0 $0x10;
	[dreg:$0x1b] =	wrdreg s17  }
0x10c: {  	[hbm:s13@s8], [sflag:s0] =	dma.strided @!p0 [spmem:s17@s10], $0x2780, s4, $0x10   }
0x10d: {  	s8 =	simm.s32 @!p0 $0x9  }
0x10e: {  	_ =	swait.ge @!p0 [sflag:s8], $0x2780  }
0x10f: {  	s13 =	rddreg [dreg:$0x16]  }
0x110: {  	[sflag:s8] =	ssyncset.done @!p0 $0x0;
	s29 =	sshrl.u32 @!p0 s13, $0x3;
	s13 =	rddreg [dreg:$0xa]  }
0x111: {  	s17 =	simm.s32 @!p0 $0x2;
	[sflag:s8] =	ssyncadd.s32 @!p0 $0xFFFFD880;
	[dreg:$0x1d] =	wrdreg s29  }
0x112: {  	[hbm:s13@s17], [sflag:s0] =	dma.strided @!p0 [spmem:s29@s10], $0x4F0, s4, $0x2   }
0x113: {  	_ =	swait.ge @!p0 [sflag:s8], $0x4F0  }
0x114: {  	[sflag:s8] =	ssyncset.done @!p0 $0x0  }
0x115: {  	[sflag:s8] =	ssyncadd.s32 @!p0 $0xFFFFFB10  }
0x116: {  	[bflag:$0x0] =	sbarrier.arrive $0xFFFF  }
0x117: {  	s29 =	simm.s32 $0x0;
	s13 =	simm.s32 $0x18380;
	s10 =	rddreg [dreg:$0x10]  }
0x118: {  	[tilespmem:s13], [sflag:$0x5] =	stream.linear.gather [hbm4b:s10+s29], $0x40, $0x38;
	[tilespmem:$0x1CC80] =	vst v63  }
0x119: {  	s30 =	simm.s32 $0x5;
	s17 =	rddreg [dreg:$0x11]  }
0x11a: {  	[tilespmem:s9], [sflag:$0x7] =	stream.linear.gather [hbm4b:s17+s29], $0x40, $0x38;
	[tilespmem:$0x1CC80] =	vst v63  }
0x11b: {  	_ =	swait.ge [sflag:s30], $0x40  }
0x11c: {  	[sflag:s30] =	ssyncset.done $0x0;
	s10 =	rddreg [dreg:$0x12]  }
0x11d: {  	s17 =	rddreg [dreg:$0x1a];
	[sflag:s30] =	ssyncadd.s32 $0xFFFFFFC0  }
0x11e: {  	[tilespmem:s29], [sflag:$0x1] =	stream.indirect.gather [hbm4b:s1+s11], $0x40, s13, s11, $0xb8;
	[tilespmem:$0x1CC80] =	vst v63  }
0x11f: {  	s30 =	simm.s32 $0x9;
	s13 =	rddreg [dreg:$0x5]  }
0x120: {  	[tilespmem:s12], [sflag:$0x6] =	stream.linear.gather [hbm4b:s10+s29], $0x40, $0x38;
	[tilespmem:$0x1CC80] =	vst v63  }
0x121: {  	[spmem:s17], [sflag:s0] =	dma.local [hbm:s13], $0x2C70  }
0x122: {  	_ =	swait.ge [sflag:s30], $0x2C70  }
0x123: {  	[sflag:s30] =	ssyncset.done $0x0  }
0x124: {  	[sflag:s30] =	ssyncadd.s32 $0xFFFFD390  }
0x125: {  	s17 =	simm.s32 $0x0;
	[bflag:$0x0] =	sbarrier.arrive $0xFFFF  }
.LBB2_13:
0x126: {  	s30 =	sshll.u32 s17, $0x1  }
0x127: {  	p1 =	seq.s32 s17, $0x0;
	s4 =	sadd.s32 s30, s18  }
0x128: {  	s8 =	simm.s32 @!p1 $0x4;
	s4 =	sshll.u32 s4, $0x6  }
0x129: {  	_ =	swait.ge @!p1 [sflag:s8], $0x2400;
	s4 =	sadd.s32 s15, s4  }
0x12a: {  	[sflag:s8] =	ssyncset.done @!p1 $0x0;
	s4 =	sshrl.u32 s4, $0x3  }
0x12b: {  	[sflag:s8] =	ssyncadd.s32 @!p1 $0xFFFFDC00;
	s4 =	sadd.s32 s5, s4  }
0x12c: {  	[tilespmem:s14], [sflag:$0x8] =	stream.linear.gather [hbm4b:s4+s29], $0x40, $0x38;
	[tilespmem:$0x1CC80] =	vst v63  }
0x12d: {  	_ =	swait.ge [sflag:s16], $0x40  }
0x12e: {  	[sflag:s16] =	ssyncset.done $0x0  }
0x12f: {  	[sflag:s16] =	ssyncadd.s32 $0xFFFFFFC0  }
0x130: {  	[tilespmem:s21], [sflag:$0x2] =	stream.indirect.gather [hbm4b:s1+s11], $0x40, s12, s11, $0xb8;
	[tilespmem:$0x1CC80] =	vst v63  }
0x131: {  	_ =	swait.ge [sflag:s22], $0x1000  }
0x132: {  	[sflag:s22] =	ssyncset.done $0x0  }
0x133: {  	s13 =	simm.s32 $0x0;
	[sflag:s22] =	ssyncadd.s32 $0xFFFFF000  }
0x134: {  	v1 =	vld [tilespmem:s13+$0x0];
	_ =	sdelay $0x4  }
0x135: {  	s8 =	simm.s32 $0x184C0;
	v2 =	vunpack.i.l.bf16.f32 v1  }
0x136: {  	v1 =	vunpack.i.u.bf16.f32 v1;
	[tilespmem:s8+$0xFFFFFFC0] =	vst v2  }
0x137: {  	[tilespmem:s8+$0xFFFFFFD0] =	vst v1  }
0x138: {  	v1 =	vld [tilespmem:s13+$0x10];
	_ =	sdelay $0x4  }
0x139: {  	v2 =	vunpack.i.l.bf16.f32 v1  }
0x13a: {  	v1 =	vunpack.i.u.bf16.f32 v1;
	[tilespmem:s8+$0xFFFFFFE0] =	vst v2  }
0x13b: {  	[tilespmem:s8+$0xFFFFFFF0] =	vst v1  }
0x13c: {  	v1 =	vld [tilespmem:s13+$0x20];
	_ =	sdelay $0x4  }
0x13d: {  	v2 =	vunpack.i.u.bf16.f32 v1  }
0x13e: {  	v1 =	vunpack.i.l.bf16.f32 v1;
	[tilespmem:s8+$0x10] =	vst v2  }
0x13f: {  	[tilespmem:s8+$0x0] =	vst v1  }
0x140: {  	v1 =	vld [tilespmem:s13+$0x30];
	_ =	sdelay $0x4  }
0x141: {  	v2 =	vunpack.i.l.bf16.f32 v1  }
0x142: {  	v1 =	vunpack.i.u.bf16.f32 v1;
	[tilespmem:s8+$0x20] =	vst v2  }
0x143: {  	s4 =	simm.s32 $0x40;
	[tilespmem:s8+$0x30] =	vst v1  }
0x144: {  	v1 =	vld [tilespmem:s4+$0x0]  }
0x145: {  	s10 =	simm.s32 $0x200  }
.LBB2_14:
0x146: {  	p1 =	sne.s32 s10, $0x3F00;
	_ =	sdelay $0x2  }
0x147: {  	s8 =	sadd.s32 $0x90, s8;
	v2 =	vunpack.i.l.bf16.f32 v1  }
0x148: {  	v1 =	vunpack.i.u.bf16.f32 v1;
	[tilespmem:s8+$0xFFFFFFC0] =	vst v2  }
0x149: {  	[tilespmem:s8+$0xFFFFFFD0] =	vst v1  }
0x14a: {  	v1 =	vld [tilespmem:s4+$0x10];
	_ =	sdelay $0x4  }
0x14b: {  	v2 =	vunpack.i.l.bf16.f32 v1  }
0x14c: {  	v1 =	vunpack.i.u.bf16.f32 v1;
	[tilespmem:s8+$0xFFFFFFE0] =	vst v2  }
0x14d: {  	[tilespmem:s8+$0xFFFFFFF0] =	vst v1  }
0x14e: {  	v1 =	vld [tilespmem:s4+$0x20];
	_ =	sdelay $0x4  }
0x14f: {  	v2 =	vunpack.i.u.bf16.f32 v1;
	v1 =	vunpack.i.l.bf16.f32 v1  }
0x150: {  	[tilespmem:s8+$0x10] =	vst v2  }
0x151: {  	[tilespmem:s8+$0x0] =	vst v1  }
0x152: {  	v1 =	vld [tilespmem:s4+$0x30];
	_ =	sdelay $0x4  }
.Ltmp8:
0x153: {  	v2 =	vunpack.i.u.bf16.f32 v1;
	v1 =	vunpack.i.l.bf16.f32 v1;
	(pc) =	sbr.rel @p1 .LBB2_14-.Ltmp8, $4  }
0x154: {  	[tilespmem:s8+$0x20] =	vst v1  }
0x155: {  	s4 =	sshra.s32 s10, $0x2;
	[tilespmem:s8+$0x30] =	vst v2  }
0x156: {  	v1 =	vld [tilespmem:s4+$0x0]  }
0x157: {  	s10 =	sadd.s32 $0x100, s10  }
0x158: {  	_ =	sdelay $0x2  }
0x159: {  	s8 =	sadd.s32 $0x90, s8;
	v2 =	vunpack.i.l.bf16.f32 v1  }
0x15a: {  	v1 =	vunpack.i.u.bf16.f32 v1;
	[tilespmem:s8+$0xFFFFFFC0] =	vst v2  }
0x15b: {  	[tilespmem:s8+$0xFFFFFFD0] =	vst v1  }
0x15c: {  	v1 =	vld [tilespmem:s4+$0x10];
	_ =	sdelay $0x4  }
0x15d: {  	v2 =	vunpack.i.l.bf16.f32 v1  }
0x15e: {  	v1 =	vunpack.i.u.bf16.f32 v1;
	[tilespmem:s8+$0xFFFFFFE0] =	vst v2  }
0x15f: {  	[tilespmem:s8+$0xFFFFFFF0] =	vst v1  }
0x160: {  	v1 =	vld [tilespmem:s4+$0x20];
	_ =	sdelay $0x4  }
0x161: {  	v2 =	vunpack.i.u.bf16.f32 v1  }
0x162: {  	v1 =	vunpack.i.l.bf16.f32 v1;
	[tilespmem:s8+$0x10] =	vst v2  }
0x163: {  	[tilespmem:s8+$0x0] =	vst v1  }
0x164: {  	v1 =	vld [tilespmem:s4+$0x30];
	_ =	sdelay $0x4  }
0x165: {  	v2 =	vunpack.i.l.bf16.f32 v1  }
0x166: {  	p1 =	seq.s32 s17, $0x27;
	v1 =	vunpack.i.u.bf16.f32 v1;
	[tilespmem:s8+$0x20] =	vst v2  }
0x167: {  	s4 =	sadd.s32 @!p1 s30, s19;
	[tilespmem:s8+$0x30] =	vst v1  }
0x168: {  	s4 =	sshll.u32 @!p1 s4, $0x6;
	_ =	swait.ge [sflag:s23], $0x40  }
0x169: {  	s4 =	sadd.s32 @!p1 s15, s4;
	[sflag:s23] =	ssyncset.done $0x0  }
0x16a: {  	s4 =	sshrl.u32 @!p1 s4, $0x3;
	[sflag:s23] =	ssyncadd.s32 $0xFFFFFFC0  }
0x16b: {  	[spmem:s2] =	stream.indirect.scatter.add.f32 [tilespmem:s24], [sflag:$0x3], $0x90, s9, s11, $0xb8;
	[tilespmem:$0x1CC80] =	vst v63  }
0x16c: {  	s10 =	simm.s32 @!p1 $0x0;
	s13 =	simm.s32 @!p1 $0x18380;
	s8 =	sadd.s32 @!p1 s7, s4  }
0x16d: {  	[tilespmem:s13], [sflag:$0x5] =	stream.linear.gather @!p1 [hbm4b:s8+s10], $0x40, $0x38;
	[tilespmem:$0x1CC80] =	vst v63  }
0x16e: {  	s8 =	simm.s32 @!p1 $0x3  }
0x16f: {  	_ =	swait.ge @!p1 [sflag:s8], $0x2400  }
0x170: {  	[sflag:s8] =	ssyncset.done @!p1 $0x0  }
0x171: {  	s4 =	sadd.s32 @!p1 s5, s4;
	[sflag:s8] =	ssyncadd.s32 @!p1 $0xFFFFDC00;
	s8 =	simm.s32 @!p1 $0x18400  }
0x172: {  	[tilespmem:s8], [sflag:$0x7] =	stream.linear.gather @!p1 [hbm4b:s4+s10], $0x40, $0x38;
	[tilespmem:$0x1CC80] =	vst v63  }
0x173: {  	s4 =	simm.s32 @!p1 $0x5  }
0x174: {  	_ =	swait.ge @!p1 [sflag:s4], $0x40  }
0x175: {  	[sflag:s4] =	ssyncset.done @!p1 $0x0  }
0x176: {  	[sflag:s4] =	ssyncadd.s32 @!p1 $0xFFFFFFC0;
	s4 =	simm.s32 @!p1 $0x40  }
0x177: {  	[tilespmem:s10], [sflag:$0x1] =	stream.indirect.gather @!p1 [hbm4b:s1+s4], $0x40, s13, s4, $0xb8;
	[tilespmem:$0x1CC80] =	vst v63  }
0x178: {  	_ =	swait.ge [sflag:s25], $0x1000  }
0x179: {  	[sflag:s25] =	ssyncset.done $0x0  }
0x17a: {  	s13 =	simm.s32 $0x0;
	[sflag:s25] =	ssyncadd.s32 $0xFFFFF000  }
0x17b: {  	v1 =	vld [tilespmem:s13+$0x1000];
	_ =	sdelay $0x4  }
0x17c: {  	s8 =	simm.s32 $0x1A8C0;
	v2 =	vunpack.i.l.bf16.f32 v1  }
0x17d: {  	v1 =	vunpack.i.u.bf16.f32 v1;
	[tilespmem:s8+$0xFFFFFFC0] =	vst v2  }
0x17e: {  	[tilespmem:s8+$0xFFFFFFD0] =	vst v1  }
0x17f: {  	v1 =	vld [tilespmem:s13+$0x1010];
	_ =	sdelay $0x4  }
0x180: {  	v2 =	vunpack.i.l.bf16.f32 v1  }
0x181: {  	v1 =	vunpack.i.u.bf16.f32 v1;
	[tilespmem:s8+$0xFFFFFFE0] =	vst v2  }
0x182: {  	[tilespmem:s8+$0xFFFFFFF0] =	vst v1  }
0x183: {  	v1 =	vld [tilespmem:s13+$0x1020];
	_ =	sdelay $0x4  }
0x184: {  	v2 =	vunpack.i.u.bf16.f32 v1  }
0x185: {  	v1 =	vunpack.i.l.bf16.f32 v1;
	[tilespmem:s8+$0x10] =	vst v2  }
0x186: {  	[tilespmem:s8+$0x0] =	vst v1  }
0x187: {  	v1 =	vld [tilespmem:s13+$0x1030];
	_ =	sdelay $0x4  }
0x188: {  	v2 =	vunpack.i.l.bf16.f32 v1  }
0x189: {  	v1 =	vunpack.i.u.bf16.f32 v1;
	[tilespmem:s8+$0x20] =	vst v2  }
0x18a: {  	s4 =	simm.s32 $0x40;
	[tilespmem:s8+$0x30] =	vst v1  }
0x18b: {  	v1 =	vld [tilespmem:s4+$0x1000]  }
0x18c: {  	s10 =	simm.s32 $0x200  }
.LBB2_16:
0x18d: {  	p2 =	sne.s32 s10, $0x3F00;
	_ =	sdelay $0x2  }
0x18e: {  	s8 =	sadd.s32 $0x90, s8;
	v2 =	vunpack.i.l.bf16.f32 v1  }
0x18f: {  	v1 =	vunpack.i.u.bf16.f32 v1;
	[tilespmem:s8+$0xFFFFFFC0] =	vst v2  }
0x190: {  	[tilespmem:s8+$0xFFFFFFD0] =	vst v1  }
0x191: {  	v1 =	vld [tilespmem:s4+$0x1010];
	_ =	sdelay $0x4  }
0x192: {  	v2 =	vunpack.i.l.bf16.f32 v1  }
0x193: {  	v1 =	vunpack.i.u.bf16.f32 v1;
	[tilespmem:s8+$0xFFFFFFE0] =	vst v2  }
0x194: {  	[tilespmem:s8+$0xFFFFFFF0] =	vst v1  }
0x195: {  	v1 =	vld [tilespmem:s4+$0x1020];
	_ =	sdelay $0x4  }
0x196: {  	v2 =	vunpack.i.u.bf16.f32 v1;
	v1 =	vunpack.i.l.bf16.f32 v1  }
0x197: {  	[tilespmem:s8+$0x10] =	vst v2  }
0x198: {  	[tilespmem:s8+$0x0] =	vst v1  }
0x199: {  	v1 =	vld [tilespmem:s4+$0x1030];
	_ =	sdelay $0x4  }
.Ltmp9:
0x19a: {  	v2 =	vunpack.i.u.bf16.f32 v1;
	v1 =	vunpack.i.l.bf16.f32 v1;
	(pc) =	sbr.rel @p2 .LBB2_16-.Ltmp9, $4  }
0x19b: {  	[tilespmem:s8+$0x20] =	vst v1  }
0x19c: {  	s4 =	sshra.s32 s10, $0x2;
	[tilespmem:s8+$0x30] =	vst v2  }
0x19d: {  	v1 =	vld [tilespmem:s4+$0x1000]  }
0x19e: {  	s10 =	sadd.s32 $0x100, s10  }
0x19f: {  	_ =	sdelay $0x2  }
0x1a0: {  	s8 =	sadd.s32 $0x90, s8;
	v2 =	vunpack.i.l.bf16.f32 v1  }
0x1a1: {  	v1 =	vunpack.i.u.bf16.f32 v1;
	[tilespmem:s8+$0xFFFFFFC0] =	vst v2  }
0x1a2: {  	[tilespmem:s8+$0xFFFFFFD0] =	vst v1  }
0x1a3: {  	v1 =	vld [tilespmem:s4+$0x1010];
	_ =	sdelay $0x4  }
0x1a4: {  	v2 =	vunpack.i.l.bf16.f32 v1  }
0x1a5: {  	v1 =	vunpack.i.u.bf16.f32 v1;
	[tilespmem:s8+$0xFFFFFFE0] =	vst v2  }
0x1a6: {  	[tilespmem:s8+$0xFFFFFFF0] =	vst v1  }
0x1a7: {  	v1 =	vld [tilespmem:s4+$0x1020];
	_ =	sdelay $0x4  }
0x1a8: {  	v2 =	vunpack.i.u.bf16.f32 v1  }
0x1a9: {  	v1 =	vunpack.i.l.bf16.f32 v1;
	[tilespmem:s8+$0x10] =	vst v2  }
0x1aa: {  	[tilespmem:s8+$0x0] =	vst v1  }
0x1ab: {  	v1 =	vld [tilespmem:s4+$0x1030];
	_ =	sdelay $0x4  }
0x1ac: {  	v2 =	vunpack.i.l.bf16.f32 v1  }
0x1ad: {  	v1 =	vunpack.i.u.bf16.f32 v1;
	[tilespmem:s8+$0x20] =	vst v2  }
.Ltmp10:
0x1ae: {  	[tilespmem:s8+$0x30] =	vst v1;
	(pc) =	sbr.rel @p1 .LBB2_19-.Ltmp10, $4  }
0x1af: {  	_ =	swait.ge [sflag:s26], $0x40  }
0x1b0: {  	[sflag:s26] =	ssyncset.done $0x0  }
0x1b1: {  	[sflag:s26] =	ssyncadd.s32 $0xFFFFFFC0  }
0x1b2: {  	[spmem:s2] =	stream.indirect.scatter.add.f32 [tilespmem:s28], [sflag:$0x4], $0x90, s14, s11, $0xb8;
	[tilespmem:$0x1CC80] =	vst v63  }
0x1b3: {  	s4 =	sadd.s32 s30, s20  }
.Ltmp11:
0x1b4: {  	s4 =	sshll.u32 s4, $0x6;
	(pc) =	sbr.rel .LBB2_13-.Ltmp11, $4  }
0x1b5: {  	s4 =	sadd.s32 s15, s4  }
0x1b6: {  	s4 =	sshrl.u32 s4, $0x3  }
0x1b7: {  	s17 =	sadd.s32 $0x1, s17;
	s4 =	sadd.s32 s7, s4  }
0x1b8: {  	[tilespmem:s12], [sflag:$0x6] =	stream.linear.gather [hbm4b:s4+s3], $0x40, $0x38;
	[tilespmem:$0x1CC80] =	vst v63  }
.LBB2_20:
0x1b9: {  	_ =	sfence.sel $0x180000  }
0x1ba: {  	[bflag:$0x0] =	sbarrier.arrive $0xFFFF  }
0x1bb: {  	_ =	strace $0x90000047  }
0x1bc: {  	s0 =	stileid.u32;
	[bflag:$0x2] =	sbarrier.arrive $0xFFFF  }
0x1bd: {  	p0 =	sne.s32 s0, $0x0;
	s0 =	rddreg [dreg:$0x4]  }
0x1be: {  	s0 =	sadd.s32 @!p0 $0x100000, s0  }
0x1bf: {  	[sflag:s0] =	ssyncadd.tile.s32 @!p0 $0x1;
	_ =	shalt  }
.Lfunc_end2:
_tile_overlayer_lowered:
.L_overlay_start_2:
0x1c0: {  	(tag) =	ssettag $0x2  }
0x1c1: {  	s0 =	rddreg [dreg:$0x0];
	s2 =	stileid.u32  }
0x1c2: {  	s1 =	rddreg [dreg:$0x1];
	p0 =	sne.s32 s2, $0x0  }
0x1c3: {  	s3 =	rddreg [dreg:$0x2];
	[bflag:$0x3] =	sbarrier.arrive $0xFFFF;
	s2 =	simm.s32 @!p0 $0x1C09  }
0x1c4: {  	[timem:s3], [sflag:s2] =	dma.local @!p0 [hbm:s0], s1  }
0x1c5: {  	s0 =	simm.s32 @!p0 $0x9  }
0x1c6: {  	_ =	swait.ge @!p0 [sflag:s0], s1  }
0x1c7: {  	s1 =	ssub.s32 @!p0 $0x0, s1;
	[sflag:s0] =	ssyncset.done @!p0 $0x0  }
0x1c8: {  	[sflag:s0] =	ssyncadd.s32 @!p0 s1  }
0x1c9: {  	[bflag:$0x3] =	sbarrier.arrive $0xFFFF  }
0x1ca: {  	_ =	shalt  }

</sc_bundles>
